<compile_context>
chip_gen: v7x
topology: tpu7x:2x2x1
jax: 0.10.2.dev20260603
libtpu: 0.0.44.dev20260713+nightly
codegen_flags: <defaults>
</compile_context>

<pallas_src>
import functools

import jax
import jax.numpy as jnp
from jax import lax
from jax.experimental import pallas as pl
from jax.experimental.pallas import tpu as pltpu
from jax.experimental.pallas import tpu_sc as plsc

VOCAB = 100000
EMBED_DIM = 64
BATCH = 4096
HIST_LEN = 200

NC, NS = 2, 16
NW = NC * NS
B_PER_W = BATCH // NW
BB = 4
CHUNK = BB * HIST_LEN
N_CHUNKS = B_PER_W // BB
ROW_SPLITS = [(0, 128), (128, 72)]


def _make_embed():
    mesh = plsc.VectorSubcoreMesh(core_axis_name="c", subcore_axis_name="s")

    @functools.partial(
        pl.kernel,
        mesh=mesh,
        compiler_params=pltpu.CompilerParams(use_tc_tiling_on_sc=False),
        out_type=jax.ShapeDtypeStruct(
            (BATCH, HIST_LEN, EMBED_DIM), jnp.float32),
        scratch_types=[
            pltpu.VMEM((BB, HIST_LEN), jnp.int32),
            pltpu.VMEM((BB, HIST_LEN), jnp.int32),
            pltpu.VMEM((BB, HIST_LEN, EMBED_DIM), jnp.float32),
            pltpu.VMEM((BB, HIST_LEN, EMBED_DIM), jnp.float32),
            pltpu.SemaphoreType.DMA,
            pltpu.SemaphoreType.DMA,
            pltpu.SemaphoreType.DMA,
            pltpu.SemaphoreType.DMA,
        ],
    )
    def embed(x_hbm, table_hbm, out_hbm, idx0, idx1, rows0, rows1,
              g0, g1, o0, o1):
        wid = lax.axis_index("s") * NC + lax.axis_index("c")
        batch_base = wid * B_PER_W
        idx_v = (idx0, idx1)
        rows_v = (rows0, rows1)
        gsem = (g0, g1)
        osem = (o0, o1)

        def load_idx(c, b):
            bi = batch_base + c * BB
            pltpu.sync_copy(x_hbm.at[pl.ds(bi, BB)], idx_v[b])

        def start_gather(b):
            for r in range(BB):
                for off, ln in ROW_SPLITS:
                    pltpu.async_copy(
                        table_hbm.at[idx_v[b].at[r, pl.ds(off, ln)]],
                        rows_v[b].at[r, pl.ds(off, ln)],
                        gsem[b],
                    )

        def wait_gather(b):
            for r in range(BB):
                for off, ln in ROW_SPLITS:
                    pltpu.make_async_copy(
                        table_hbm.at[idx_v[b].at[r, pl.ds(off, ln)]],
                        rows_v[b].at[r, pl.ds(off, ln)],
                        gsem[b],
                    ).wait()

        def start_write(c, b):
            bi = batch_base + c * BB
            pltpu.async_copy(rows_v[b], out_hbm.at[pl.ds(bi, BB)], osem[b])

        def wait_write(b):
            pltpu.make_async_copy(
                rows_v[b], out_hbm.at[pl.ds(0, BB)], osem[b]
            ).wait()

        def step(c, b, do_wait_write, do_next_gather, do_prefetch):
            if do_next_gather:
                if do_wait_write:
                    wait_write(1 - b)
                start_gather(1 - b)
            wait_gather(b)
            start_write(c, b)
            if do_prefetch:
                load_idx(c + 2, b)

        load_idx(0, 0)
        start_gather(0)
        load_idx(1, 1)

        step(0, 0, False, True, True)
        step(1, 1, True, True, True)

        def interior(t, carry):
            step(2 * t, 0, True, True, True)
            step(2 * t + 1, 1, True, True, True)
            return carry

        lax.fori_loop(1, N_CHUNKS // 2 - 1, interior, 0)

        step(N_CHUNKS - 2, 0, True, True, False)
        step(N_CHUNKS - 1, 1, True, False, False)
        wait_write(0)
        wait_write(1)

    return embed


_embed = _make_embed()


def kernel(x, table):
    return _embed(x.astype(jnp.int32), table)

# --- scband reference (transcript-rebuilt; emitter-appended) ---
"""Pipeline reference for scband-text-embedding-83528523973247 (READ-ONLY COPY).

The authoritative reference and input builder live on the scoring server;
editing this copy changes nothing except your own understanding.
"""

import jax, jax.numpy as jnp
import numpy as np

VOCAB = 100000
EMBED_DIM = 64
BATCH = 4096
HIST_LEN = 200

def setup_inputs(seed: int = 0) -> dict:
    key = jax.random.key(seed)
    k1, k2 = jax.random.split(key)
    x = jax.random.randint(k1, (BATCH, HIST_LEN), 0, VOCAB, dtype=jnp.int64 if jax.config.jax_enable_x64 else jnp.int32)
    table = jax.random.normal(k2, (VOCAB, EMBED_DIM), dtype=jnp.float32)
    return {"x": x, "table": table}

def reference(x, table):
    # TextEmbedding forward with tknDropout=0.0 and embDropout=0.0 (p == 0 path):
    # pure embedding lookup (gather rows of pretrained table).
    out = jnp.take(table, x, axis=0)  # [B, L, D]
    return out

if __name__ == "__main__":
    import jax
    _d = setup_inputs()
    print(jax.jit(kernel)(*tuple(_d.values())))

</pallas_src>

<mosaic_0001>
#map = affine_map<(d0, d1) -> (0, 0)>
#map1 = affine_map<(d0, d1) -> (0, 0, 0)>
module attributes {stable_mosaic.version = 14 : i64} {
  func.func @embed(%arg0: i32, %arg1: i32, %arg2: memref<4096x200xi32, #tpu.memory_space<hbm>>, %arg3: memref<100000x64xf32, #tpu.memory_space<hbm>>, %arg4: memref<4096x200x64xf32, #tpu.memory_space<hbm>>, %arg5: memref<4x200xi32, #tpu.memory_space<vmem>>, %arg6: memref<4x200xi32, #tpu.memory_space<vmem>>, %arg7: memref<4x200x64xf32, #tpu.memory_space<vmem>>, %arg8: memref<4x200x64xf32, #tpu.memory_space<vmem>>, %arg9: memref<!tpu.dma_semaphore, #tpu.memory_space<semaphore_mem>>, %arg10: memref<!tpu.dma_semaphore, #tpu.memory_space<semaphore_mem>>, %arg11: memref<!tpu.dma_semaphore, #tpu.memory_space<semaphore_mem>>, %arg12: memref<!tpu.dma_semaphore, #tpu.memory_space<semaphore_mem>>) attributes {dimension_semantics = [#tpu.dimension_semantics<core_parallel>, #tpu.dimension_semantics<subcore_parallel>], iteration_bounds = array<i64: 2, 16>, scalar_prefetch = 0 : i64, scratch_operands = 8 : i64, tpu.core_type = #tpu.core_type<sc_vector_subcore>, window_params = [{transform_indices = #map}, {transform_indices = #map}, {transform_indices = #map1}]} {
    %mul3A = arith.constant 2 : i32
    %mul3A_0 = arith.muli %arg1, %mul3A : i32
    %add3A = arith.addi %mul3A_0, %arg0 : i32
    %mul3A_1 = arith.constant 128 : i32
    %mul3A_2 = arith.muli %add3A, %mul3A_1 : i32
    %add3A_3 = arith.constant 0 : i32
    %add3A_4 = arith.addi %mul3A_2, %add3A_3 : i32
    "tpu.region"() ({
      %run_scoped3A = tpu.sem_alloc : memref<!tpu.dma_semaphore, #tpu.memory_space<semaphore_mem>>
      %dma_start3A_846 = arith.constant 0 : i32
      %dma_start3A_847 = tpu.memref_slice %arg2[%add3A_4, %dma_start3A_846] : memref<4096x200xi32, #tpu.memory_space<hbm>> -> memref<4x200xi32, #tpu.memory_space<hbm>>
      %dma_start3A_848 = arith.constant 0 : i32
      %dma_start3A_849 = tpu.memref_slice %arg2[%add3A_4, %dma_start3A_848] : memref<4096x200xi32, #tpu.memory_space<hbm>> -> memref<4x200xi32, #tpu.memory_space<hbm>>
      tpu.enqueue_dma source(%dma_start3A_849 : memref<4x200xi32, #tpu.memory_space<hbm>>) target(%arg5 : memref<4x200xi32, #tpu.memory_space<vmem>>) target_semaphore(%run_scoped3A : memref<!tpu.dma_semaphore, #tpu.memory_space<semaphore_mem>>)
      %dma_wait3A_850 = arith.constant 0 : i32
      %dma_wait3A_851 = tpu.memref_slice %arg2[%add3A_4, %dma_wait3A_850] : memref<4096x200xi32, #tpu.memory_space<hbm>> -> memref<4x200xi32, #tpu.memory_space<hbm>>
      %dma_wait3A_852 = arith.constant 0 : i32
      %dma_wait3A_853 = tpu.memref_slice %arg2[%add3A_4, %dma_wait3A_852] : memref<4096x200xi32, #tpu.memory_space<hbm>> -> memref<4x200xi32, #tpu.memory_space<hbm>>
      tpu.wait_dma2 semaphore(%run_scoped3A : memref<!tpu.dma_semaphore, #tpu.memory_space<semaphore_mem>>) src(%dma_wait3A_853 : memref<4x200xi32, #tpu.memory_space<hbm>>) dst(%arg5 : memref<4x200xi32, #tpu.memory_space<vmem>>)
      tpu.yield
    }) : () -> ()
    %dma_start3A = arith.constant 0 : i32
    %dma_start3A_5 = arith.constant 0 : i32
    %dma_start3A_6 = arith.constant 0 : i32
    %dma_start3A_7 = arith.constant 0 : i32
    %dma_start3A_8 = tpu.memref_slice %arg7[%dma_start3A_5, %dma_start3A_6, %dma_start3A_7] : memref<4x200x64xf32, #tpu.memory_space<vmem>> -> memref<1x128x64xf32, #tpu.memory_space<vmem>>
    %dma_start3A_9 = tpu.memref_squeeze %dma_start3A_8 : memref<1x128x64xf32, #tpu.memory_space<vmem>> -> memref<128x64xf32, #tpu.memory_space<vmem>>
    %dma_start3A_10 = arith.constant 0 : i32
    %dma_start3A_11 = tpu.memref_slice %arg5[%dma_start3A, %dma_start3A_10] : memref<4x200xi32, #tpu.memory_space<vmem>> -> memref<1x128xi32, #tpu.memory_space<vmem>>
    %dma_start3A_12 = tpu.memref_squeeze %dma_start3A_11 : memref<1x128xi32, #tpu.memory_space<vmem>> -> memref<128xi32, #tpu.memory_space<vmem>>
    %dma_start3A_13 = arith.constant 0 : i32
    %dma_start3A_14 = arith.constant 0 : i32
    %dma_start3A_15 = tpu.memref_slice %arg3[%dma_start3A_13, %dma_start3A_14] : memref<100000x64xf32, #tpu.memory_space<hbm>> -> memref<100000x64xf32, #tpu.memory_space<hbm>>
    tpu.enqueue_indirect_dma source(%dma_start3A_15 : memref<100000x64xf32, #tpu.memory_space<hbm>>) target(%dma_start3A_9 : memref<128x64xf32, #tpu.memory_space<vmem>>) offsets(%dma_start3A_12 : memref<128xi32, #tpu.memory_space<vmem>>) semaphore(%arg9 : memref<!tpu.dma_semaphore, #tpu.memory_space<semaphore_mem>>)
    %dma_start3A_16 = arith.constant 0 : i32
    %dma_start3A_17 = arith.constant 0 : i32
    %dma_start3A_18 = arith.constant 128 : i32
    %dma_start3A_19 = arith.constant 0 : i32
    %dma_start3A_20 = tpu.memref_slice %arg7[%dma_start3A_17, %dma_start3A_18, %dma_start3A_19] : memref<4x200x64xf32, #tpu.memory_space<vmem>> -> memref<1x72x64xf32, #tpu.memory_space<vmem>>
    %dma_start3A_21 = tpu.memref_squeeze %dma_start3A_20 : memref<1x72x64xf32, #tpu.memory_space<vmem>> -> memref<72x64xf32, #tpu.memory_space<vmem>>
    %dma_start3A_22 = arith.constant 128 : i32
    %dma_start3A_23 = tpu.memref_slice %arg5[%dma_start3A_16, %dma_start3A_22] : memref<4x200xi32, #tpu.memory_space<vmem>> -> memref<1x72xi32, #tpu.memory_space<vmem>>
    %dma_start3A_24 = tpu.memref_squeeze %dma_start3A_23 : memref<1x72xi32, #tpu.memory_space<vmem>> -> memref<72xi32, #tpu.memory_space<vmem>>
    %dma_start3A_25 = arith.constant 0 : i32
    %dma_start3A_26 = arith.constant 0 : i32
    %dma_start3A_27 = tpu.memref_slice %arg3[%dma_start3A_25, %dma_start3A_26] : memref<100000x64xf32, #tpu.memory_space<hbm>> -> memref<100000x64xf32, #tpu.memory_space<hbm>>
    tpu.enqueue_indirect_dma source(%dma_start3A_27 : memref<100000x64xf32, #tpu.memory_space<hbm>>) target(%dma_start3A_21 : memref<72x64xf32, #tpu.memory_space<vmem>>) offsets(%dma_start3A_24 : memref<72xi32, #tpu.memory_space<vmem>>) semaphore(%arg9 : memref<!tpu.dma_semaphore, #tpu.memory_space<semaphore_mem>>)
    %dma_start3A_28 = arith.constant 1 : i32
    %dma_start3A_29 = arith.constant 1 : i32
    %dma_start3A_30 = arith.constant 0 : i32
    %dma_start3A_31 = arith.constant 0 : i32
    %dma_start3A_32 = tpu.memref_slice %arg7[%dma_start3A_29, %dma_start3A_30, %dma_start3A_31] : memref<4x200x64xf32, #tpu.memory_space<vmem>> -> memref<1x128x64xf32, #tpu.memory_space<vmem>>
    %dma_start3A_33 = tpu.memref_squeeze %dma_start3A_32 : memref<1x128x64xf32, #tpu.memory_space<vmem>> -> memref<128x64xf32, #tpu.memory_space<vmem>>
    %dma_start3A_34 = arith.constant 0 : i32
    %dma_start3A_35 = tpu.memref_slice %arg5[%dma_start3A_28, %dma_start3A_34] : memref<4x200xi32, #tpu.memory_space<vmem>> -> memref<1x128xi32, #tpu.memory_space<vmem>>
    %dma_start3A_36 = tpu.memref_squeeze %dma_start3A_35 : memref<1x128xi32, #tpu.memory_space<vmem>> -> memref<128xi32, #tpu.memory_space<vmem>>
    %dma_start3A_37 = arith.constant 0 : i32
    %dma_start3A_38 = arith.constant 0 : i32
    %dma_start3A_39 = tpu.memref_slice %arg3[%dma_start3A_37, %dma_start3A_38] : memref<100000x64xf32, #tpu.memory_space<hbm>> -> memref<100000x64xf32, #tpu.memory_space<hbm>>
    tpu.enqueue_indirect_dma source(%dma_start3A_39 : memref<100000x64xf32, #tpu.memory_space<hbm>>) target(%dma_start3A_33 : memref<128x64xf32, #tpu.memory_space<vmem>>) offsets(%dma_start3A_36 : memref<128xi32, #tpu.memory_space<vmem>>) semaphore(%arg9 : memref<!tpu.dma_semaphore, #tpu.memory_space<semaphore_mem>>)
    %dma_start3A_40 = arith.constant 1 : i32
    %dma_start3A_41 = arith.constant 1 : i32
    %dma_start3A_42 = arith.constant 128 : i32
    %dma_start3A_43 = arith.constant 0 : i32
    %dma_start3A_44 = tpu.memref_slice %arg7[%dma_start3A_41, %dma_start3A_42, %dma_start3A_43] : memref<4x200x64xf32, #tpu.memory_space<vmem>> -> memref<1x72x64xf32, #tpu.memory_space<vmem>>
    %dma_start3A_45 = tpu.memref_squeeze %dma_start3A_44 : memref<1x72x64xf32, #tpu.memory_space<vmem>> -> memref<72x64xf32, #tpu.memory_space<vmem>>
    %dma_start3A_46 = arith.constant 128 : i32
    %dma_start3A_47 = tpu.memref_slice %arg5[%dma_start3A_40, %dma_start3A_46] : memref<4x200xi32, #tpu.memory_space<vmem>> -> memref<1x72xi32, #tpu.memory_space<vmem>>
    %dma_start3A_48 = tpu.memref_squeeze %dma_start3A_47 : memref<1x72xi32, #tpu.memory_space<vmem>> -> memref<72xi32, #tpu.memory_space<vmem>>
    %dma_start3A_49 = arith.constant 0 : i32
    %dma_start3A_50 = arith.constant 0 : i32
    %dma_start3A_51 = tpu.memref_slice %arg3[%dma_start3A_49, %dma_start3A_50] : memref<100000x64xf32, #tpu.memory_space<hbm>> -> memref<100000x64xf32, #tpu.memory_space<hbm>>
    tpu.enqueue_indirect_dma source(%dma_start3A_51 : memref<100000x64xf32, #tpu.memory_space<hbm>>) target(%dma_start3A_45 : memref<72x64xf32, #tpu.memory_space<vmem>>) offsets(%dma_start3A_48 : memref<72xi32, #tpu.memory_space<vmem>>) semaphore(%arg9 : memref<!tpu.dma_semaphore, #tpu.memory_space<semaphore_mem>>)
    %dma_start3A_52 = arith.constant 2 : i32
    %dma_start3A_53 = arith.constant 2 : i32
    %dma_start3A_54 = arith.constant 0 : i32
    %dma_start3A_55 = arith.constant 0 : i32
    %dma_start3A_56 = tpu.memref_slice %arg7[%dma_start3A_53, %dma_start3A_54, %dma_start3A_55] : memref<4x200x64xf32, #tpu.memory_space<vmem>> -> memref<1x128x64xf32, #tpu.memory_space<vmem>>
    %dma_start3A_57 = tpu.memref_squeeze %dma_start3A_56 : memref<1x128x64xf32, #tpu.memory_space<vmem>> -> memref<128x64xf32, #tpu.memory_space<vmem>>
    %dma_start3A_58 = arith.constant 0 : i32
    %dma_start3A_59 = tpu.memref_slice %arg5[%dma_start3A_52, %dma_start3A_58] : memref<4x200xi32, #tpu.memory_space<vmem>> -> memref<1x128xi32, #tpu.memory_space<vmem>>
    %dma_start3A_60 = tpu.memref_squeeze %dma_start3A_59 : memref<1x128xi32, #tpu.memory_space<vmem>> -> memref<128xi32, #tpu.memory_space<vmem>>
    %dma_start3A_61 = arith.constant 0 : i32
    %dma_start3A_62 = arith.constant 0 : i32
    %dma_start3A_63 = tpu.memref_slice %arg3[%dma_start3A_61, %dma_start3A_62] : memref<100000x64xf32, #tpu.memory_space<hbm>> -> memref<100000x64xf32, #tpu.memory_space<hbm>>
    tpu.enqueue_indirect_dma source(%dma_start3A_63 : memref<100000x64xf32, #tpu.memory_space<hbm>>) target(%dma_start3A_57 : memref<128x64xf32, #tpu.memory_space<vmem>>) offsets(%dma_start3A_60 : memref<128xi32, #tpu.memory_space<vmem>>) semaphore(%arg9 : memref<!tpu.dma_semaphore, #tpu.memory_space<semaphore_mem>>)
    %dma_start3A_64 = arith.constant 2 : i32
    %dma_start3A_65 = arith.constant 2 : i32
    %dma_start3A_66 = arith.constant 128 : i32
    %dma_start3A_67 = arith.constant 0 : i32
    %dma_start3A_68 = tpu.memref_slice %arg7[%dma_start3A_65, %dma_start3A_66, %dma_start3A_67] : memref<4x200x64xf32, #tpu.memory_space<vmem>> -> memref<1x72x64xf32, #tpu.memory_space<vmem>>
    %dma_start3A_69 = tpu.memref_squeeze %dma_start3A_68 : memref<1x72x64xf32, #tpu.memory_space<vmem>> -> memref<72x64xf32, #tpu.memory_space<vmem>>
    %dma_start3A_70 = arith.constant 128 : i32
    %dma_start3A_71 = tpu.memref_slice %arg5[%dma_start3A_64, %dma_start3A_70] : memref<4x200xi32, #tpu.memory_space<vmem>> -> memref<1x72xi32, #tpu.memory_space<vmem>>
    %dma_start3A_72 = tpu.memref_squeeze %dma_start3A_71 : memref<1x72xi32, #tpu.memory_space<vmem>> -> memref<72xi32, #tpu.memory_space<vmem>>
    %dma_start3A_73 = arith.constant 0 : i32
    %dma_start3A_74 = arith.constant 0 : i32
    %dma_start3A_75 = tpu.memref_slice %arg3[%dma_start3A_73, %dma_start3A_74] : memref<100000x64xf32, #tpu.memory_space<hbm>> -> memref<100000x64xf32, #tpu.memory_space<hbm>>
    tpu.enqueue_indirect_dma source(%dma_start3A_75 : memref<100000x64xf32, #tpu.memory_space<hbm>>) target(%dma_start3A_69 : memref<72x64xf32, #tpu.memory_space<vmem>>) offsets(%dma_start3A_72 : memref<72xi32, #tpu.memory_space<vmem>>) semaphore(%arg9 : memref<!tpu.dma_semaphore, #tpu.memory_space<semaphore_mem>>)
    %dma_start3A_76 = arith.constant 3 : i32
    %dma_start3A_77 = arith.constant 3 : i32
    %dma_start3A_78 = arith.constant 0 : i32
    %dma_start3A_79 = arith.constant 0 : i32
    %dma_start3A_80 = tpu.memref_slice %arg7[%dma_start3A_77, %dma_start3A_78, %dma_start3A_79] : memref<4x200x64xf32, #tpu.memory_space<vmem>> -> memref<1x128x64xf32, #tpu.memory_space<vmem>>
    %dma_start3A_81 = tpu.memref_squeeze %dma_start3A_80 : memref<1x128x64xf32, #tpu.memory_space<vmem>> -> memref<128x64xf32, #tpu.memory_space<vmem>>
    %dma_start3A_82 = arith.constant 0 : i32
    %dma_start3A_83 = tpu.memref_slice %arg5[%dma_start3A_76, %dma_start3A_82] : memref<4x200xi32, #tpu.memory_space<vmem>> -> memref<1x128xi32, #tpu.memory_space<vmem>>
    %dma_start3A_84 = tpu.memref_squeeze %dma_start3A_83 : memref<1x128xi32, #tpu.memory_space<vmem>> -> memref<128xi32, #tpu.memory_space<vmem>>
    %dma_start3A_85 = arith.constant 0 : i32
    %dma_start3A_86 = arith.constant 0 : i32
    %dma_start3A_87 = tpu.memref_slice %arg3[%dma_start3A_85, %dma_start3A_86] : memref<100000x64xf32, #tpu.memory_space<hbm>> -> memref<100000x64xf32, #tpu.memory_space<hbm>>
    tpu.enqueue_indirect_dma source(%dma_start3A_87 : memref<100000x64xf32, #tpu.memory_space<hbm>>) target(%dma_start3A_81 : memref<128x64xf32, #tpu.memory_space<vmem>>) offsets(%dma_start3A_84 : memref<128xi32, #tpu.memory_space<vmem>>) semaphore(%arg9 : memref<!tpu.dma_semaphore, #tpu.memory_space<semaphore_mem>>)
    %dma_start3A_88 = arith.constant 3 : i32
    %dma_start3A_89 = arith.constant 3 : i32
    %dma_start3A_90 = arith.constant 128 : i32
    %dma_start3A_91 = arith.constant 0 : i32
    %dma_start3A_92 = tpu.memref_slice %arg7[%dma_start3A_89, %dma_start3A_90, %dma_start3A_91] : memref<4x200x64xf32, #tpu.memory_space<vmem>> -> memref<1x72x64xf32, #tpu.memory_space<vmem>>
    %dma_start3A_93 = tpu.memref_squeeze %dma_start3A_92 : memref<1x72x64xf32, #tpu.memory_space<vmem>> -> memref<72x64xf32, #tpu.memory_space<vmem>>
    %dma_start3A_94 = arith.constant 128 : i32
    %dma_start3A_95 = tpu.memref_slice %arg5[%dma_start3A_88, %dma_start3A_94] : memref<4x200xi32, #tpu.memory_space<vmem>> -> memref<1x72xi32, #tpu.memory_space<vmem>>
    %dma_start3A_96 = tpu.memref_squeeze %dma_start3A_95 : memref<1x72xi32, #tpu.memory_space<vmem>> -> memref<72xi32, #tpu.memory_space<vmem>>
    %dma_start3A_97 = arith.constant 0 : i32
    %dma_start3A_98 = arith.constant 0 : i32
    %dma_start3A_99 = tpu.memref_slice %arg3[%dma_start3A_97, %dma_start3A_98] : memref<100000x64xf32, #tpu.memory_space<hbm>> -> memref<100000x64xf32, #tpu.memory_space<hbm>>
    tpu.enqueue_indirect_dma source(%dma_start3A_99 : memref<100000x64xf32, #tpu.memory_space<hbm>>) target(%dma_start3A_93 : memref<72x64xf32, #tpu.memory_space<vmem>>) offsets(%dma_start3A_96 : memref<72xi32, #tpu.memory_space<vmem>>) semaphore(%arg9 : memref<!tpu.dma_semaphore, #tpu.memory_space<semaphore_mem>>)
    %add3A_100 = arith.constant 4 : i32
    %add3A_101 = arith.addi %mul3A_2, %add3A_100 : i32
    "tpu.region"() ({
      %run_scoped3A = tpu.sem_alloc : memref<!tpu.dma_semaphore, #tpu.memory_space<semaphore_mem>>
      %dma_start3A_846 = arith.constant 0 : i32
      %dma_start3A_847 = tpu.memref_slice %arg2[%add3A_101, %dma_start3A_846] : memref<4096x200xi32, #tpu.memory_space<hbm>> -> memref<4x200xi32, #tpu.memory_space<hbm>>
      %dma_start3A_848 = arith.constant 0 : i32
      %dma_start3A_849 = tpu.memref_slice %arg2[%add3A_101, %dma_start3A_848] : memref<4096x200xi32, #tpu.memory_space<hbm>> -> memref<4x200xi32, #tpu.memory_space<hbm>>
      tpu.enqueue_dma source(%dma_start3A_849 : memref<4x200xi32, #tpu.memory_space<hbm>>) target(%arg6 : memref<4x200xi32, #tpu.memory_space<vmem>>) target_semaphore(%run_scoped3A : memref<!tpu.dma_semaphore, #tpu.memory_space<semaphore_mem>>)
      %dma_wait3A_850 = arith.constant 0 : i32
      %dma_wait3A_851 = tpu.memref_slice %arg2[%add3A_101, %dma_wait3A_850] : memref<4096x200xi32, #tpu.memory_space<hbm>> -> memref<4x200xi32, #tpu.memory_space<hbm>>
      %dma_wait3A_852 = arith.constant 0 : i32
      %dma_wait3A_853 = tpu.memref_slice %arg2[%add3A_101, %dma_wait3A_852] : memref<4096x200xi32, #tpu.memory_space<hbm>> -> memref<4x200xi32, #tpu.memory_space<hbm>>
      tpu.wait_dma2 semaphore(%run_scoped3A : memref<!tpu.dma_semaphore, #tpu.memory_space<semaphore_mem>>) src(%dma_wait3A_853 : memref<4x200xi32, #tpu.memory_space<hbm>>) dst(%arg6 : memref<4x200xi32, #tpu.memory_space<vmem>>)
      tpu.yield
    }) : () -> ()
    %dma_start3A_102 = arith.constant 0 : i32
    %dma_start3A_103 = arith.constant 0 : i32
    %dma_start3A_104 = arith.constant 0 : i32
    %dma_start3A_105 = arith.constant 0 : i32
    %dma_start3A_106 = tpu.memref_slice %arg8[%dma_start3A_103, %dma_start3A_104, %dma_start3A_105] : memref<4x200x64xf32, #tpu.memory_space<vmem>> -> memref<1x128x64xf32, #tpu.memory_space<vmem>>
    %dma_start3A_107 = tpu.memref_squeeze %dma_start3A_106 : memref<1x128x64xf32, #tpu.memory_space<vmem>> -> memref<128x64xf32, #tpu.memory_space<vmem>>
    %dma_start3A_108 = arith.constant 0 : i32
    %dma_start3A_109 = tpu.memref_slice %arg6[%dma_start3A_102, %dma_start3A_108] : memref<4x200xi32, #tpu.memory_space<vmem>> -> memref<1x128xi32, #tpu.memory_space<vmem>>
    %dma_start3A_110 = tpu.memref_squeeze %dma_start3A_109 : memref<1x128xi32, #tpu.memory_space<vmem>> -> memref<128xi32, #tpu.memory_space<vmem>>
    %dma_start3A_111 = arith.constant 0 : i32
    %dma_start3A_112 = arith.constant 0 : i32
    %dma_start3A_113 = tpu.memref_slice %arg3[%dma_start3A_111, %dma_start3A_112] : memref<100000x64xf32, #tpu.memory_space<hbm>> -> memref<100000x64xf32, #tpu.memory_space<hbm>>
    tpu.enqueue_indirect_dma source(%dma_start3A_113 : memref<100000x64xf32, #tpu.memory_space<hbm>>) target(%dma_start3A_107 : memref<128x64xf32, #tpu.memory_space<vmem>>) offsets(%dma_start3A_110 : memref<128xi32, #tpu.memory_space<vmem>>) semaphore(%arg10 : memref<!tpu.dma_semaphore, #tpu.memory_space<semaphore_mem>>)
    %dma_start3A_114 = arith.constant 0 : i32
    %dma_start3A_115 = arith.constant 0 : i32
    %dma_start3A_116 = arith.constant 128 : i32
    %dma_start3A_117 = arith.constant 0 : i32
    %dma_start3A_118 = tpu.memref_slice %arg8[%dma_start3A_115, %dma_start3A_116, %dma_start3A_117] : memref<4x200x64xf32, #tpu.memory_space<vmem>> -> memref<1x72x64xf32, #tpu.memory_space<vmem>>
    %dma_start3A_119 = tpu.memref_squeeze %dma_start3A_118 : memref<1x72x64xf32, #tpu.memory_space<vmem>> -> memref<72x64xf32, #tpu.memory_space<vmem>>
    %dma_start3A_120 = arith.constant 128 : i32
    %dma_start3A_121 = tpu.memref_slice %arg6[%dma_start3A_114, %dma_start3A_120] : memref<4x200xi32, #tpu.memory_space<vmem>> -> memref<1x72xi32, #tpu.memory_space<vmem>>
    %dma_start3A_122 = tpu.memref_squeeze %dma_start3A_121 : memref<1x72xi32, #tpu.memory_space<vmem>> -> memref<72xi32, #tpu.memory_space<vmem>>
    %dma_start3A_123 = arith.constant 0 : i32
    %dma_start3A_124 = arith.constant 0 : i32
    %dma_start3A_125 = tpu.memref_slice %arg3[%dma_start3A_123, %dma_start3A_124] : memref<100000x64xf32, #tpu.memory_space<hbm>> -> memref<100000x64xf32, #tpu.memory_space<hbm>>
    tpu.enqueue_indirect_dma source(%dma_start3A_125 : memref<100000x64xf32, #tpu.memory_space<hbm>>) target(%dma_start3A_119 : memref<72x64xf32, #tpu.memory_space<vmem>>) offsets(%dma_start3A_122 : memref<72xi32, #tpu.memory_space<vmem>>) semaphore(%arg10 : memref<!tpu.dma_semaphore, #tpu.memory_space<semaphore_mem>>)
    %dma_start3A_126 = arith.constant 1 : i32
    %dma_start3A_127 = arith.constant 1 : i32
    %dma_start3A_128 = arith.constant 0 : i32
    %dma_start3A_129 = arith.constant 0 : i32
    %dma_start3A_130 = tpu.memref_slice %arg8[%dma_start3A_127, %dma_start3A_128, %dma_start3A_129] : memref<4x200x64xf32, #tpu.memory_space<vmem>> -> memref<1x128x64xf32, #tpu.memory_space<vmem>>
    %dma_start3A_131 = tpu.memref_squeeze %dma_start3A_130 : memref<1x128x64xf32, #tpu.memory_space<vmem>> -> memref<128x64xf32, #tpu.memory_space<vmem>>
    %dma_start3A_132 = arith.constant 0 : i32
    %dma_start3A_133 = tpu.memref_slice %arg6[%dma_start3A_126, %dma_start3A_132] : memref<4x200xi32, #tpu.memory_space<vmem>> -> memref<1x128xi32, #tpu.memory_space<vmem>>
    %dma_start3A_134 = tpu.memref_squeeze %dma_start3A_133 : memref<1x128xi32, #tpu.memory_space<vmem>> -> memref<128xi32, #tpu.memory_space<vmem>>
    %dma_start3A_135 = arith.constant 0 : i32
    %dma_start3A_136 = arith.constant 0 : i32
    %dma_start3A_137 = tpu.memref_slice %arg3[%dma_start3A_135, %dma_start3A_136] : memref<100000x64xf32, #tpu.memory_space<hbm>> -> memref<100000x64xf32, #tpu.memory_space<hbm>>
    tpu.enqueue_indirect_dma source(%dma_start3A_137 : memref<100000x64xf32, #tpu.memory_space<hbm>>) target(%dma_start3A_131 : memref<128x64xf32, #tpu.memory_space<vmem>>) offsets(%dma_start3A_134 : memref<128xi32, #tpu.memory_space<vmem>>) semaphore(%arg10 : memref<!tpu.dma_semaphore, #tpu.memory_space<semaphore_mem>>)
    %dma_start3A_138 = arith.constant 1 : i32
    %dma_start3A_139 = arith.constant 1 : i32
    %dma_start3A_140 = arith.constant 128 : i32
    %dma_start3A_141 = arith.constant 0 : i32
    %dma_start3A_142 = tpu.memref_slice %arg8[%dma_start3A_139, %dma_start3A_140, %dma_start3A_141] : memref<4x200x64xf32, #tpu.memory_space<vmem>> -> memref<1x72x64xf32, #tpu.memory_space<vmem>>
    %dma_start3A_143 = tpu.memref_squeeze %dma_start3A_142 : memref<1x72x64xf32, #tpu.memory_space<vmem>> -> memref<72x64xf32, #tpu.memory_space<vmem>>
    %dma_start3A_144 = arith.constant 128 : i32
    %dma_start3A_145 = tpu.memref_slice %arg6[%dma_start3A_138, %dma_start3A_144] : memref<4x200xi32, #tpu.memory_space<vmem>> -> memref<1x72xi32, #tpu.memory_space<vmem>>
    %dma_start3A_146 = tpu.memref_squeeze %dma_start3A_145 : memref<1x72xi32, #tpu.memory_space<vmem>> -> memref<72xi32, #tpu.memory_space<vmem>>
    %dma_start3A_147 = arith.constant 0 : i32
    %dma_start3A_148 = arith.constant 0 : i32
    %dma_start3A_149 = tpu.memref_slice %arg3[%dma_start3A_147, %dma_start3A_148] : memref<100000x64xf32, #tpu.memory_space<hbm>> -> memref<100000x64xf32, #tpu.memory_space<hbm>>
    tpu.enqueue_indirect_dma source(%dma_start3A_149 : memref<100000x64xf32, #tpu.memory_space<hbm>>) target(%dma_start3A_143 : memref<72x64xf32, #tpu.memory_space<vmem>>) offsets(%dma_start3A_146 : memref<72xi32, #tpu.memory_space<vmem>>) semaphore(%arg10 : memref<!tpu.dma_semaphore, #tpu.memory_space<semaphore_mem>>)
    %dma_start3A_150 = arith.constant 2 : i32
    %dma_start3A_151 = arith.constant 2 : i32
    %dma_start3A_152 = arith.constant 0 : i32
    %dma_start3A_153 = arith.constant 0 : i32
    %dma_start3A_154 = tpu.memref_slice %arg8[%dma_start3A_151, %dma_start3A_152, %dma_start3A_153] : memref<4x200x64xf32, #tpu.memory_space<vmem>> -> memref<1x128x64xf32, #tpu.memory_space<vmem>>
    %dma_start3A_155 = tpu.memref_squeeze %dma_start3A_154 : memref<1x128x64xf32, #tpu.memory_space<vmem>> -> memref<128x64xf32, #tpu.memory_space<vmem>>
    %dma_start3A_156 = arith.constant 0 : i32
    %dma_start3A_157 = tpu.memref_slice %arg6[%dma_start3A_150, %dma_start3A_156] : memref<4x200xi32, #tpu.memory_space<vmem>> -> memref<1x128xi32, #tpu.memory_space<vmem>>
    %dma_start3A_158 = tpu.memref_squeeze %dma_start3A_157 : memref<1x128xi32, #tpu.memory_space<vmem>> -> memref<128xi32, #tpu.memory_space<vmem>>
    %dma_start3A_159 = arith.constant 0 : i32
    %dma_start3A_160 = arith.constant 0 : i32
    %dma_start3A_161 = tpu.memref_slice %arg3[%dma_start3A_159, %dma_start3A_160] : memref<100000x64xf32, #tpu.memory_space<hbm>> -> memref<100000x64xf32, #tpu.memory_space<hbm>>
    tpu.enqueue_indirect_dma source(%dma_start3A_161 : memref<100000x64xf32, #tpu.memory_space<hbm>>) target(%dma_start3A_155 : memref<128x64xf32, #tpu.memory_space<vmem>>) offsets(%dma_start3A_158 : memref<128xi32, #tpu.memory_space<vmem>>) semaphore(%arg10 : memref<!tpu.dma_semaphore, #tpu.memory_space<semaphore_mem>>)
    %dma_start3A_162 = arith.constant 2 : i32
    %dma_start3A_163 = arith.constant 2 : i32
    %dma_start3A_164 = arith.constant 128 : i32
    %dma_start3A_165 = arith.constant 0 : i32
    %dma_start3A_166 = tpu.memref_slice %arg8[%dma_start3A_163, %dma_start3A_164, %dma_start3A_165] : memref<4x200x64xf32, #tpu.memory_space<vmem>> -> memref<1x72x64xf32, #tpu.memory_space<vmem>>
    %dma_start3A_167 = tpu.memref_squeeze %dma_start3A_166 : memref<1x72x64xf32, #tpu.memory_space<vmem>> -> memref<72x64xf32, #tpu.memory_space<vmem>>
    %dma_start3A_168 = arith.constant 128 : i32
    %dma_start3A_169 = tpu.memref_slice %arg6[%dma_start3A_162, %dma_start3A_168] : memref<4x200xi32, #tpu.memory_space<vmem>> -> memref<1x72xi32, #tpu.memory_space<vmem>>
    %dma_start3A_170 = tpu.memref_squeeze %dma_start3A_169 : memref<1x72xi32, #tpu.memory_space<vmem>> -> memref<72xi32, #tpu.memory_space<vmem>>
    %dma_start3A_171 = arith.constant 0 : i32
    %dma_start3A_172 = arith.constant 0 : i32
    %dma_start3A_173 = tpu.memref_slice %arg3[%dma_start3A_171, %dma_start3A_172] : memref<100000x64xf32, #tpu.memory_space<hbm>> -> memref<100000x64xf32, #tpu.memory_space<hbm>>
    tpu.enqueue_indirect_dma source(%dma_start3A_173 : memref<100000x64xf32, #tpu.memory_space<hbm>>) target(%dma_start3A_167 : memref<72x64xf32, #tpu.memory_space<vmem>>) offsets(%dma_start3A_170 : memref<72xi32, #tpu.memory_space<vmem>>) semaphore(%arg10 : memref<!tpu.dma_semaphore, #tpu.memory_space<semaphore_mem>>)
    %dma_start3A_174 = arith.constant 3 : i32
    %dma_start3A_175 = arith.constant 3 : i32
    %dma_start3A_176 = arith.constant 0 : i32
    %dma_start3A_177 = arith.constant 0 : i32
    %dma_start3A_178 = tpu.memref_slice %arg8[%dma_start3A_175, %dma_start3A_176, %dma_start3A_177] : memref<4x200x64xf32, #tpu.memory_space<vmem>> -> memref<1x128x64xf32, #tpu.memory_space<vmem>>
    %dma_start3A_179 = tpu.memref_squeeze %dma_start3A_178 : memref<1x128x64xf32, #tpu.memory_space<vmem>> -> memref<128x64xf32, #tpu.memory_space<vmem>>
    %dma_start3A_180 = arith.constant 0 : i32
    %dma_start3A_181 = tpu.memref_slice %arg6[%dma_start3A_174, %dma_start3A_180] : memref<4x200xi32, #tpu.memory_space<vmem>> -> memref<1x128xi32, #tpu.memory_space<vmem>>
    %dma_start3A_182 = tpu.memref_squeeze %dma_start3A_181 : memref<1x128xi32, #tpu.memory_space<vmem>> -> memref<128xi32, #tpu.memory_space<vmem>>
    %dma_start3A_183 = arith.constant 0 : i32
    %dma_start3A_184 = arith.constant 0 : i32
    %dma_start3A_185 = tpu.memref_slice %arg3[%dma_start3A_183, %dma_start3A_184] : memref<100000x64xf32, #tpu.memory_space<hbm>> -> memref<100000x64xf32, #tpu.memory_space<hbm>>
    tpu.enqueue_indirect_dma source(%dma_start3A_185 : memref<100000x64xf32, #tpu.memory_space<hbm>>) target(%dma_start3A_179 : memref<128x64xf32, #tpu.memory_space<vmem>>) offsets(%dma_start3A_182 : memref<128xi32, #tpu.memory_space<vmem>>) semaphore(%arg10 : memref<!tpu.dma_semaphore, #tpu.memory_space<semaphore_mem>>)
    %dma_start3A_186 = arith.constant 3 : i32
    %dma_start3A_187 = arith.constant 3 : i32
    %dma_start3A_188 = arith.constant 128 : i32
    %dma_start3A_189 = arith.constant 0 : i32
    %dma_start3A_190 = tpu.memref_slice %arg8[%dma_start3A_187, %dma_start3A_188, %dma_start3A_189] : memref<4x200x64xf32, #tpu.memory_space<vmem>> -> memref<1x72x64xf32, #tpu.memory_space<vmem>>
    %dma_start3A_191 = tpu.memref_squeeze %dma_start3A_190 : memref<1x72x64xf32, #tpu.memory_space<vmem>> -> memref<72x64xf32, #tpu.memory_space<vmem>>
    %dma_start3A_192 = arith.constant 128 : i32
    %dma_start3A_193 = tpu.memref_slice %arg6[%dma_start3A_186, %dma_start3A_192] : memref<4x200xi32, #tpu.memory_space<vmem>> -> memref<1x72xi32, #tpu.memory_space<vmem>>
    %dma_start3A_194 = tpu.memref_squeeze %dma_start3A_193 : memref<1x72xi32, #tpu.memory_space<vmem>> -> memref<72xi32, #tpu.memory_space<vmem>>
    %dma_start3A_195 = arith.constant 0 : i32
    %dma_start3A_196 = arith.constant 0 : i32
    %dma_start3A_197 = tpu.memref_slice %arg3[%dma_start3A_195, %dma_start3A_196] : memref<100000x64xf32, #tpu.memory_space<hbm>> -> memref<100000x64xf32, #tpu.memory_space<hbm>>
    tpu.enqueue_indirect_dma source(%dma_start3A_197 : memref<100000x64xf32, #tpu.memory_space<hbm>>) target(%dma_start3A_191 : memref<72x64xf32, #tpu.memory_space<vmem>>) offsets(%dma_start3A_194 : memref<72xi32, #tpu.memory_space<vmem>>) semaphore(%arg10 : memref<!tpu.dma_semaphore, #tpu.memory_space<semaphore_mem>>)
    %dma_wait3A = arith.constant 0 : i32
    %dma_wait3A_198 = arith.constant 0 : i32
    %dma_wait3A_199 = arith.constant 0 : i32
    %dma_wait3A_200 = arith.constant 0 : i32
    %dma_wait3A_201 = tpu.memref_slice %arg7[%dma_wait3A_198, %dma_wait3A_199, %dma_wait3A_200] : memref<4x200x64xf32, #tpu.memory_space<vmem>> -> memref<1x128x64xf32, #tpu.memory_space<vmem>>
    %dma_wait3A_202 = tpu.memref_squeeze %dma_wait3A_201 : memref<1x128x64xf32, #tpu.memory_space<vmem>> -> memref<128x64xf32, #tpu.memory_space<vmem>>
    %dma_wait3A_203 = arith.constant 0 : i32
    %dma_wait3A_204 = tpu.memref_slice %arg5[%dma_wait3A, %dma_wait3A_203] : memref<4x200xi32, #tpu.memory_space<vmem>> -> memref<1x128xi32, #tpu.memory_space<vmem>>
    %dma_wait3A_205 = tpu.memref_squeeze %dma_wait3A_204 : memref<1x128xi32, #tpu.memory_space<vmem>> -> memref<128xi32, #tpu.memory_space<vmem>>
    %dma_wait3A_206 = arith.constant 0 : i32
    %dma_wait3A_207 = arith.constant 0 : i32
    %dma_wait3A_208 = tpu.memref_slice %arg3[%dma_wait3A_206, %dma_wait3A_207] : memref<100000x64xf32, #tpu.memory_space<hbm>> -> memref<100000x64xf32, #tpu.memory_space<hbm>>
    tpu.wait_indirect_dma semaphore(%arg9 : memref<!tpu.dma_semaphore, #tpu.memory_space<semaphore_mem>>) src(%dma_wait3A_208 : memref<100000x64xf32, #tpu.memory_space<hbm>>) dst(%dma_wait3A_202 : memref<128x64xf32, #tpu.memory_space<vmem>>)
    %dma_wait3A_209 = arith.constant 0 : i32
    %dma_wait3A_210 = arith.constant 0 : i32
    %dma_wait3A_211 = arith.constant 128 : i32
    %dma_wait3A_212 = arith.constant 0 : i32
    %dma_wait3A_213 = tpu.memref_slice %arg7[%dma_wait3A_210, %dma_wait3A_211, %dma_wait3A_212] : memref<4x200x64xf32, #tpu.memory_space<vmem>> -> memref<1x72x64xf32, #tpu.memory_space<vmem>>
    %dma_wait3A_214 = tpu.memref_squeeze %dma_wait3A_213 : memref<1x72x64xf32, #tpu.memory_space<vmem>> -> memref<72x64xf32, #tpu.memory_space<vmem>>
    %dma_wait3A_215 = arith.constant 128 : i32
    %dma_wait3A_216 = tpu.memref_slice %arg5[%dma_wait3A_209, %dma_wait3A_215] : memref<4x200xi32, #tpu.memory_space<vmem>> -> memref<1x72xi32, #tpu.memory_space<vmem>>
    %dma_wait3A_217 = tpu.memref_squeeze %dma_wait3A_216 : memref<1x72xi32, #tpu.memory_space<vmem>> -> memref<72xi32, #tpu.memory_space<vmem>>
    %dma_wait3A_218 = arith.constant 0 : i32
    %dma_wait3A_219 = arith.constant 0 : i32
    %dma_wait3A_220 = tpu.memref_slice %arg3[%dma_wait3A_218, %dma_wait3A_219] : memref<100000x64xf32, #tpu.memory_space<hbm>> -> memref<100000x64xf32, #tpu.memory_space<hbm>>
    tpu.wait_indirect_dma semaphore(%arg9 : memref<!tpu.dma_semaphore, #tpu.memory_space<semaphore_mem>>) src(%dma_wait3A_220 : memref<100000x64xf32, #tpu.memory_space<hbm>>) dst(%dma_wait3A_214 : memref<72x64xf32, #tpu.memory_space<vmem>>)
    %dma_wait3A_221 = arith.constant 1 : i32
    %dma_wait3A_222 = arith.constant 1 : i32
    %dma_wait3A_223 = arith.constant 0 : i32
    %dma_wait3A_224 = arith.constant 0 : i32
    %dma_wait3A_225 = tpu.memref_slice %arg7[%dma_wait3A_222, %dma_wait3A_223, %dma_wait3A_224] : memref<4x200x64xf32, #tpu.memory_space<vmem>> -> memref<1x128x64xf32, #tpu.memory_space<vmem>>
    %dma_wait3A_226 = tpu.memref_squeeze %dma_wait3A_225 : memref<1x128x64xf32, #tpu.memory_space<vmem>> -> memref<128x64xf32, #tpu.memory_space<vmem>>
    %dma_wait3A_227 = arith.constant 0 : i32
    %dma_wait3A_228 = tpu.memref_slice %arg5[%dma_wait3A_221, %dma_wait3A_227] : memref<4x200xi32, #tpu.memory_space<vmem>> -> memref<1x128xi32, #tpu.memory_space<vmem>>
    %dma_wait3A_229 = tpu.memref_squeeze %dma_wait3A_228 : memref<1x128xi32, #tpu.memory_space<vmem>> -> memref<128xi32, #tpu.memory_space<vmem>>
    %dma_wait3A_230 = arith.constant 0 : i32
    %dma_wait3A_231 = arith.constant 0 : i32
    %dma_wait3A_232 = tpu.memref_slice %arg3[%dma_wait3A_230, %dma_wait3A_231] : memref<100000x64xf32, #tpu.memory_space<hbm>> -> memref<100000x64xf32, #tpu.memory_space<hbm>>
    tpu.wait_indirect_dma semaphore(%arg9 : memref<!tpu.dma_semaphore, #tpu.memory_space<semaphore_mem>>) src(%dma_wait3A_232 : memref<100000x64xf32, #tpu.memory_space<hbm>>) dst(%dma_wait3A_226 : memref<128x64xf32, #tpu.memory_space<vmem>>)
    %dma_wait3A_233 = arith.constant 1 : i32
    %dma_wait3A_234 = arith.constant 1 : i32
    %dma_wait3A_235 = arith.constant 128 : i32
    %dma_wait3A_236 = arith.constant 0 : i32
    %dma_wait3A_237 = tpu.memref_slice %arg7[%dma_wait3A_234, %dma_wait3A_235, %dma_wait3A_236] : memref<4x200x64xf32, #tpu.memory_space<vmem>> -> memref<1x72x64xf32, #tpu.memory_space<vmem>>
    %dma_wait3A_238 = tpu.memref_squeeze %dma_wait3A_237 : memref<1x72x64xf32, #tpu.memory_space<vmem>> -> memref<72x64xf32, #tpu.memory_space<vmem>>
    %dma_wait3A_239 = arith.constant 128 : i32
    %dma_wait3A_240 = tpu.memref_slice %arg5[%dma_wait3A_233, %dma_wait3A_239] : memref<4x200xi32, #tpu.memory_space<vmem>> -> memref<1x72xi32, #tpu.memory_space<vmem>>
    %dma_wait3A_241 = tpu.memref_squeeze %dma_wait3A_240 : memref<1x72xi32, #tpu.memory_space<vmem>> -> memref<72xi32, #tpu.memory_space<vmem>>
    %dma_wait3A_242 = arith.constant 0 : i32
    %dma_wait3A_243 = arith.constant 0 : i32
    %dma_wait3A_244 = tpu.memref_slice %arg3[%dma_wait3A_242, %dma_wait3A_243] : memref<100000x64xf32, #tpu.memory_space<hbm>> -> memref<100000x64xf32, #tpu.memory_space<hbm>>
    tpu.wait_indirect_dma semaphore(%arg9 : memref<!tpu.dma_semaphore, #tpu.memory_space<semaphore_mem>>) src(%dma_wait3A_244 : memref<100000x64xf32, #tpu.memory_space<hbm>>) dst(%dma_wait3A_238 : memref<72x64xf32, #tpu.memory_space<vmem>>)
    %dma_wait3A_245 = arith.constant 2 : i32
    %dma_wait3A_246 = arith.constant 2 : i32
    %dma_wait3A_247 = arith.constant 0 : i32
    %dma_wait3A_248 = arith.constant 0 : i32
    %dma_wait3A_249 = tpu.memref_slice %arg7[%dma_wait3A_246, %dma_wait3A_247, %dma_wait3A_248] : memref<4x200x64xf32, #tpu.memory_space<vmem>> -> memref<1x128x64xf32, #tpu.memory_space<vmem>>
    %dma_wait3A_250 = tpu.memref_squeeze %dma_wait3A_249 : memref<1x128x64xf32, #tpu.memory_space<vmem>> -> memref<128x64xf32, #tpu.memory_space<vmem>>
    %dma_wait3A_251 = arith.constant 0 : i32
    %dma_wait3A_252 = tpu.memref_slice %arg5[%dma_wait3A_245, %dma_wait3A_251] : memref<4x200xi32, #tpu.memory_space<vmem>> -> memref<1x128xi32, #tpu.memory_space<vmem>>
    %dma_wait3A_253 = tpu.memref_squeeze %dma_wait3A_252 : memref<1x128xi32, #tpu.memory_space<vmem>> -> memref<128xi32, #tpu.memory_space<vmem>>
    %dma_wait3A_254 = arith.constant 0 : i32
    %dma_wait3A_255 = arith.constant 0 : i32
    %dma_wait3A_256 = tpu.memref_slice %arg3[%dma_wait3A_254, %dma_wait3A_255] : memref<100000x64xf32, #tpu.memory_space<hbm>> -> memref<100000x64xf32, #tpu.memory_space<hbm>>
    tpu.wait_indirect_dma semaphore(%arg9 : memref<!tpu.dma_semaphore, #tpu.memory_space<semaphore_mem>>) src(%dma_wait3A_256 : memref<100000x64xf32, #tpu.memory_space<hbm>>) dst(%dma_wait3A_250 : memref<128x64xf32, #tpu.memory_space<vmem>>)
    %dma_wait3A_257 = arith.constant 2 : i32
    %dma_wait3A_258 = arith.constant 2 : i32
    %dma_wait3A_259 = arith.constant 128 : i32
    %dma_wait3A_260 = arith.constant 0 : i32
    %dma_wait3A_261 = tpu.memref_slice %arg7[%dma_wait3A_258, %dma_wait3A_259, %dma_wait3A_260] : memref<4x200x64xf32, #tpu.memory_space<vmem>> -> memref<1x72x64xf32, #tpu.memory_space<vmem>>
    %dma_wait3A_262 = tpu.memref_squeeze %dma_wait3A_261 : memref<1x72x64xf32, #tpu.memory_space<vmem>> -> memref<72x64xf32, #tpu.memory_space<vmem>>
    %dma_wait3A_263 = arith.constant 128 : i32
    %dma_wait3A_264 = tpu.memref_slice %arg5[%dma_wait3A_257, %dma_wait3A_263] : memref<4x200xi32, #tpu.memory_space<vmem>> -> memref<1x72xi32, #tpu.memory_space<vmem>>
    %dma_wait3A_265 = tpu.memref_squeeze %dma_wait3A_264 : memref<1x72xi32, #tpu.memory_space<vmem>> -> memref<72xi32, #tpu.memory_space<vmem>>
    %dma_wait3A_266 = arith.constant 0 : i32
    %dma_wait3A_267 = arith.constant 0 : i32
    %dma_wait3A_268 = tpu.memref_slice %arg3[%dma_wait3A_266, %dma_wait3A_267] : memref<100000x64xf32, #tpu.memory_space<hbm>> -> memref<100000x64xf32, #tpu.memory_space<hbm>>
    tpu.wait_indirect_dma semaphore(%arg9 : memref<!tpu.dma_semaphore, #tpu.memory_space<semaphore_mem>>) src(%dma_wait3A_268 : memref<100000x64xf32, #tpu.memory_space<hbm>>) dst(%dma_wait3A_262 : memref<72x64xf32, #tpu.memory_space<vmem>>)
    %dma_wait3A_269 = arith.constant 3 : i32
    %dma_wait3A_270 = arith.constant 3 : i32
    %dma_wait3A_271 = arith.constant 0 : i32
    %dma_wait3A_272 = arith.constant 0 : i32
    %dma_wait3A_273 = tpu.memref_slice %arg7[%dma_wait3A_270, %dma_wait3A_271, %dma_wait3A_272] : memref<4x200x64xf32, #tpu.memory_space<vmem>> -> memref<1x128x64xf32, #tpu.memory_space<vmem>>
    %dma_wait3A_274 = tpu.memref_squeeze %dma_wait3A_273 : memref<1x128x64xf32, #tpu.memory_space<vmem>> -> memref<128x64xf32, #tpu.memory_space<vmem>>
    %dma_wait3A_275 = arith.constant 0 : i32
    %dma_wait3A_276 = tpu.memref_slice %arg5[%dma_wait3A_269, %dma_wait3A_275] : memref<4x200xi32, #tpu.memory_space<vmem>> -> memref<1x128xi32, #tpu.memory_space<vmem>>
    %dma_wait3A_277 = tpu.memref_squeeze %dma_wait3A_276 : memref<1x128xi32, #tpu.memory_space<vmem>> -> memref<128xi32, #tpu.memory_space<vmem>>
    %dma_wait3A_278 = arith.constant 0 : i32
    %dma_wait3A_279 = arith.constant 0 : i32
    %dma_wait3A_280 = tpu.memref_slice %arg3[%dma_wait3A_278, %dma_wait3A_279] : memref<100000x64xf32, #tpu.memory_space<hbm>> -> memref<100000x64xf32, #tpu.memory_space<hbm>>
    tpu.wait_indirect_dma semaphore(%arg9 : memref<!tpu.dma_semaphore, #tpu.memory_space<semaphore_mem>>) src(%dma_wait3A_280 : memref<100000x64xf32, #tpu.memory_space<hbm>>) dst(%dma_wait3A_274 : memref<128x64xf32, #tpu.memory_space<vmem>>)
    %dma_wait3A_281 = arith.constant 3 : i32
    %dma_wait3A_282 = arith.constant 3 : i32
    %dma_wait3A_283 = arith.constant 128 : i32
    %dma_wait3A_284 = arith.constant 0 : i32
    %dma_wait3A_285 = tpu.memref_slice %arg7[%dma_wait3A_282, %dma_wait3A_283, %dma_wait3A_284] : memref<4x200x64xf32, #tpu.memory_space<vmem>> -> memref<1x72x64xf32, #tpu.memory_space<vmem>>
    %dma_wait3A_286 = tpu.memref_squeeze %dma_wait3A_285 : memref<1x72x64xf32, #tpu.memory_space<vmem>> -> memref<72x64xf32, #tpu.memory_space<vmem>>
    %dma_wait3A_287 = arith.constant 128 : i32
    %dma_wait3A_288 = tpu.memref_slice %arg5[%dma_wait3A_281, %dma_wait3A_287] : memref<4x200xi32, #tpu.memory_space<vmem>> -> memref<1x72xi32, #tpu.memory_space<vmem>>
    %dma_wait3A_289 = tpu.memref_squeeze %dma_wait3A_288 : memref<1x72xi32, #tpu.memory_space<vmem>> -> memref<72xi32, #tpu.memory_space<vmem>>
    %dma_wait3A_290 = arith.constant 0 : i32
    %dma_wait3A_291 = arith.constant 0 : i32
    %dma_wait3A_292 = tpu.memref_slice %arg3[%dma_wait3A_290, %dma_wait3A_291] : memref<100000x64xf32, #tpu.memory_space<hbm>> -> memref<100000x64xf32, #tpu.memory_space<hbm>>
    tpu.wait_indirect_dma semaphore(%arg9 : memref<!tpu.dma_semaphore, #tpu.memory_space<semaphore_mem>>) src(%dma_wait3A_292 : memref<100000x64xf32, #tpu.memory_space<hbm>>) dst(%dma_wait3A_286 : memref<72x64xf32, #tpu.memory_space<vmem>>)
    %add3A_293 = arith.constant 0 : i32
    %add3A_294 = arith.addi %mul3A_2, %add3A_293 : i32
    %dma_start3A_295 = arith.constant 0 : i32
    %dma_start3A_296 = arith.constant 0 : i32
    %dma_start3A_297 = tpu.memref_slice %arg4[%add3A_294, %dma_start3A_295, %dma_start3A_296] : memref<4096x200x64xf32, #tpu.memory_space<hbm>> -> memref<4x200x64xf32, #tpu.memory_space<hbm>>
    %dma_start3A_298 = arith.constant 0 : i32
    %dma_start3A_299 = arith.constant 0 : i32
    %dma_start3A_300 = tpu.memref_slice %arg4[%add3A_294, %dma_start3A_298, %dma_start3A_299] : memref<4096x200x64xf32, #tpu.memory_space<hbm>> -> memref<4x200x64xf32, #tpu.memory_space<hbm>>
    tpu.enqueue_dma source(%arg7 : memref<4x200x64xf32, #tpu.memory_space<vmem>>) target(%dma_start3A_300 : memref<4x200x64xf32, #tpu.memory_space<hbm>>) target_semaphore(%arg11 : memref<!tpu.dma_semaphore, #tpu.memory_space<semaphore_mem>>)
    %add3A_301 = arith.constant 8 : i32
    %add3A_302 = arith.addi %mul3A_2, %add3A_301 : i32
    "tpu.region"() ({
      %run_scoped3A = tpu.sem_alloc : memref<!tpu.dma_semaphore, #tpu.memory_space<semaphore_mem>>
      %dma_start3A_846 = arith.constant 0 : i32
      %dma_start3A_847 = tpu.memref_slice %arg2[%add3A_302, %dma_start3A_846] : memref<4096x200xi32, #tpu.memory_space<hbm>> -> memref<4x200xi32, #tpu.memory_space<hbm>>
      %dma_start3A_848 = arith.constant 0 : i32
      %dma_start3A_849 = tpu.memref_slice %arg2[%add3A_302, %dma_start3A_848] : memref<4096x200xi32, #tpu.memory_space<hbm>> -> memref<4x200xi32, #tpu.memory_space<hbm>>
      tpu.enqueue_dma source(%dma_start3A_849 : memref<4x200xi32, #tpu.memory_space<hbm>>) target(%arg5 : memref<4x200xi32, #tpu.memory_space<vmem>>) target_semaphore(%run_scoped3A : memref<!tpu.dma_semaphore, #tpu.memory_space<semaphore_mem>>)
      %dma_wait3A_850 = arith.constant 0 : i32
      %dma_wait3A_851 = tpu.memref_slice %arg2[%add3A_302, %dma_wait3A_850] : memref<4096x200xi32, #tpu.memory_space<hbm>> -> memref<4x200xi32, #tpu.memory_space<hbm>>
      %dma_wait3A_852 = arith.constant 0 : i32
      %dma_wait3A_853 = tpu.memref_slice %arg2[%add3A_302, %dma_wait3A_852] : memref<4096x200xi32, #tpu.memory_space<hbm>> -> memref<4x200xi32, #tpu.memory_space<hbm>>
      tpu.wait_dma2 semaphore(%run_scoped3A : memref<!tpu.dma_semaphore, #tpu.memory_space<semaphore_mem>>) src(%dma_wait3A_853 : memref<4x200xi32, #tpu.memory_space<hbm>>) dst(%arg5 : memref<4x200xi32, #tpu.memory_space<vmem>>)
      tpu.yield
    }) : () -> ()
    %dma_wait3A_303 = arith.constant 0 : i32
    %dma_wait3A_304 = arith.constant 0 : i32
    %dma_wait3A_305 = arith.constant 0 : i32
    %dma_wait3A_306 = tpu.memref_slice %arg4[%dma_wait3A_303, %dma_wait3A_304, %dma_wait3A_305] : memref<4096x200x64xf32, #tpu.memory_space<hbm>> -> memref<4x200x64xf32, #tpu.memory_space<hbm>>
    %dma_wait3A_307 = arith.constant 0 : i32
    %dma_wait3A_308 = arith.constant 0 : i32
    %dma_wait3A_309 = arith.constant 0 : i32
    %dma_wait3A_310 = tpu.memref_slice %arg4[%dma_wait3A_307, %dma_wait3A_308, %dma_wait3A_309] : memref<4096x200x64xf32, #tpu.memory_space<hbm>> -> memref<4x200x64xf32, #tpu.memory_space<hbm>>
    tpu.wait_dma2 semaphore(%arg11 : memref<!tpu.dma_semaphore, #tpu.memory_space<semaphore_mem>>) src(%arg7 : memref<4x200x64xf32, #tpu.memory_space<vmem>>) dst(%dma_wait3A_310 : memref<4x200x64xf32, #tpu.memory_space<hbm>>)
    %dma_start3A_311 = arith.constant 0 : i32
    %dma_start3A_312 = arith.constant 0 : i32
    %dma_start3A_313 = arith.constant 0 : i32
    %dma_start3A_314 = arith.constant 0 : i32
    %dma_start3A_315 = tpu.memref_slice %arg7[%dma_start3A_312, %dma_start3A_313, %dma_start3A_314] : memref<4x200x64xf32, #tpu.memory_space<vmem>> -> memref<1x128x64xf32, #tpu.memory_space<vmem>>
    %dma_start3A_316 = tpu.memref_squeeze %dma_start3A_315 : memref<1x128x64xf32, #tpu.memory_space<vmem>> -> memref<128x64xf32, #tpu.memory_space<vmem>>
    %dma_start3A_317 = arith.constant 0 : i32
    %dma_start3A_318 = tpu.memref_slice %arg5[%dma_start3A_311, %dma_start3A_317] : memref<4x200xi32, #tpu.memory_space<vmem>> -> memref<1x128xi32, #tpu.memory_space<vmem>>
    %dma_start3A_319 = tpu.memref_squeeze %dma_start3A_318 : memref<1x128xi32, #tpu.memory_space<vmem>> -> memref<128xi32, #tpu.memory_space<vmem>>
    %dma_start3A_320 = arith.constant 0 : i32
    %dma_start3A_321 = arith.constant 0 : i32
    %dma_start3A_322 = tpu.memref_slice %arg3[%dma_start3A_320, %dma_start3A_321] : memref<100000x64xf32, #tpu.memory_space<hbm>> -> memref<100000x64xf32, #tpu.memory_space<hbm>>
    tpu.enqueue_indirect_dma source(%dma_start3A_322 : memref<100000x64xf32, #tpu.memory_space<hbm>>) target(%dma_start3A_316 : memref<128x64xf32, #tpu.memory_space<vmem>>) offsets(%dma_start3A_319 : memref<128xi32, #tpu.memory_space<vmem>>) semaphore(%arg9 : memref<!tpu.dma_semaphore, #tpu.memory_space<semaphore_mem>>)
    %dma_start3A_323 = arith.constant 0 : i32
    %dma_start3A_324 = arith.constant 0 : i32
    %dma_start3A_325 = arith.constant 128 : i32
    %dma_start3A_326 = arith.constant 0 : i32
    %dma_start3A_327 = tpu.memref_slice %arg7[%dma_start3A_324, %dma_start3A_325, %dma_start3A_326] : memref<4x200x64xf32, #tpu.memory_space<vmem>> -> memref<1x72x64xf32, #tpu.memory_space<vmem>>
    %dma_start3A_328 = tpu.memref_squeeze %dma_start3A_327 : memref<1x72x64xf32, #tpu.memory_space<vmem>> -> memref<72x64xf32, #tpu.memory_space<vmem>>
    %dma_start3A_329 = arith.constant 128 : i32
    %dma_start3A_330 = tpu.memref_slice %arg5[%dma_start3A_323, %dma_start3A_329] : memref<4x200xi32, #tpu.memory_space<vmem>> -> memref<1x72xi32, #tpu.memory_space<vmem>>
    %dma_start3A_331 = tpu.memref_squeeze %dma_start3A_330 : memref<1x72xi32, #tpu.memory_space<vmem>> -> memref<72xi32, #tpu.memory_space<vmem>>
    %dma_start3A_332 = arith.constant 0 : i32
    %dma_start3A_333 = arith.constant 0 : i32
    %dma_start3A_334 = tpu.memref_slice %arg3[%dma_start3A_332, %dma_start3A_333] : memref<100000x64xf32, #tpu.memory_space<hbm>> -> memref<100000x64xf32, #tpu.memory_space<hbm>>
    tpu.enqueue_indirect_dma source(%dma_start3A_334 : memref<100000x64xf32, #tpu.memory_space<hbm>>) target(%dma_start3A_328 : memref<72x64xf32, #tpu.memory_space<vmem>>) offsets(%dma_start3A_331 : memref<72xi32, #tpu.memory_space<vmem>>) semaphore(%arg9 : memref<!tpu.dma_semaphore, #tpu.memory_space<semaphore_mem>>)
    %dma_start3A_335 = arith.constant 1 : i32
    %dma_start3A_336 = arith.constant 1 : i32
    %dma_start3A_337 = arith.constant 0 : i32
    %dma_start3A_338 = arith.constant 0 : i32
    %dma_start3A_339 = tpu.memref_slice %arg7[%dma_start3A_336, %dma_start3A_337, %dma_start3A_338] : memref<4x200x64xf32, #tpu.memory_space<vmem>> -> memref<1x128x64xf32, #tpu.memory_space<vmem>>
    %dma_start3A_340 = tpu.memref_squeeze %dma_start3A_339 : memref<1x128x64xf32, #tpu.memory_space<vmem>> -> memref<128x64xf32, #tpu.memory_space<vmem>>
    %dma_start3A_341 = arith.constant 0 : i32
    %dma_start3A_342 = tpu.memref_slice %arg5[%dma_start3A_335, %dma_start3A_341] : memref<4x200xi32, #tpu.memory_space<vmem>> -> memref<1x128xi32, #tpu.memory_space<vmem>>
    %dma_start3A_343 = tpu.memref_squeeze %dma_start3A_342 : memref<1x128xi32, #tpu.memory_space<vmem>> -> memref<128xi32, #tpu.memory_space<vmem>>
    %dma_start3A_344 = arith.constant 0 : i32
    %dma_start3A_345 = arith.constant 0 : i32
    %dma_start3A_346 = tpu.memref_slice %arg3[%dma_start3A_344, %dma_start3A_345] : memref<100000x64xf32, #tpu.memory_space<hbm>> -> memref<100000x64xf32, #tpu.memory_space<hbm>>
    tpu.enqueue_indirect_dma source(%dma_start3A_346 : memref<100000x64xf32, #tpu.memory_space<hbm>>) target(%dma_start3A_340 : memref<128x64xf32, #tpu.memory_space<vmem>>) offsets(%dma_start3A_343 : memref<128xi32, #tpu.memory_space<vmem>>) semaphore(%arg9 : memref<!tpu.dma_semaphore, #tpu.memory_space<semaphore_mem>>)
    %dma_start3A_347 = arith.constant 1 : i32
    %dma_start3A_348 = arith.constant 1 : i32
    %dma_start3A_349 = arith.constant 128 : i32
    %dma_start3A_350 = arith.constant 0 : i32
    %dma_start3A_351 = tpu.memref_slice %arg7[%dma_start3A_348, %dma_start3A_349, %dma_start3A_350] : memref<4x200x64xf32, #tpu.memory_space<vmem>> -> memref<1x72x64xf32, #tpu.memory_space<vmem>>
    %dma_start3A_352 = tpu.memref_squeeze %dma_start3A_351 : memref<1x72x64xf32, #tpu.memory_space<vmem>> -> memref<72x64xf32, #tpu.memory_space<vmem>>
    %dma_start3A_353 = arith.constant 128 : i32
    %dma_start3A_354 = tpu.memref_slice %arg5[%dma_start3A_347, %dma_start3A_353] : memref<4x200xi32, #tpu.memory_space<vmem>> -> memref<1x72xi32, #tpu.memory_space<vmem>>
    %dma_start3A_355 = tpu.memref_squeeze %dma_start3A_354 : memref<1x72xi32, #tpu.memory_space<vmem>> -> memref<72xi32, #tpu.memory_space<vmem>>
    %dma_start3A_356 = arith.constant 0 : i32
    %dma_start3A_357 = arith.constant 0 : i32
    %dma_start3A_358 = tpu.memref_slice %arg3[%dma_start3A_356, %dma_start3A_357] : memref<100000x64xf32, #tpu.memory_space<hbm>> -> memref<100000x64xf32, #tpu.memory_space<hbm>>
    tpu.enqueue_indirect_dma source(%dma_start3A_358 : memref<100000x64xf32, #tpu.memory_space<hbm>>) target(%dma_start3A_352 : memref<72x64xf32, #tpu.memory_space<vmem>>) offsets(%dma_start3A_355 : memref<72xi32, #tpu.memory_space<vmem>>) semaphore(%arg9 : memref<!tpu.dma_semaphore, #tpu.memory_space<semaphore_mem>>)
    %dma_start3A_359 = arith.constant 2 : i32
    %dma_start3A_360 = arith.constant 2 : i32
    %dma_start3A_361 = arith.constant 0 : i32
    %dma_start3A_362 = arith.constant 0 : i32
    %dma_start3A_363 = tpu.memref_slice %arg7[%dma_start3A_360, %dma_start3A_361, %dma_start3A_362] : memref<4x200x64xf32, #tpu.memory_space<vmem>> -> memref<1x128x64xf32, #tpu.memory_space<vmem>>
    %dma_start3A_364 = tpu.memref_squeeze %dma_start3A_363 : memref<1x128x64xf32, #tpu.memory_space<vmem>> -> memref<128x64xf32, #tpu.memory_space<vmem>>
    %dma_start3A_365 = arith.constant 0 : i32
    %dma_start3A_366 = tpu.memref_slice %arg5[%dma_start3A_359, %dma_start3A_365] : memref<4x200xi32, #tpu.memory_space<vmem>> -> memref<1x128xi32, #tpu.memory_space<vmem>>
    %dma_start3A_367 = tpu.memref_squeeze %dma_start3A_366 : memref<1x128xi32, #tpu.memory_space<vmem>> -> memref<128xi32, #tpu.memory_space<vmem>>
    %dma_start3A_368 = arith.constant 0 : i32
    %dma_start3A_369 = arith.constant 0 : i32
    %dma_start3A_370 = tpu.memref_slice %arg3[%dma_start3A_368, %dma_start3A_369] : memref<100000x64xf32, #tpu.memory_space<hbm>> -> memref<100000x64xf32, #tpu.memory_space<hbm>>
    tpu.enqueue_indirect_dma source(%dma_start3A_370 : memref<100000x64xf32, #tpu.memory_space<hbm>>) target(%dma_start3A_364 : memref<128x64xf32, #tpu.memory_space<vmem>>) offsets(%dma_start3A_367 : memref<128xi32, #tpu.memory_space<vmem>>) semaphore(%arg9 : memref<!tpu.dma_semaphore, #tpu.memory_space<semaphore_mem>>)
    %dma_start3A_371 = arith.constant 2 : i32
    %dma_start3A_372 = arith.constant 2 : i32
    %dma_start3A_373 = arith.constant 128 : i32
    %dma_start3A_374 = arith.constant 0 : i32
    %dma_start3A_375 = tpu.memref_slice %arg7[%dma_start3A_372, %dma_start3A_373, %dma_start3A_374] : memref<4x200x64xf32, #tpu.memory_space<vmem>> -> memref<1x72x64xf32, #tpu.memory_space<vmem>>
    %dma_start3A_376 = tpu.memref_squeeze %dma_start3A_375 : memref<1x72x64xf32, #tpu.memory_space<vmem>> -> memref<72x64xf32, #tpu.memory_space<vmem>>
    %dma_start3A_377 = arith.constant 128 : i32
    %dma_start3A_378 = tpu.memref_slice %arg5[%dma_start3A_371, %dma_start3A_377] : memref<4x200xi32, #tpu.memory_space<vmem>> -> memref<1x72xi32, #tpu.memory_space<vmem>>
    %dma_start3A_379 = tpu.memref_squeeze %dma_start3A_378 : memref<1x72xi32, #tpu.memory_space<vmem>> -> memref<72xi32, #tpu.memory_space<vmem>>
    %dma_start3A_380 = arith.constant 0 : i32
    %dma_start3A_381 = arith.constant 0 : i32
    %dma_start3A_382 = tpu.memref_slice %arg3[%dma_start3A_380, %dma_start3A_381] : memref<100000x64xf32, #tpu.memory_space<hbm>> -> memref<100000x64xf32, #tpu.memory_space<hbm>>
    tpu.enqueue_indirect_dma source(%dma_start3A_382 : memref<100000x64xf32, #tpu.memory_space<hbm>>) target(%dma_start3A_376 : memref<72x64xf32, #tpu.memory_space<vmem>>) offsets(%dma_start3A_379 : memref<72xi32, #tpu.memory_space<vmem>>) semaphore(%arg9 : memref<!tpu.dma_semaphore, #tpu.memory_space<semaphore_mem>>)
    %dma_start3A_383 = arith.constant 3 : i32
    %dma_start3A_384 = arith.constant 3 : i32
    %dma_start3A_385 = arith.constant 0 : i32
    %dma_start3A_386 = arith.constant 0 : i32
    %dma_start3A_387 = tpu.memref_slice %arg7[%dma_start3A_384, %dma_start3A_385, %dma_start3A_386] : memref<4x200x64xf32, #tpu.memory_space<vmem>> -> memref<1x128x64xf32, #tpu.memory_space<vmem>>
    %dma_start3A_388 = tpu.memref_squeeze %dma_start3A_387 : memref<1x128x64xf32, #tpu.memory_space<vmem>> -> memref<128x64xf32, #tpu.memory_space<vmem>>
    %dma_start3A_389 = arith.constant 0 : i32
    %dma_start3A_390 = tpu.memref_slice %arg5[%dma_start3A_383, %dma_start3A_389] : memref<4x200xi32, #tpu.memory_space<vmem>> -> memref<1x128xi32, #tpu.memory_space<vmem>>
    %dma_start3A_391 = tpu.memref_squeeze %dma_start3A_390 : memref<1x128xi32, #tpu.memory_space<vmem>> -> memref<128xi32, #tpu.memory_space<vmem>>
    %dma_start3A_392 = arith.constant 0 : i32
    %dma_start3A_393 = arith.constant 0 : i32
    %dma_start3A_394 = tpu.memref_slice %arg3[%dma_start3A_392, %dma_start3A_393] : memref<100000x64xf32, #tpu.memory_space<hbm>> -> memref<100000x64xf32, #tpu.memory_space<hbm>>
    tpu.enqueue_indirect_dma source(%dma_start3A_394 : memref<100000x64xf32, #tpu.memory_space<hbm>>) target(%dma_start3A_388 : memref<128x64xf32, #tpu.memory_space<vmem>>) offsets(%dma_start3A_391 : memref<128xi32, #tpu.memory_space<vmem>>) semaphore(%arg9 : memref<!tpu.dma_semaphore, #tpu.memory_space<semaphore_mem>>)
    %dma_start3A_395 = arith.constant 3 : i32
    %dma_start3A_396 = arith.constant 3 : i32
    %dma_start3A_397 = arith.constant 128 : i32
    %dma_start3A_398 = arith.constant 0 : i32
    %dma_start3A_399 = tpu.memref_slice %arg7[%dma_start3A_396, %dma_start3A_397, %dma_start3A_398] : memref<4x200x64xf32, #tpu.memory_space<vmem>> -> memref<1x72x64xf32, #tpu.memory_space<vmem>>
    %dma_start3A_400 = tpu.memref_squeeze %dma_start3A_399 : memref<1x72x64xf32, #tpu.memory_space<vmem>> -> memref<72x64xf32, #tpu.memory_space<vmem>>
    %dma_start3A_401 = arith.constant 128 : i32
    %dma_start3A_402 = tpu.memref_slice %arg5[%dma_start3A_395, %dma_start3A_401] : memref<4x200xi32, #tpu.memory_space<vmem>> -> memref<1x72xi32, #tpu.memory_space<vmem>>
    %dma_start3A_403 = tpu.memref_squeeze %dma_start3A_402 : memref<1x72xi32, #tpu.memory_space<vmem>> -> memref<72xi32, #tpu.memory_space<vmem>>
    %dma_start3A_404 = arith.constant 0 : i32
    %dma_start3A_405 = arith.constant 0 : i32
    %dma_start3A_406 = tpu.memref_slice %arg3[%dma_start3A_404, %dma_start3A_405] : memref<100000x64xf32, #tpu.memory_space<hbm>> -> memref<100000x64xf32, #tpu.memory_space<hbm>>
    tpu.enqueue_indirect_dma source(%dma_start3A_406 : memref<100000x64xf32, #tpu.memory_space<hbm>>) target(%dma_start3A_400 : memref<72x64xf32, #tpu.memory_space<vmem>>) offsets(%dma_start3A_403 : memref<72xi32, #tpu.memory_space<vmem>>) semaphore(%arg9 : memref<!tpu.dma_semaphore, #tpu.memory_space<semaphore_mem>>)
    %dma_wait3A_407 = arith.constant 0 : i32
    %dma_wait3A_408 = arith.constant 0 : i32
    %dma_wait3A_409 = arith.constant 0 : i32
    %dma_wait3A_410 = arith.constant 0 : i32
    %dma_wait3A_411 = tpu.memref_slice %arg8[%dma_wait3A_408, %dma_wait3A_409, %dma_wait3A_410] : memref<4x200x64xf32, #tpu.memory_space<vmem>> -> memref<1x128x64xf32, #tpu.memory_space<vmem>>
    %dma_wait3A_412 = tpu.memref_squeeze %dma_wait3A_411 : memref<1x128x64xf32, #tpu.memory_space<vmem>> -> memref<128x64xf32, #tpu.memory_space<vmem>>
    %dma_wait3A_413 = arith.constant 0 : i32
    %dma_wait3A_414 = tpu.memref_slice %arg6[%dma_wait3A_407, %dma_wait3A_413] : memref<4x200xi32, #tpu.memory_space<vmem>> -> memref<1x128xi32, #tpu.memory_space<vmem>>
    %dma_wait3A_415 = tpu.memref_squeeze %dma_wait3A_414 : memref<1x128xi32, #tpu.memory_space<vmem>> -> memref<128xi32, #tpu.memory_space<vmem>>
    %dma_wait3A_416 = arith.constant 0 : i32
    %dma_wait3A_417 = arith.constant 0 : i32
    %dma_wait3A_418 = tpu.memref_slice %arg3[%dma_wait3A_416, %dma_wait3A_417] : memref<100000x64xf32, #tpu.memory_space<hbm>> -> memref<100000x64xf32, #tpu.memory_space<hbm>>
    tpu.wait_indirect_dma semaphore(%arg10 : memref<!tpu.dma_semaphore, #tpu.memory_space<semaphore_mem>>) src(%dma_wait3A_418 : memref<100000x64xf32, #tpu.memory_space<hbm>>) dst(%dma_wait3A_412 : memref<128x64xf32, #tpu.memory_space<vmem>>)
    %dma_wait3A_419 = arith.constant 0 : i32
    %dma_wait3A_420 = arith.constant 0 : i32
    %dma_wait3A_421 = arith.constant 128 : i32
    %dma_wait3A_422 = arith.constant 0 : i32
    %dma_wait3A_423 = tpu.memref_slice %arg8[%dma_wait3A_420, %dma_wait3A_421, %dma_wait3A_422] : memref<4x200x64xf32, #tpu.memory_space<vmem>> -> memref<1x72x64xf32, #tpu.memory_space<vmem>>
    %dma_wait3A_424 = tpu.memref_squeeze %dma_wait3A_423 : memref<1x72x64xf32, #tpu.memory_space<vmem>> -> memref<72x64xf32, #tpu.memory_space<vmem>>
    %dma_wait3A_425 = arith.constant 128 : i32
    %dma_wait3A_426 = tpu.memref_slice %arg6[%dma_wait3A_419, %dma_wait3A_425] : memref<4x200xi32, #tpu.memory_space<vmem>> -> memref<1x72xi32, #tpu.memory_space<vmem>>
    %dma_wait3A_427 = tpu.memref_squeeze %dma_wait3A_426 : memref<1x72xi32, #tpu.memory_space<vmem>> -> memref<72xi32, #tpu.memory_space<vmem>>
    %dma_wait3A_428 = arith.constant 0 : i32
    %dma_wait3A_429 = arith.constant 0 : i32
    %dma_wait3A_430 = tpu.memref_slice %arg3[%dma_wait3A_428, %dma_wait3A_429] : memref<100000x64xf32, #tpu.memory_space<hbm>> -> memref<100000x64xf32, #tpu.memory_space<hbm>>
    tpu.wait_indirect_dma semaphore(%arg10 : memref<!tpu.dma_semaphore, #tpu.memory_space<semaphore_mem>>) src(%dma_wait3A_430 : memref<100000x64xf32, #tpu.memory_space<hbm>>) dst(%dma_wait3A_424 : memref<72x64xf32, #tpu.memory_space<vmem>>)
    %dma_wait3A_431 = arith.constant 1 : i32
    %dma_wait3A_432 = arith.constant 1 : i32
    %dma_wait3A_433 = arith.constant 0 : i32
    %dma_wait3A_434 = arith.constant 0 : i32
    %dma_wait3A_435 = tpu.memref_slice %arg8[%dma_wait3A_432, %dma_wait3A_433, %dma_wait3A_434] : memref<4x200x64xf32, #tpu.memory_space<vmem>> -> memref<1x128x64xf32, #tpu.memory_space<vmem>>
    %dma_wait3A_436 = tpu.memref_squeeze %dma_wait3A_435 : memref<1x128x64xf32, #tpu.memory_space<vmem>> -> memref<128x64xf32, #tpu.memory_space<vmem>>
    %dma_wait3A_437 = arith.constant 0 : i32
    %dma_wait3A_438 = tpu.memref_slice %arg6[%dma_wait3A_431, %dma_wait3A_437] : memref<4x200xi32, #tpu.memory_space<vmem>> -> memref<1x128xi32, #tpu.memory_space<vmem>>
    %dma_wait3A_439 = tpu.memref_squeeze %dma_wait3A_438 : memref<1x128xi32, #tpu.memory_space<vmem>> -> memref<128xi32, #tpu.memory_space<vmem>>
    %dma_wait3A_440 = arith.constant 0 : i32
    %dma_wait3A_441 = arith.constant 0 : i32
    %dma_wait3A_442 = tpu.memref_slice %arg3[%dma_wait3A_440, %dma_wait3A_441] : memref<100000x64xf32, #tpu.memory_space<hbm>> -> memref<100000x64xf32, #tpu.memory_space<hbm>>
    tpu.wait_indirect_dma semaphore(%arg10 : memref<!tpu.dma_semaphore, #tpu.memory_space<semaphore_mem>>) src(%dma_wait3A_442 : memref<100000x64xf32, #tpu.memory_space<hbm>>) dst(%dma_wait3A_436 : memref<128x64xf32, #tpu.memory_space<vmem>>)
    %dma_wait3A_443 = arith.constant 1 : i32
    %dma_wait3A_444 = arith.constant 1 : i32
    %dma_wait3A_445 = arith.constant 128 : i32
    %dma_wait3A_446 = arith.constant 0 : i32
    %dma_wait3A_447 = tpu.memref_slice %arg8[%dma_wait3A_444, %dma_wait3A_445, %dma_wait3A_446] : memref<4x200x64xf32, #tpu.memory_space<vmem>> -> memref<1x72x64xf32, #tpu.memory_space<vmem>>
    %dma_wait3A_448 = tpu.memref_squeeze %dma_wait3A_447 : memref<1x72x64xf32, #tpu.memory_space<vmem>> -> memref<72x64xf32, #tpu.memory_space<vmem>>
    %dma_wait3A_449 = arith.constant 128 : i32
    %dma_wait3A_450 = tpu.memref_slice %arg6[%dma_wait3A_443, %dma_wait3A_449] : memref<4x200xi32, #tpu.memory_space<vmem>> -> memref<1x72xi32, #tpu.memory_space<vmem>>
    %dma_wait3A_451 = tpu.memref_squeeze %dma_wait3A_450 : memref<1x72xi32, #tpu.memory_space<vmem>> -> memref<72xi32, #tpu.memory_space<vmem>>
    %dma_wait3A_452 = arith.constant 0 : i32
    %dma_wait3A_453 = arith.constant 0 : i32
    %dma_wait3A_454 = tpu.memref_slice %arg3[%dma_wait3A_452, %dma_wait3A_453] : memref<100000x64xf32, #tpu.memory_space<hbm>> -> memref<100000x64xf32, #tpu.memory_space<hbm>>
    tpu.wait_indirect_dma semaphore(%arg10 : memref<!tpu.dma_semaphore, #tpu.memory_space<semaphore_mem>>) src(%dma_wait3A_454 : memref<100000x64xf32, #tpu.memory_space<hbm>>) dst(%dma_wait3A_448 : memref<72x64xf32, #tpu.memory_space<vmem>>)
    %dma_wait3A_455 = arith.constant 2 : i32
    %dma_wait3A_456 = arith.constant 2 : i32
    %dma_wait3A_457 = arith.constant 0 : i32
    %dma_wait3A_458 = arith.constant 0 : i32
    %dma_wait3A_459 = tpu.memref_slice %arg8[%dma_wait3A_456, %dma_wait3A_457, %dma_wait3A_458] : memref<4x200x64xf32, #tpu.memory_space<vmem>> -> memref<1x128x64xf32, #tpu.memory_space<vmem>>
    %dma_wait3A_460 = tpu.memref_squeeze %dma_wait3A_459 : memref<1x128x64xf32, #tpu.memory_space<vmem>> -> memref<128x64xf32, #tpu.memory_space<vmem>>
    %dma_wait3A_461 = arith.constant 0 : i32
    %dma_wait3A_462 = tpu.memref_slice %arg6[%dma_wait3A_455, %dma_wait3A_461] : memref<4x200xi32, #tpu.memory_space<vmem>> -> memref<1x128xi32, #tpu.memory_space<vmem>>
    %dma_wait3A_463 = tpu.memref_squeeze %dma_wait3A_462 : memref<1x128xi32, #tpu.memory_space<vmem>> -> memref<128xi32, #tpu.memory_space<vmem>>
    %dma_wait3A_464 = arith.constant 0 : i32
    %dma_wait3A_465 = arith.constant 0 : i32
    %dma_wait3A_466 = tpu.memref_slice %arg3[%dma_wait3A_464, %dma_wait3A_465] : memref<100000x64xf32, #tpu.memory_space<hbm>> -> memref<100000x64xf32, #tpu.memory_space<hbm>>
    tpu.wait_indirect_dma semaphore(%arg10 : memref<!tpu.dma_semaphore, #tpu.memory_space<semaphore_mem>>) src(%dma_wait3A_466 : memref<100000x64xf32, #tpu.memory_space<hbm>>) dst(%dma_wait3A_460 : memref<128x64xf32, #tpu.memory_space<vmem>>)
    %dma_wait3A_467 = arith.constant 2 : i32
    %dma_wait3A_468 = arith.constant 2 : i32
    %dma_wait3A_469 = arith.constant 128 : i32
    %dma_wait3A_470 = arith.constant 0 : i32
    %dma_wait3A_471 = tpu.memref_slice %arg8[%dma_wait3A_468, %dma_wait3A_469, %dma_wait3A_470] : memref<4x200x64xf32, #tpu.memory_space<vmem>> -> memref<1x72x64xf32, #tpu.memory_space<vmem>>
    %dma_wait3A_472 = tpu.memref_squeeze %dma_wait3A_471 : memref<1x72x64xf32, #tpu.memory_space<vmem>> -> memref<72x64xf32, #tpu.memory_space<vmem>>
    %dma_wait3A_473 = arith.constant 128 : i32
    %dma_wait3A_474 = tpu.memref_slice %arg6[%dma_wait3A_467, %dma_wait3A_473] : memref<4x200xi32, #tpu.memory_space<vmem>> -> memref<1x72xi32, #tpu.memory_space<vmem>>
    %dma_wait3A_475 = tpu.memref_squeeze %dma_wait3A_474 : memref<1x72xi32, #tpu.memory_space<vmem>> -> memref<72xi32, #tpu.memory_space<vmem>>
    %dma_wait3A_476 = arith.constant 0 : i32
    %dma_wait3A_477 = arith.constant 0 : i32
    %dma_wait3A_478 = tpu.memref_slice %arg3[%dma_wait3A_476, %dma_wait3A_477] : memref<100000x64xf32, #tpu.memory_space<hbm>> -> memref<100000x64xf32, #tpu.memory_space<hbm>>
    tpu.wait_indirect_dma semaphore(%arg10 : memref<!tpu.dma_semaphore, #tpu.memory_space<semaphore_mem>>) src(%dma_wait3A_478 : memref<100000x64xf32, #tpu.memory_space<hbm>>) dst(%dma_wait3A_472 : memref<72x64xf32, #tpu.memory_space<vmem>>)
    %dma_wait3A_479 = arith.constant 3 : i32
    %dma_wait3A_480 = arith.constant 3 : i32
    %dma_wait3A_481 = arith.constant 0 : i32
    %dma_wait3A_482 = arith.constant 0 : i32
    %dma_wait3A_483 = tpu.memref_slice %arg8[%dma_wait3A_480, %dma_wait3A_481, %dma_wait3A_482] : memref<4x200x64xf32, #tpu.memory_space<vmem>> -> memref<1x128x64xf32, #tpu.memory_space<vmem>>
    %dma_wait3A_484 = tpu.memref_squeeze %dma_wait3A_483 : memref<1x128x64xf32, #tpu.memory_space<vmem>> -> memref<128x64xf32, #tpu.memory_space<vmem>>
    %dma_wait3A_485 = arith.constant 0 : i32
    %dma_wait3A_486 = tpu.memref_slice %arg6[%dma_wait3A_479, %dma_wait3A_485] : memref<4x200xi32, #tpu.memory_space<vmem>> -> memref<1x128xi32, #tpu.memory_space<vmem>>
    %dma_wait3A_487 = tpu.memref_squeeze %dma_wait3A_486 : memref<1x128xi32, #tpu.memory_space<vmem>> -> memref<128xi32, #tpu.memory_space<vmem>>
    %dma_wait3A_488 = arith.constant 0 : i32
    %dma_wait3A_489 = arith.constant 0 : i32
    %dma_wait3A_490 = tpu.memref_slice %arg3[%dma_wait3A_488, %dma_wait3A_489] : memref<100000x64xf32, #tpu.memory_space<hbm>> -> memref<100000x64xf32, #tpu.memory_space<hbm>>
    tpu.wait_indirect_dma semaphore(%arg10 : memref<!tpu.dma_semaphore, #tpu.memory_space<semaphore_mem>>) src(%dma_wait3A_490 : memref<100000x64xf32, #tpu.memory_space<hbm>>) dst(%dma_wait3A_484 : memref<128x64xf32, #tpu.memory_space<vmem>>)
    %dma_wait3A_491 = arith.constant 3 : i32
    %dma_wait3A_492 = arith.constant 3 : i32
    %dma_wait3A_493 = arith.constant 128 : i32
    %dma_wait3A_494 = arith.constant 0 : i32
    %dma_wait3A_495 = tpu.memref_slice %arg8[%dma_wait3A_492, %dma_wait3A_493, %dma_wait3A_494] : memref<4x200x64xf32, #tpu.memory_space<vmem>> -> memref<1x72x64xf32, #tpu.memory_space<vmem>>
    %dma_wait3A_496 = tpu.memref_squeeze %dma_wait3A_495 : memref<1x72x64xf32, #tpu.memory_space<vmem>> -> memref<72x64xf32, #tpu.memory_space<vmem>>
    %dma_wait3A_497 = arith.constant 128 : i32
    %dma_wait3A_498 = tpu.memref_slice %arg6[%dma_wait3A_491, %dma_wait3A_497] : memref<4x200xi32, #tpu.memory_space<vmem>> -> memref<1x72xi32, #tpu.memory_space<vmem>>
    %dma_wait3A_499 = tpu.memref_squeeze %dma_wait3A_498 : memref<1x72xi32, #tpu.memory_space<vmem>> -> memref<72xi32, #tpu.memory_space<vmem>>
    %dma_wait3A_500 = arith.constant 0 : i32
    %dma_wait3A_501 = arith.constant 0 : i32
    %dma_wait3A_502 = tpu.memref_slice %arg3[%dma_wait3A_500, %dma_wait3A_501] : memref<100000x64xf32, #tpu.memory_space<hbm>> -> memref<100000x64xf32, #tpu.memory_space<hbm>>
    tpu.wait_indirect_dma semaphore(%arg10 : memref<!tpu.dma_semaphore, #tpu.memory_space<semaphore_mem>>) src(%dma_wait3A_502 : memref<100000x64xf32, #tpu.memory_space<hbm>>) dst(%dma_wait3A_496 : memref<72x64xf32, #tpu.memory_space<vmem>>)
    %add3A_503 = arith.constant 4 : i32
    %add3A_504 = arith.addi %mul3A_2, %add3A_503 : i32
    %dma_start3A_505 = arith.constant 0 : i32
    %dma_start3A_506 = arith.constant 0 : i32
    %dma_start3A_507 = tpu.memref_slice %arg4[%add3A_504, %dma_start3A_505, %dma_start3A_506] : memref<4096x200x64xf32, #tpu.memory_space<hbm>> -> memref<4x200x64xf32, #tpu.memory_space<hbm>>
    %dma_start3A_508 = arith.constant 0 : i32
    %dma_start3A_509 = arith.constant 0 : i32
    %dma_start3A_510 = tpu.memref_slice %arg4[%add3A_504, %dma_start3A_508, %dma_start3A_509] : memref<4096x200x64xf32, #tpu.memory_space<hbm>> -> memref<4x200x64xf32, #tpu.memory_space<hbm>>
    tpu.enqueue_dma source(%arg8 : memref<4x200x64xf32, #tpu.memory_space<vmem>>) target(%dma_start3A_510 : memref<4x200x64xf32, #tpu.memory_space<hbm>>) target_semaphore(%arg12 : memref<!tpu.dma_semaphore, #tpu.memory_space<semaphore_mem>>)
    %add3A_511 = arith.constant 12 : i32
    %add3A_512 = arith.addi %mul3A_2, %add3A_511 : i32
    "tpu.region"() ({
      %run_scoped3A = tpu.sem_alloc : memref<!tpu.dma_semaphore, #tpu.memory_space<semaphore_mem>>
      %dma_start3A_846 = arith.constant 0 : i32
      %dma_start3A_847 = tpu.memref_slice %arg2[%add3A_512, %dma_start3A_846] : memref<4096x200xi32, #tpu.memory_space<hbm>> -> memref<4x200xi32, #tpu.memory_space<hbm>>
      %dma_start3A_848 = arith.constant 0 : i32
      %dma_start3A_849 = tpu.memref_slice %arg2[%add3A_512, %dma_start3A_848] : memref<4096x200xi32, #tpu.memory_space<hbm>> -> memref<4x200xi32, #tpu.memory_space<hbm>>
      tpu.enqueue_dma source(%dma_start3A_849 : memref<4x200xi32, #tpu.memory_space<hbm>>) target(%arg6 : memref<4x200xi32, #tpu.memory_space<vmem>>) target_semaphore(%run_scoped3A : memref<!tpu.dma_semaphore, #tpu.memory_space<semaphore_mem>>)
      %dma_wait3A_850 = arith.constant 0 : i32
      %dma_wait3A_851 = tpu.memref_slice %arg2[%add3A_512, %dma_wait3A_850] : memref<4096x200xi32, #tpu.memory_space<hbm>> -> memref<4x200xi32, #tpu.memory_space<hbm>>
      %dma_wait3A_852 = arith.constant 0 : i32
      %dma_wait3A_853 = tpu.memref_slice %arg2[%add3A_512, %dma_wait3A_852] : memref<4096x200xi32, #tpu.memory_space<hbm>> -> memref<4x200xi32, #tpu.memory_space<hbm>>
      tpu.wait_dma2 semaphore(%run_scoped3A : memref<!tpu.dma_semaphore, #tpu.memory_space<semaphore_mem>>) src(%dma_wait3A_853 : memref<4x200xi32, #tpu.memory_space<hbm>>) dst(%arg6 : memref<4x200xi32, #tpu.memory_space<vmem>>)
      tpu.yield
    }) : () -> ()
    %scan3A = arith.constant 0 : i32
    %scan3A_513 = arith.constant 1 : i32
    %scan3A_514 = arith.constant 14 : i32
    %scan3A_515 = arith.addi %scan3A_513, %scan3A_514 : i32
    %scan3A_516 = arith.constant 1 : i32
    scf.for %scan3A_846 = %scan3A_513 to %scan3A_515 step %scan3A_516  : i32 {
      %mul3A_847 = arith.constant 2 : i32
      %mul3A_848 = arith.muli %mul3A_847, %scan3A_846 : i32
      %dma_wait3A_849 = arith.constant 0 : i32
      %dma_wait3A_850 = arith.constant 0 : i32
      %dma_wait3A_851 = arith.constant 0 : i32
      %dma_wait3A_852 = tpu.memref_slice %arg4[%dma_wait3A_849, %dma_wait3A_850, %dma_wait3A_851] : memref<4096x200x64xf32, #tpu.memory_space<hbm>> -> memref<4x200x64xf32, #tpu.memory_space<hbm>>
      %dma_wait3A_853 = arith.constant 0 : i32
      %dma_wait3A_854 = arith.constant 0 : i32
      %dma_wait3A_855 = arith.constant 0 : i32
      %dma_wait3A_856 = tpu.memref_slice %arg4[%dma_wait3A_853, %dma_wait3A_854, %dma_wait3A_855] : memref<4096x200x64xf32, #tpu.memory_space<hbm>> -> memref<4x200x64xf32, #tpu.memory_space<hbm>>
      tpu.wait_dma2 semaphore(%arg12 : memref<!tpu.dma_semaphore, #tpu.memory_space<semaphore_mem>>) src(%arg8 : memref<4x200x64xf32, #tpu.memory_space<vmem>>) dst(%dma_wait3A_856 : memref<4x200x64xf32, #tpu.memory_space<hbm>>)
      %dma_start3A_857 = arith.constant 0 : i32
      %dma_start3A_858 = arith.constant 0 : i32
      %dma_start3A_859 = arith.constant 0 : i32
      %dma_start3A_860 = arith.constant 0 : i32
      %dma_start3A_861 = tpu.memref_slice %arg8[%dma_start3A_858, %dma_start3A_859, %dma_start3A_860] : memref<4x200x64xf32, #tpu.memory_space<vmem>> -> memref<1x128x64xf32, #tpu.memory_space<vmem>>
      %dma_start3A_862 = tpu.memref_squeeze %dma_start3A_861 : memref<1x128x64xf32, #tpu.memory_space<vmem>> -> memref<128x64xf32, #tpu.memory_space<vmem>>
      %dma_start3A_863 = arith.constant 0 : i32
      %dma_start3A_864 = tpu.memref_slice %arg6[%dma_start3A_857, %dma_start3A_863] : memref<4x200xi32, #tpu.memory_space<vmem>> -> memref<1x128xi32, #tpu.memory_space<vmem>>
      %dma_start3A_865 = tpu.memref_squeeze %dma_start3A_864 : memref<1x128xi32, #tpu.memory_space<vmem>> -> memref<128xi32, #tpu.memory_space<vmem>>
      %dma_start3A_866 = arith.constant 0 : i32
      %dma_start3A_867 = arith.constant 0 : i32
      %dma_start3A_868 = tpu.memref_slice %arg3[%dma_start3A_866, %dma_start3A_867] : memref<100000x64xf32, #tpu.memory_space<hbm>> -> memref<100000x64xf32, #tpu.memory_space<hbm>>
      tpu.enqueue_indirect_dma source(%dma_start3A_868 : memref<100000x64xf32, #tpu.memory_space<hbm>>) target(%dma_start3A_862 : memref<128x64xf32, #tpu.memory_space<vmem>>) offsets(%dma_start3A_865 : memref<128xi32, #tpu.memory_space<vmem>>) semaphore(%arg10 : memref<!tpu.dma_semaphore, #tpu.memory_space<semaphore_mem>>)
      %dma_start3A_869 = arith.constant 0 : i32
      %dma_start3A_870 = arith.constant 0 : i32
      %dma_start3A_871 = arith.constant 128 : i32
      %dma_start3A_872 = arith.constant 0 : i32
      %dma_start3A_873 = tpu.memref_slice %arg8[%dma_start3A_870, %dma_start3A_871, %dma_start3A_872] : memref<4x200x64xf32, #tpu.memory_space<vmem>> -> memref<1x72x64xf32, #tpu.memory_space<vmem>>
      %dma_start3A_874 = tpu.memref_squeeze %dma_start3A_873 : memref<1x72x64xf32, #tpu.memory_space<vmem>> -> memref<72x64xf32, #tpu.memory_space<vmem>>
      %dma_start3A_875 = arith.constant 128 : i32
      %dma_start3A_876 = tpu.memref_slice %arg6[%dma_start3A_869, %dma_start3A_875] : memref<4x200xi32, #tpu.memory_space<vmem>> -> memref<1x72xi32, #tpu.memory_space<vmem>>
      %dma_start3A_877 = tpu.memref_squeeze %dma_start3A_876 : memref<1x72xi32, #tpu.memory_space<vmem>> -> memref<72xi32, #tpu.memory_space<vmem>>
      %dma_start3A_878 = arith.constant 0 : i32
      %dma_start3A_879 = arith.constant 0 : i32
      %dma_start3A_880 = tpu.memref_slice %arg3[%dma_start3A_878, %dma_start3A_879] : memref<100000x64xf32, #tpu.memory_space<hbm>> -> memref<100000x64xf32, #tpu.memory_space<hbm>>
      tpu.enqueue_indirect_dma source(%dma_start3A_880 : memref<100000x64xf32, #tpu.memory_space<hbm>>) target(%dma_start3A_874 : memref<72x64xf32, #tpu.memory_space<vmem>>) offsets(%dma_start3A_877 : memref<72xi32, #tpu.memory_space<vmem>>) semaphore(%arg10 : memref<!tpu.dma_semaphore, #tpu.memory_space<semaphore_mem>>)
      %dma_start3A_881 = arith.constant 1 : i32
      %dma_start3A_882 = arith.constant 1 : i32
      %dma_start3A_883 = arith.constant 0 : i32
      %dma_start3A_884 = arith.constant 0 : i32
      %dma_start3A_885 = tpu.memref_slice %arg8[%dma_start3A_882, %dma_start3A_883, %dma_start3A_884] : memref<4x200x64xf32, #tpu.memory_space<vmem>> -> memref<1x128x64xf32, #tpu.memory_space<vmem>>
      %dma_start3A_886 = tpu.memref_squeeze %dma_start3A_885 : memref<1x128x64xf32, #tpu.memory_space<vmem>> -> memref<128x64xf32, #tpu.memory_space<vmem>>
      %dma_start3A_887 = arith.constant 0 : i32
      %dma_start3A_888 = tpu.memref_slice %arg6[%dma_start3A_881, %dma_start3A_887] : memref<4x200xi32, #tpu.memory_space<vmem>> -> memref<1x128xi32, #tpu.memory_space<vmem>>
      %dma_start3A_889 = tpu.memref_squeeze %dma_start3A_888 : memref<1x128xi32, #tpu.memory_space<vmem>> -> memref<128xi32, #tpu.memory_space<vmem>>
      %dma_start3A_890 = arith.constant 0 : i32
      %dma_start3A_891 = arith.constant 0 : i32
      %dma_start3A_892 = tpu.memref_slice %arg3[%dma_start3A_890, %dma_start3A_891] : memref<100000x64xf32, #tpu.memory_space<hbm>> -> memref<100000x64xf32, #tpu.memory_space<hbm>>
      tpu.enqueue_indirect_dma source(%dma_start3A_892 : memref<100000x64xf32, #tpu.memory_space<hbm>>) target(%dma_start3A_886 : memref<128x64xf32, #tpu.memory_space<vmem>>) offsets(%dma_start3A_889 : memref<128xi32, #tpu.memory_space<vmem>>) semaphore(%arg10 : memref<!tpu.dma_semaphore, #tpu.memory_space<semaphore_mem>>)
      %dma_start3A_893 = arith.constant 1 : i32
      %dma_start3A_894 = arith.constant 1 : i32
      %dma_start3A_895 = arith.constant 128 : i32
      %dma_start3A_896 = arith.constant 0 : i32
      %dma_start3A_897 = tpu.memref_slice %arg8[%dma_start3A_894, %dma_start3A_895, %dma_start3A_896] : memref<4x200x64xf32, #tpu.memory_space<vmem>> -> memref<1x72x64xf32, #tpu.memory_space<vmem>>
      %dma_start3A_898 = tpu.memref_squeeze %dma_start3A_897 : memref<1x72x64xf32, #tpu.memory_space<vmem>> -> memref<72x64xf32, #tpu.memory_space<vmem>>
      %dma_start3A_899 = arith.constant 128 : i32
      %dma_start3A_900 = tpu.memref_slice %arg6[%dma_start3A_893, %dma_start3A_899] : memref<4x200xi32, #tpu.memory_space<vmem>> -> memref<1x72xi32, #tpu.memory_space<vmem>>
      %dma_start3A_901 = tpu.memref_squeeze %dma_start3A_900 : memref<1x72xi32, #tpu.memory_space<vmem>> -> memref<72xi32, #tpu.memory_space<vmem>>
      %dma_start3A_902 = arith.constant 0 : i32
      %dma_start3A_903 = arith.constant 0 : i32
      %dma_start3A_904 = tpu.memref_slice %arg3[%dma_start3A_902, %dma_start3A_903] : memref<100000x64xf32, #tpu.memory_space<hbm>> -> memref<100000x64xf32, #tpu.memory_space<hbm>>
      tpu.enqueue_indirect_dma source(%dma_start3A_904 : memref<100000x64xf32, #tpu.memory_space<hbm>>) target(%dma_start3A_898 : memref<72x64xf32, #tpu.memory_space<vmem>>) offsets(%dma_start3A_901 : memref<72xi32, #tpu.memory_space<vmem>>) semaphore(%arg10 : memref<!tpu.dma_semaphore, #tpu.memory_space<semaphore_mem>>)
      %dma_start3A_905 = arith.constant 2 : i32
      %dma_start3A_906 = arith.constant 2 : i32
      %dma_start3A_907 = arith.constant 0 : i32
      %dma_start3A_908 = arith.constant 0 : i32
      %dma_start3A_909 = tpu.memref_slice %arg8[%dma_start3A_906, %dma_start3A_907, %dma_start3A_908] : memref<4x200x64xf32, #tpu.memory_space<vmem>> -> memref<1x128x64xf32, #tpu.memory_space<vmem>>
      %dma_start3A_910 = tpu.memref_squeeze %dma_start3A_909 : memref<1x128x64xf32, #tpu.memory_space<vmem>> -> memref<128x64xf32, #tpu.memory_space<vmem>>
      %dma_start3A_911 = arith.constant 0 : i32
      %dma_start3A_912 = tpu.memref_slice %arg6[%dma_start3A_905, %dma_start3A_911] : memref<4x200xi32, #tpu.memory_space<vmem>> -> memref<1x128xi32, #tpu.memory_space<vmem>>
      %dma_start3A_913 = tpu.memref_squeeze %dma_start3A_912 : memref<1x128xi32, #tpu.memory_space<vmem>> -> memref<128xi32, #tpu.memory_space<vmem>>
      %dma_start3A_914 = arith.constant 0 : i32
      %dma_start3A_915 = arith.constant 0 : i32
      %dma_start3A_916 = tpu.memref_slice %arg3[%dma_start3A_914, %dma_start3A_915] : memref<100000x64xf32, #tpu.memory_space<hbm>> -> memref<100000x64xf32, #tpu.memory_space<hbm>>
      tpu.enqueue_indirect_dma source(%dma_start3A_916 : memref<100000x64xf32, #tpu.memory_space<hbm>>) target(%dma_start3A_910 : memref<128x64xf32, #tpu.memory_space<vmem>>) offsets(%dma_start3A_913 : memref<128xi32, #tpu.memory_space<vmem>>) semaphore(%arg10 : memref<!tpu.dma_semaphore, #tpu.memory_space<semaphore_mem>>)
      %dma_start3A_917 = arith.constant 2 : i32
      %dma_start3A_918 = arith.constant 2 : i32
      %dma_start3A_919 = arith.constant 128 : i32
      %dma_start3A_920 = arith.constant 0 : i32
      %dma_start3A_921 = tpu.memref_slice %arg8[%dma_start3A_918, %dma_start3A_919, %dma_start3A_920] : memref<4x200x64xf32, #tpu.memory_space<vmem>> -> memref<1x72x64xf32, #tpu.memory_space<vmem>>
      %dma_start3A_922 = tpu.memref_squeeze %dma_start3A_921 : memref<1x72x64xf32, #tpu.memory_space<vmem>> -> memref<72x64xf32, #tpu.memory_space<vmem>>
      %dma_start3A_923 = arith.constant 128 : i32
      %dma_start3A_924 = tpu.memref_slice %arg6[%dma_start3A_917, %dma_start3A_923] : memref<4x200xi32, #tpu.memory_space<vmem>> -> memref<1x72xi32, #tpu.memory_space<vmem>>
      %dma_start3A_925 = tpu.memref_squeeze %dma_start3A_924 : memref<1x72xi32, #tpu.memory_space<vmem>> -> memref<72xi32, #tpu.memory_space<vmem>>
      %dma_start3A_926 = arith.constant 0 : i32
      %dma_start3A_927 = arith.constant 0 : i32
      %dma_start3A_928 = tpu.memref_slice %arg3[%dma_start3A_926, %dma_start3A_927] : memref<100000x64xf32, #tpu.memory_space<hbm>> -> memref<100000x64xf32, #tpu.memory_space<hbm>>
      tpu.enqueue_indirect_dma source(%dma_start3A_928 : memref<100000x64xf32, #tpu.memory_space<hbm>>) target(%dma_start3A_922 : memref<72x64xf32, #tpu.memory_space<vmem>>) offsets(%dma_start3A_925 : memref<72xi32, #tpu.memory_space<vmem>>) semaphore(%arg10 : memref<!tpu.dma_semaphore, #tpu.memory_space<semaphore_mem>>)
      %dma_start3A_929 = arith.constant 3 : i32
      %dma_start3A_930 = arith.constant 3 : i32
      %dma_start3A_931 = arith.constant 0 : i32
      %dma_start3A_932 = arith.constant 0 : i32
      %dma_start3A_933 = tpu.memref_slice %arg8[%dma_start3A_930, %dma_start3A_931, %dma_start3A_932] : memref<4x200x64xf32, #tpu.memory_space<vmem>> -> memref<1x128x64xf32, #tpu.memory_space<vmem>>
      %dma_start3A_934 = tpu.memref_squeeze %dma_start3A_933 : memref<1x128x64xf32, #tpu.memory_space<vmem>> -> memref<128x64xf32, #tpu.memory_space<vmem>>
      %dma_start3A_935 = arith.constant 0 : i32
      %dma_start3A_936 = tpu.memref_slice %arg6[%dma_start3A_929, %dma_start3A_935] : memref<4x200xi32, #tpu.memory_space<vmem>> -> memref<1x128xi32, #tpu.memory_space<vmem>>
      %dma_start3A_937 = tpu.memref_squeeze %dma_start3A_936 : memref<1x128xi32, #tpu.memory_space<vmem>> -> memref<128xi32, #tpu.memory_space<vmem>>
      %dma_start3A_938 = arith.constant 0 : i32
      %dma_start3A_939 = arith.constant 0 : i32
      %dma_start3A_940 = tpu.memref_slice %arg3[%dma_start3A_938, %dma_start3A_939] : memref<100000x64xf32, #tpu.memory_space<hbm>> -> memref<100000x64xf32, #tpu.memory_space<hbm>>
      tpu.enqueue_indirect_dma source(%dma_start3A_940 : memref<100000x64xf32, #tpu.memory_space<hbm>>) target(%dma_start3A_934 : memref<128x64xf32, #tpu.memory_space<vmem>>) offsets(%dma_start3A_937 : memref<128xi32, #tpu.memory_space<vmem>>) semaphore(%arg10 : memref<!tpu.dma_semaphore, #tpu.memory_space<semaphore_mem>>)
      %dma_start3A_941 = arith.constant 3 : i32
      %dma_start3A_942 = arith.constant 3 : i32
      %dma_start3A_943 = arith.constant 128 : i32
      %dma_start3A_944 = arith.constant 0 : i32
      %dma_start3A_945 = tpu.memref_slice %arg8[%dma_start3A_942, %dma_start3A_943, %dma_start3A_944] : memref<4x200x64xf32, #tpu.memory_space<vmem>> -> memref<1x72x64xf32, #tpu.memory_space<vmem>>
      %dma_start3A_946 = tpu.memref_squeeze %dma_start3A_945 : memref<1x72x64xf32, #tpu.memory_space<vmem>> -> memref<72x64xf32, #tpu.memory_space<vmem>>
      %dma_start3A_947 = arith.constant 128 : i32
      %dma_start3A_948 = tpu.memref_slice %arg6[%dma_start3A_941, %dma_start3A_947] : memref<4x200xi32, #tpu.memory_space<vmem>> -> memref<1x72xi32, #tpu.memory_space<vmem>>
      %dma_start3A_949 = tpu.memref_squeeze %dma_start3A_948 : memref<1x72xi32, #tpu.memory_space<vmem>> -> memref<72xi32, #tpu.memory_space<vmem>>
      %dma_start3A_950 = arith.constant 0 : i32
      %dma_start3A_951 = arith.constant 0 : i32
      %dma_start3A_952 = tpu.memref_slice %arg3[%dma_start3A_950, %dma_start3A_951] : memref<100000x64xf32, #tpu.memory_space<hbm>> -> memref<100000x64xf32, #tpu.memory_space<hbm>>
      tpu.enqueue_indirect_dma source(%dma_start3A_952 : memref<100000x64xf32, #tpu.memory_space<hbm>>) target(%dma_start3A_946 : memref<72x64xf32, #tpu.memory_space<vmem>>) offsets(%dma_start3A_949 : memref<72xi32, #tpu.memory_space<vmem>>) semaphore(%arg10 : memref<!tpu.dma_semaphore, #tpu.memory_space<semaphore_mem>>)
      %dma_wait3A_953 = arith.constant 0 : i32
      %dma_wait3A_954 = arith.constant 0 : i32
      %dma_wait3A_955 = arith.constant 0 : i32
      %dma_wait3A_956 = arith.constant 0 : i32
      %dma_wait3A_957 = tpu.memref_slice %arg7[%dma_wait3A_954, %dma_wait3A_955, %dma_wait3A_956] : memref<4x200x64xf32, #tpu.memory_space<vmem>> -> memref<1x128x64xf32, #tpu.memory_space<vmem>>
      %dma_wait3A_958 = tpu.memref_squeeze %dma_wait3A_957 : memref<1x128x64xf32, #tpu.memory_space<vmem>> -> memref<128x64xf32, #tpu.memory_space<vmem>>
      %dma_wait3A_959 = arith.constant 0 : i32
      %dma_wait3A_960 = tpu.memref_slice %arg5[%dma_wait3A_953, %dma_wait3A_959] : memref<4x200xi32, #tpu.memory_space<vmem>> -> memref<1x128xi32, #tpu.memory_space<vmem>>
      %dma_wait3A_961 = tpu.memref_squeeze %dma_wait3A_960 : memref<1x128xi32, #tpu.memory_space<vmem>> -> memref<128xi32, #tpu.memory_space<vmem>>
      %dma_wait3A_962 = arith.constant 0 : i32
      %dma_wait3A_963 = arith.constant 0 : i32
      %dma_wait3A_964 = tpu.memref_slice %arg3[%dma_wait3A_962, %dma_wait3A_963] : memref<100000x64xf32, #tpu.memory_space<hbm>> -> memref<100000x64xf32, #tpu.memory_space<hbm>>
      tpu.wait_indirect_dma semaphore(%arg9 : memref<!tpu.dma_semaphore, #tpu.memory_space<semaphore_mem>>) src(%dma_wait3A_964 : memref<100000x64xf32, #tpu.memory_space<hbm>>) dst(%dma_wait3A_958 : memref<128x64xf32, #tpu.memory_space<vmem>>)
      %dma_wait3A_965 = arith.constant 0 : i32
      %dma_wait3A_966 = arith.constant 0 : i32
      %dma_wait3A_967 = arith.constant 128 : i32
      %dma_wait3A_968 = arith.constant 0 : i32
      %dma_wait3A_969 = tpu.memref_slice %arg7[%dma_wait3A_966, %dma_wait3A_967, %dma_wait3A_968] : memref<4x200x64xf32, #tpu.memory_space<vmem>> -> memref<1x72x64xf32, #tpu.memory_space<vmem>>
      %dma_wait3A_970 = tpu.memref_squeeze %dma_wait3A_969 : memref<1x72x64xf32, #tpu.memory_space<vmem>> -> memref<72x64xf32, #tpu.memory_space<vmem>>
      %dma_wait3A_971 = arith.constant 128 : i32
      %dma_wait3A_972 = tpu.memref_slice %arg5[%dma_wait3A_965, %dma_wait3A_971] : memref<4x200xi32, #tpu.memory_space<vmem>> -> memref<1x72xi32, #tpu.memory_space<vmem>>
      %dma_wait3A_973 = tpu.memref_squeeze %dma_wait3A_972 : memref<1x72xi32, #tpu.memory_space<vmem>> -> memref<72xi32, #tpu.memory_space<vmem>>
      %dma_wait3A_974 = arith.constant 0 : i32
      %dma_wait3A_975 = arith.constant 0 : i32
      %dma_wait3A_976 = tpu.memref_slice %arg3[%dma_wait3A_974, %dma_wait3A_975] : memref<100000x64xf32, #tpu.memory_space<hbm>> -> memref<100000x64xf32, #tpu.memory_space<hbm>>
      tpu.wait_indirect_dma semaphore(%arg9 : memref<!tpu.dma_semaphore, #tpu.memory_space<semaphore_mem>>) src(%dma_wait3A_976 : memref<100000x64xf32, #tpu.memory_space<hbm>>) dst(%dma_wait3A_970 : memref<72x64xf32, #tpu.memory_space<vmem>>)
      %dma_wait3A_977 = arith.constant 1 : i32
      %dma_wait3A_978 = arith.constant 1 : i32
      %dma_wait3A_979 = arith.constant 0 : i32
      %dma_wait3A_980 = arith.constant 0 : i32
      %dma_wait3A_981 = tpu.memref_slice %arg7[%dma_wait3A_978, %dma_wait3A_979, %dma_wait3A_980] : memref<4x200x64xf32, #tpu.memory_space<vmem>> -> memref<1x128x64xf32, #tpu.memory_space<vmem>>
      %dma_wait3A_982 = tpu.memref_squeeze %dma_wait3A_981 : memref<1x128x64xf32, #tpu.memory_space<vmem>> -> memref<128x64xf32, #tpu.memory_space<vmem>>
      %dma_wait3A_983 = arith.constant 0 : i32
      %dma_wait3A_984 = tpu.memref_slice %arg5[%dma_wait3A_977, %dma_wait3A_983] : memref<4x200xi32, #tpu.memory_space<vmem>> -> memref<1x128xi32, #tpu.memory_space<vmem>>
      %dma_wait3A_985 = tpu.memref_squeeze %dma_wait3A_984 : memref<1x128xi32, #tpu.memory_space<vmem>> -> memref<128xi32, #tpu.memory_space<vmem>>
      %dma_wait3A_986 = arith.constant 0 : i32
      %dma_wait3A_987 = arith.constant 0 : i32
      %dma_wait3A_988 = tpu.memref_slice %arg3[%dma_wait3A_986, %dma_wait3A_987] : memref<100000x64xf32, #tpu.memory_space<hbm>> -> memref<100000x64xf32, #tpu.memory_space<hbm>>
      tpu.wait_indirect_dma semaphore(%arg9 : memref<!tpu.dma_semaphore, #tpu.memory_space<semaphore_mem>>) src(%dma_wait3A_988 : memref<100000x64xf32, #tpu.memory_space<hbm>>) dst(%dma_wait3A_982 : memref<128x64xf32, #tpu.memory_space<vmem>>)
      %dma_wait3A_989 = arith.constant 1 : i32
      %dma_wait3A_990 = arith.constant 1 : i32
      %dma_wait3A_991 = arith.constant 128 : i32
      %dma_wait3A_992 = arith.constant 0 : i32
      %dma_wait3A_993 = tpu.memref_slice %arg7[%dma_wait3A_990, %dma_wait3A_991, %dma_wait3A_992] : memref<4x200x64xf32, #tpu.memory_space<vmem>> -> memref<1x72x64xf32, #tpu.memory_space<vmem>>
      %dma_wait3A_994 = tpu.memref_squeeze %dma_wait3A_993 : memref<1x72x64xf32, #tpu.memory_space<vmem>> -> memref<72x64xf32, #tpu.memory_space<vmem>>
      %dma_wait3A_995 = arith.constant 128 : i32
      %dma_wait3A_996 = tpu.memref_slice %arg5[%dma_wait3A_989, %dma_wait3A_995] : memref<4x200xi32, #tpu.memory_space<vmem>> -> memref<1x72xi32, #tpu.memory_space<vmem>>
      %dma_wait3A_997 = tpu.memref_squeeze %dma_wait3A_996 : memref<1x72xi32, #tpu.memory_space<vmem>> -> memref<72xi32, #tpu.memory_space<vmem>>
      %dma_wait3A_998 = arith.constant 0 : i32
      %dma_wait3A_999 = arith.constant 0 : i32
      %dma_wait3A_1000 = tpu.memref_slice %arg3[%dma_wait3A_998, %dma_wait3A_999] : memref<100000x64xf32, #tpu.memory_space<hbm>> -> memref<100000x64xf32, #tpu.memory_space<hbm>>
      tpu.wait_indirect_dma semaphore(%arg9 : memref<!tpu.dma_semaphore, #tpu.memory_space<semaphore_mem>>) src(%dma_wait3A_1000 : memref<100000x64xf32, #tpu.memory_space<hbm>>) dst(%dma_wait3A_994 : memref<72x64xf32, #tpu.memory_space<vmem>>)
      %dma_wait3A_1001 = arith.constant 2 : i32
      %dma_wait3A_1002 = arith.constant 2 : i32
      %dma_wait3A_1003 = arith.constant 0 : i32
      %dma_wait3A_1004 = arith.constant 0 : i32
      %dma_wait3A_1005 = tpu.memref_slice %arg7[%dma_wait3A_1002, %dma_wait3A_1003, %dma_wait3A_1004] : memref<4x200x64xf32, #tpu.memory_space<vmem>> -> memref<1x128x64xf32, #tpu.memory_space<vmem>>
      %dma_wait3A_1006 = tpu.memref_squeeze %dma_wait3A_1005 : memref<1x128x64xf32, #tpu.memory_space<vmem>> -> memref<128x64xf32, #tpu.memory_space<vmem>>
      %dma_wait3A_1007 = arith.constant 0 : i32
      %dma_wait3A_1008 = tpu.memref_slice %arg5[%dma_wait3A_1001, %dma_wait3A_1007] : memref<4x200xi32, #tpu.memory_space<vmem>> -> memref<1x128xi32, #tpu.memory_space<vmem>>
      %dma_wait3A_1009 = tpu.memref_squeeze %dma_wait3A_1008 : memref<1x128xi32, #tpu.memory_space<vmem>> -> memref<128xi32, #tpu.memory_space<vmem>>
      %dma_wait3A_1010 = arith.constant 0 : i32
      %dma_wait3A_1011 = arith.constant 0 : i32
      %dma_wait3A_1012 = tpu.memref_slice %arg3[%dma_wait3A_1010, %dma_wait3A_1011] : memref<100000x64xf32, #tpu.memory_space<hbm>> -> memref<100000x64xf32, #tpu.memory_space<hbm>>
      tpu.wait_indirect_dma semaphore(%arg9 : memref<!tpu.dma_semaphore, #tpu.memory_space<semaphore_mem>>) src(%dma_wait3A_1012 : memref<100000x64xf32, #tpu.memory_space<hbm>>) dst(%dma_wait3A_1006 : memref<128x64xf32, #tpu.memory_space<vmem>>)
      %dma_wait3A_1013 = arith.constant 2 : i32
      %dma_wait3A_1014 = arith.constant 2 : i32
      %dma_wait3A_1015 = arith.constant 128 : i32
      %dma_wait3A_1016 = arith.constant 0 : i32
      %dma_wait3A_1017 = tpu.memref_slice %arg7[%dma_wait3A_1014, %dma_wait3A_1015, %dma_wait3A_1016] : memref<4x200x64xf32, #tpu.memory_space<vmem>> -> memref<1x72x64xf32, #tpu.memory_space<vmem>>
      %dma_wait3A_1018 = tpu.memref_squeeze %dma_wait3A_1017 : memref<1x72x64xf32, #tpu.memory_space<vmem>> -> memref<72x64xf32, #tpu.memory_space<vmem>>
      %dma_wait3A_1019 = arith.constant 128 : i32
      %dma_wait3A_1020 = tpu.memref_slice %arg5[%dma_wait3A_1013, %dma_wait3A_1019] : memref<4x200xi32, #tpu.memory_space<vmem>> -> memref<1x72xi32, #tpu.memory_space<vmem>>
      %dma_wait3A_1021 = tpu.memref_squeeze %dma_wait3A_1020 : memref<1x72xi32, #tpu.memory_space<vmem>> -> memref<72xi32, #tpu.memory_space<vmem>>
      %dma_wait3A_1022 = arith.constant 0 : i32
      %dma_wait3A_1023 = arith.constant 0 : i32
      %dma_wait3A_1024 = tpu.memref_slice %arg3[%dma_wait3A_1022, %dma_wait3A_1023] : memref<100000x64xf32, #tpu.memory_space<hbm>> -> memref<100000x64xf32, #tpu.memory_space<hbm>>
      tpu.wait_indirect_dma semaphore(%arg9 : memref<!tpu.dma_semaphore, #tpu.memory_space<semaphore_mem>>) src(%dma_wait3A_1024 : memref<100000x64xf32, #tpu.memory_space<hbm>>) dst(%dma_wait3A_1018 : memref<72x64xf32, #tpu.memory_space<vmem>>)
      %dma_wait3A_1025 = arith.constant 3 : i32
      %dma_wait3A_1026 = arith.constant 3 : i32
      %dma_wait3A_1027 = arith.constant 0 : i32
      %dma_wait3A_1028 = arith.constant 0 : i32
      %dma_wait3A_1029 = tpu.memref_slice %arg7[%dma_wait3A_1026, %dma_wait3A_1027, %dma_wait3A_1028] : memref<4x200x64xf32, #tpu.memory_space<vmem>> -> memref<1x128x64xf32, #tpu.memory_space<vmem>>
      %dma_wait3A_1030 = tpu.memref_squeeze %dma_wait3A_1029 : memref<1x128x64xf32, #tpu.memory_space<vmem>> -> memref<128x64xf32, #tpu.memory_space<vmem>>
      %dma_wait3A_1031 = arith.constant 0 : i32
      %dma_wait3A_1032 = tpu.memref_slice %arg5[%dma_wait3A_1025, %dma_wait3A_1031] : memref<4x200xi32, #tpu.memory_space<vmem>> -> memref<1x128xi32, #tpu.memory_space<vmem>>
      %dma_wait3A_1033 = tpu.memref_squeeze %dma_wait3A_1032 : memref<1x128xi32, #tpu.memory_space<vmem>> -> memref<128xi32, #tpu.memory_space<vmem>>
      %dma_wait3A_1034 = arith.constant 0 : i32
      %dma_wait3A_1035 = arith.constant 0 : i32
      %dma_wait3A_1036 = tpu.memref_slice %arg3[%dma_wait3A_1034, %dma_wait3A_1035] : memref<100000x64xf32, #tpu.memory_space<hbm>> -> memref<100000x64xf32, #tpu.memory_space<hbm>>
      tpu.wait_indirect_dma semaphore(%arg9 : memref<!tpu.dma_semaphore, #tpu.memory_space<semaphore_mem>>) src(%dma_wait3A_1036 : memref<100000x64xf32, #tpu.memory_space<hbm>>) dst(%dma_wait3A_1030 : memref<128x64xf32, #tpu.memory_space<vmem>>)
      %dma_wait3A_1037 = arith.constant 3 : i32
      %dma_wait3A_1038 = arith.constant 3 : i32
      %dma_wait3A_1039 = arith.constant 128 : i32
      %dma_wait3A_1040 = arith.constant 0 : i32
      %dma_wait3A_1041 = tpu.memref_slice %arg7[%dma_wait3A_1038, %dma_wait3A_1039, %dma_wait3A_1040] : memref<4x200x64xf32, #tpu.memory_space<vmem>> -> memref<1x72x64xf32, #tpu.memory_space<vmem>>
      %dma_wait3A_1042 = tpu.memref_squeeze %dma_wait3A_1041 : memref<1x72x64xf32, #tpu.memory_space<vmem>> -> memref<72x64xf32, #tpu.memory_space<vmem>>
      %dma_wait3A_1043 = arith.constant 128 : i32
      %dma_wait3A_1044 = tpu.memref_slice %arg5[%dma_wait3A_1037, %dma_wait3A_1043] : memref<4x200xi32, #tpu.memory_space<vmem>> -> memref<1x72xi32, #tpu.memory_space<vmem>>
      %dma_wait3A_1045 = tpu.memref_squeeze %dma_wait3A_1044 : memref<1x72xi32, #tpu.memory_space<vmem>> -> memref<72xi32, #tpu.memory_space<vmem>>
      %dma_wait3A_1046 = arith.constant 0 : i32
      %dma_wait3A_1047 = arith.constant 0 : i32
      %dma_wait3A_1048 = tpu.memref_slice %arg3[%dma_wait3A_1046, %dma_wait3A_1047] : memref<100000x64xf32, #tpu.memory_space<hbm>> -> memref<100000x64xf32, #tpu.memory_space<hbm>>
      tpu.wait_indirect_dma semaphore(%arg9 : memref<!tpu.dma_semaphore, #tpu.memory_space<semaphore_mem>>) src(%dma_wait3A_1048 : memref<100000x64xf32, #tpu.memory_space<hbm>>) dst(%dma_wait3A_1042 : memref<72x64xf32, #tpu.memory_space<vmem>>)
      %mul3A_1049 = arith.constant 4 : i32
      %mul3A_1050 = arith.muli %mul3A_848, %mul3A_1049 : i32
      %add3A_1051 = arith.addi %mul3A_2, %mul3A_1050 : i32
      %dma_start3A_1052 = arith.constant 0 : i32
      %dma_start3A_1053 = arith.constant 0 : i32
      %dma_start3A_1054 = tpu.memref_slice %arg4[%add3A_1051, %dma_start3A_1052, %dma_start3A_1053] : memref<4096x200x64xf32, #tpu.memory_space<hbm>> -> memref<4x200x64xf32, #tpu.memory_space<hbm>>
      %dma_start3A_1055 = arith.constant 0 : i32
      %dma_start3A_1056 = arith.constant 0 : i32
      %dma_start3A_1057 = tpu.memref_slice %arg4[%add3A_1051, %dma_start3A_1055, %dma_start3A_1056] : memref<4096x200x64xf32, #tpu.memory_space<hbm>> -> memref<4x200x64xf32, #tpu.memory_space<hbm>>
      tpu.enqueue_dma source(%arg7 : memref<4x200x64xf32, #tpu.memory_space<vmem>>) target(%dma_start3A_1057 : memref<4x200x64xf32, #tpu.memory_space<hbm>>) target_semaphore(%arg11 : memref<!tpu.dma_semaphore, #tpu.memory_space<semaphore_mem>>)
      %add3A_1058 = arith.constant 2 : i32
      %add3A_1059 = arith.addi %mul3A_848, %add3A_1058 : i32
      %mul3A_1060 = arith.constant 4 : i32
      %mul3A_1061 = arith.muli %add3A_1059, %mul3A_1060 : i32
      %add3A_1062 = arith.addi %mul3A_2, %mul3A_1061 : i32
      "tpu.region"() ({
        %run_scoped3A = tpu.sem_alloc : memref<!tpu.dma_semaphore, #tpu.memory_space<semaphore_mem>>
        %dma_start3A_1281 = arith.constant 0 : i32
        %dma_start3A_1282 = tpu.memref_slice %arg2[%add3A_1062, %dma_start3A_1281] : memref<4096x200xi32, #tpu.memory_space<hbm>> -> memref<4x200xi32, #tpu.memory_space<hbm>>
        %dma_start3A_1283 = arith.constant 0 : i32
        %dma_start3A_1284 = tpu.memref_slice %arg2[%add3A_1062, %dma_start3A_1283] : memref<4096x200xi32, #tpu.memory_space<hbm>> -> memref<4x200xi32, #tpu.memory_space<hbm>>
        tpu.enqueue_dma source(%dma_start3A_1284 : memref<4x200xi32, #tpu.memory_space<hbm>>) target(%arg5 : memref<4x200xi32, #tpu.memory_space<vmem>>) target_semaphore(%run_scoped3A : memref<!tpu.dma_semaphore, #tpu.memory_space<semaphore_mem>>)
        %dma_wait3A_1285 = arith.constant 0 : i32
        %dma_wait3A_1286 = tpu.memref_slice %arg2[%add3A_1062, %dma_wait3A_1285] : memref<4096x200xi32, #tpu.memory_space<hbm>> -> memref<4x200xi32, #tpu.memory_space<hbm>>
        %dma_wait3A_1287 = arith.constant 0 : i32
        %dma_wait3A_1288 = tpu.memref_slice %arg2[%add3A_1062, %dma_wait3A_1287] : memref<4096x200xi32, #tpu.memory_space<hbm>> -> memref<4x200xi32, #tpu.memory_space<hbm>>
        tpu.wait_dma2 semaphore(%run_scoped3A : memref<!tpu.dma_semaphore, #tpu.memory_space<semaphore_mem>>) src(%dma_wait3A_1288 : memref<4x200xi32, #tpu.memory_space<hbm>>) dst(%arg5 : memref<4x200xi32, #tpu.memory_space<vmem>>)
        tpu.yield
      }) : () -> ()
      %mul3A_1063 = arith.constant 2 : i32
      %mul3A_1064 = arith.muli %mul3A_1063, %scan3A_846 : i32
      %add3A_1065 = arith.constant 1 : i32
      %add3A_1066 = arith.addi %mul3A_1064, %add3A_1065 : i32
      %dma_wait3A_1067 = arith.constant 0 : i32
      %dma_wait3A_1068 = arith.constant 0 : i32
      %dma_wait3A_1069 = arith.constant 0 : i32
      %dma_wait3A_1070 = tpu.memref_slice %arg4[%dma_wait3A_1067, %dma_wait3A_1068, %dma_wait3A_1069] : memref<4096x200x64xf32, #tpu.memory_space<hbm>> -> memref<4x200x64xf32, #tpu.memory_space<hbm>>
      %dma_wait3A_1071 = arith.constant 0 : i32
      %dma_wait3A_1072 = arith.constant 0 : i32
      %dma_wait3A_1073 = arith.constant 0 : i32
      %dma_wait3A_1074 = tpu.memref_slice %arg4[%dma_wait3A_1071, %dma_wait3A_1072, %dma_wait3A_1073] : memref<4096x200x64xf32, #tpu.memory_space<hbm>> -> memref<4x200x64xf32, #tpu.memory_space<hbm>>
      tpu.wait_dma2 semaphore(%arg11 : memref<!tpu.dma_semaphore, #tpu.memory_space<semaphore_mem>>) src(%arg7 : memref<4x200x64xf32, #tpu.memory_space<vmem>>) dst(%dma_wait3A_1074 : memref<4x200x64xf32, #tpu.memory_space<hbm>>)
      %dma_start3A_1075 = arith.constant 0 : i32
      %dma_start3A_1076 = arith.constant 0 : i32
      %dma_start3A_1077 = arith.constant 0 : i32
      %dma_start3A_1078 = arith.constant 0 : i32
      %dma_start3A_1079 = tpu.memref_slice %arg7[%dma_start3A_1076, %dma_start3A_1077, %dma_start3A_1078] : memref<4x200x64xf32, #tpu.memory_space<vmem>> -> memref<1x128x64xf32, #tpu.memory_space<vmem>>
      %dma_start3A_1080 = tpu.memref_squeeze %dma_start3A_1079 : memref<1x128x64xf32, #tpu.memory_space<vmem>> -> memref<128x64xf32, #tpu.memory_space<vmem>>
      %dma_start3A_1081 = arith.constant 0 : i32
      %dma_start3A_1082 = tpu.memref_slice %arg5[%dma_start3A_1075, %dma_start3A_1081] : memref<4x200xi32, #tpu.memory_space<vmem>> -> memref<1x128xi32, #tpu.memory_space<vmem>>
      %dma_start3A_1083 = tpu.memref_squeeze %dma_start3A_1082 : memref<1x128xi32, #tpu.memory_space<vmem>> -> memref<128xi32, #tpu.memory_space<vmem>>
      %dma_start3A_1084 = arith.constant 0 : i32
      %dma_start3A_1085 = arith.constant 0 : i32
      %dma_start3A_1086 = tpu.memref_slice %arg3[%dma_start3A_1084, %dma_start3A_1085] : memref<100000x64xf32, #tpu.memory_space<hbm>> -> memref<100000x64xf32, #tpu.memory_space<hbm>>
      tpu.enqueue_indirect_dma source(%dma_start3A_1086 : memref<100000x64xf32, #tpu.memory_space<hbm>>) target(%dma_start3A_1080 : memref<128x64xf32, #tpu.memory_space<vmem>>) offsets(%dma_start3A_1083 : memref<128xi32, #tpu.memory_space<vmem>>) semaphore(%arg9 : memref<!tpu.dma_semaphore, #tpu.memory_space<semaphore_mem>>)
      %dma_start3A_1087 = arith.constant 0 : i32
      %dma_start3A_1088 = arith.constant 0 : i32
      %dma_start3A_1089 = arith.constant 128 : i32
      %dma_start3A_1090 = arith.constant 0 : i32
      %dma_start3A_1091 = tpu.memref_slice %arg7[%dma_start3A_1088, %dma_start3A_1089, %dma_start3A_1090] : memref<4x200x64xf32, #tpu.memory_space<vmem>> -> memref<1x72x64xf32, #tpu.memory_space<vmem>>
      %dma_start3A_1092 = tpu.memref_squeeze %dma_start3A_1091 : memref<1x72x64xf32, #tpu.memory_space<vmem>> -> memref<72x64xf32, #tpu.memory_space<vmem>>
      %dma_start3A_1093 = arith.constant 128 : i32
      %dma_start3A_1094 = tpu.memref_slice %arg5[%dma_start3A_1087, %dma_start3A_1093] : memref<4x200xi32, #tpu.memory_space<vmem>> -> memref<1x72xi32, #tpu.memory_space<vmem>>
      %dma_start3A_1095 = tpu.memref_squeeze %dma_start3A_1094 : memref<1x72xi32, #tpu.memory_space<vmem>> -> memref<72xi32, #tpu.memory_space<vmem>>
      %dma_start3A_1096 = arith.constant 0 : i32
      %dma_start3A_1097 = arith.constant 0 : i32
      %dma_start3A_1098 = tpu.memref_slice %arg3[%dma_start3A_1096, %dma_start3A_1097] : memref<100000x64xf32, #tpu.memory_space<hbm>> -> memref<100000x64xf32, #tpu.memory_space<hbm>>
      tpu.enqueue_indirect_dma source(%dma_start3A_1098 : memref<100000x64xf32, #tpu.memory_space<hbm>>) target(%dma_start3A_1092 : memref<72x64xf32, #tpu.memory_space<vmem>>) offsets(%dma_start3A_1095 : memref<72xi32, #tpu.memory_space<vmem>>) semaphore(%arg9 : memref<!tpu.dma_semaphore, #tpu.memory_space<semaphore_mem>>)
      %dma_start3A_1099 = arith.constant 1 : i32
      %dma_start3A_1100 = arith.constant 1 : i32
      %dma_start3A_1101 = arith.constant 0 : i32
      %dma_start3A_1102 = arith.constant 0 : i32
      %dma_start3A_1103 = tpu.memref_slice %arg7[%dma_start3A_1100, %dma_start3A_1101, %dma_start3A_1102] : memref<4x200x64xf32, #tpu.memory_space<vmem>> -> memref<1x128x64xf32, #tpu.memory_space<vmem>>
      %dma_start3A_1104 = tpu.memref_squeeze %dma_start3A_1103 : memref<1x128x64xf32, #tpu.memory_space<vmem>> -> memref<128x64xf32, #tpu.memory_space<vmem>>
      %dma_start3A_1105 = arith.constant 0 : i32
      %dma_start3A_1106 = tpu.memref_slice %arg5[%dma_start3A_1099, %dma_start3A_1105] : memref<4x200xi32, #tpu.memory_space<vmem>> -> memref<1x128xi32, #tpu.memory_space<vmem>>
      %dma_start3A_1107 = tpu.memref_squeeze %dma_start3A_1106 : memref<1x128xi32, #tpu.memory_space<vmem>> -> memref<128xi32, #tpu.memory_space<vmem>>
      %dma_start3A_1108 = arith.constant 0 : i32
      %dma_start3A_1109 = arith.constant 0 : i32
      %dma_start3A_1110 = tpu.memref_slice %arg3[%dma_start3A_1108, %dma_start3A_1109] : memref<100000x64xf32, #tpu.memory_space<hbm>> -> memref<100000x64xf32, #tpu.memory_space<hbm>>
      tpu.enqueue_indirect_dma source(%dma_start3A_1110 : memref<100000x64xf32, #tpu.memory_space<hbm>>) target(%dma_start3A_1104 : memref<128x64xf32, #tpu.memory_space<vmem>>) offsets(%dma_start3A_1107 : memref<128xi32, #tpu.memory_space<vmem>>) semaphore(%arg9 : memref<!tpu.dma_semaphore, #tpu.memory_space<semaphore_mem>>)
      %dma_start3A_1111 = arith.constant 1 : i32
      %dma_start3A_1112 = arith.constant 1 : i32
      %dma_start3A_1113 = arith.constant 128 : i32
      %dma_start3A_1114 = arith.constant 0 : i32
      %dma_start3A_1115 = tpu.memref_slice %arg7[%dma_start3A_1112, %dma_start3A_1113, %dma_start3A_1114] : memref<4x200x64xf32, #tpu.memory_space<vmem>> -> memref<1x72x64xf32, #tpu.memory_space<vmem>>
      %dma_start3A_1116 = tpu.memref_squeeze %dma_start3A_1115 : memref<1x72x64xf32, #tpu.memory_space<vmem>> -> memref<72x64xf32, #tpu.memory_space<vmem>>
      %dma_start3A_1117 = arith.constant 128 : i32
      %dma_start3A_1118 = tpu.memref_slice %arg5[%dma_start3A_1111, %dma_start3A_1117] : memref<4x200xi32, #tpu.memory_space<vmem>> -> memref<1x72xi32, #tpu.memory_space<vmem>>
      %dma_start3A_1119 = tpu.memref_squeeze %dma_start3A_1118 : memref<1x72xi32, #tpu.memory_space<vmem>> -> memref<72xi32, #tpu.memory_space<vmem>>
      %dma_start3A_1120 = arith.constant 0 : i32
      %dma_start3A_1121 = arith.constant 0 : i32
      %dma_start3A_1122 = tpu.memref_slice %arg3[%dma_start3A_1120, %dma_start3A_1121] : memref<100000x64xf32, #tpu.memory_space<hbm>> -> memref<100000x64xf32, #tpu.memory_space<hbm>>
      tpu.enqueue_indirect_dma source(%dma_start3A_1122 : memref<100000x64xf32, #tpu.memory_space<hbm>>) target(%dma_start3A_1116 : memref<72x64xf32, #tpu.memory_space<vmem>>) offsets(%dma_start3A_1119 : memref<72xi32, #tpu.memory_space<vmem>>) semaphore(%arg9 : memref<!tpu.dma_semaphore, #tpu.memory_space<semaphore_mem>>)
      %dma_start3A_1123 = arith.constant 2 : i32
      %dma_start3A_1124 = arith.constant 2 : i32
      %dma_start3A_1125 = arith.constant 0 : i32
      %dma_start3A_1126 = arith.constant 0 : i32
      %dma_start3A_1127 = tpu.memref_slice %arg7[%dma_start3A_1124, %dma_start3A_1125, %dma_start3A_1126] : memref<4x200x64xf32, #tpu.memory_space<vmem>> -> memref<1x128x64xf32, #tpu.memory_space<vmem>>
      %dma_start3A_1128 = tpu.memref_squeeze %dma_start3A_1127 : memref<1x128x64xf32, #tpu.memory_space<vmem>> -> memref<128x64xf32, #tpu.memory_space<vmem>>
      %dma_start3A_1129 = arith.constant 0 : i32
      %dma_start3A_1130 = tpu.memref_slice %arg5[%dma_start3A_1123, %dma_start3A_1129] : memref<4x200xi32, #tpu.memory_space<vmem>> -> memref<1x128xi32, #tpu.memory_space<vmem>>
      %dma_start3A_1131 = tpu.memref_squeeze %dma_start3A_1130 : memref<1x128xi32, #tpu.memory_space<vmem>> -> memref<128xi32, #tpu.memory_space<vmem>>
      %dma_start3A_1132 = arith.constant 0 : i32
      %dma_start3A_1133 = arith.constant 0 : i32
      %dma_start3A_1134 = tpu.memref_slice %arg3[%dma_start3A_1132, %dma_start3A_1133] : memref<100000x64xf32, #tpu.memory_space<hbm>> -> memref<100000x64xf32, #tpu.memory_space<hbm>>
      tpu.enqueue_indirect_dma source(%dma_start3A_1134 : memref<100000x64xf32, #tpu.memory_space<hbm>>) target(%dma_start3A_1128 : memref<128x64xf32, #tpu.memory_space<vmem>>) offsets(%dma_start3A_1131 : memref<128xi32, #tpu.memory_space<vmem>>) semaphore(%arg9 : memref<!tpu.dma_semaphore, #tpu.memory_space<semaphore_mem>>)
      %dma_start3A_1135 = arith.constant 2 : i32
      %dma_start3A_1136 = arith.constant 2 : i32
      %dma_start3A_1137 = arith.constant 128 : i32
      %dma_start3A_1138 = arith.constant 0 : i32
      %dma_start3A_1139 = tpu.memref_slice %arg7[%dma_start3A_1136, %dma_start3A_1137, %dma_start3A_1138] : memref<4x200x64xf32, #tpu.memory_space<vmem>> -> memref<1x72x64xf32, #tpu.memory_space<vmem>>
      %dma_start3A_1140 = tpu.memref_squeeze %dma_start3A_1139 : memref<1x72x64xf32, #tpu.memory_space<vmem>> -> memref<72x64xf32, #tpu.memory_space<vmem>>
      %dma_start3A_1141 = arith.constant 128 : i32
      %dma_start3A_1142 = tpu.memref_slice %arg5[%dma_start3A_1135, %dma_start3A_1141] : memref<4x200xi32, #tpu.memory_space<vmem>> -> memref<1x72xi32, #tpu.memory_space<vmem>>
      %dma_start3A_1143 = tpu.memref_squeeze %dma_start3A_1142 : memref<1x72xi32, #tpu.memory_space<vmem>> -> memref<72xi32, #tpu.memory_space<vmem>>
      %dma_start3A_1144 = arith.constant 0 : i32
      %dma_start3A_1145 = arith.constant 0 : i32
      %dma_start3A_1146 = tpu.memref_slice %arg3[%dma_start3A_1144, %dma_start3A_1145] : memref<100000x64xf32, #tpu.memory_space<hbm>> -> memref<100000x64xf32, #tpu.memory_space<hbm>>
      tpu.enqueue_indirect_dma source(%dma_start3A_1146 : memref<100000x64xf32, #tpu.memory_space<hbm>>) target(%dma_start3A_1140 : memref<72x64xf32, #tpu.memory_space<vmem>>) offsets(%dma_start3A_1143 : memref<72xi32, #tpu.memory_space<vmem>>) semaphore(%arg9 : memref<!tpu.dma_semaphore, #tpu.memory_space<semaphore_mem>>)
      %dma_start3A_1147 = arith.constant 3 : i32
      %dma_start3A_1148 = arith.constant 3 : i32
      %dma_start3A_1149 = arith.constant 0 : i32
      %dma_start3A_1150 = arith.constant 0 : i32
      %dma_start3A_1151 = tpu.memref_slice %arg7[%dma_start3A_1148, %dma_start3A_1149, %dma_start3A_1150] : memref<4x200x64xf32, #tpu.memory_space<vmem>> -> memref<1x128x64xf32, #tpu.memory_space<vmem>>
      %dma_start3A_1152 = tpu.memref_squeeze %dma_start3A_1151 : memref<1x128x64xf32, #tpu.memory_space<vmem>> -> memref<128x64xf32, #tpu.memory_space<vmem>>
      %dma_start3A_1153 = arith.constant 0 : i32
      %dma_start3A_1154 = tpu.memref_slice %arg5[%dma_start3A_1147, %dma_start3A_1153] : memref<4x200xi32, #tpu.memory_space<vmem>> -> memref<1x128xi32, #tpu.memory_space<vmem>>
      %dma_start3A_1155 = tpu.memref_squeeze %dma_start3A_1154 : memref<1x128xi32, #tpu.memory_space<vmem>> -> memref<128xi32, #tpu.memory_space<vmem>>
      %dma_start3A_1156 = arith.constant 0 : i32
      %dma_start3A_1157 = arith.constant 0 : i32
      %dma_start3A_1158 = tpu.memref_slice %arg3[%dma_start3A_1156, %dma_start3A_1157] : memref<100000x64xf32, #tpu.memory_space<hbm>> -> memref<100000x64xf32, #tpu.memory_space<hbm>>
      tpu.enqueue_indirect_dma source(%dma_start3A_1158 : memref<100000x64xf32, #tpu.memory_space<hbm>>) target(%dma_start3A_1152 : memref<128x64xf32, #tpu.memory_space<vmem>>) offsets(%dma_start3A_1155 : memref<128xi32, #tpu.memory_space<vmem>>) semaphore(%arg9 : memref<!tpu.dma_semaphore, #tpu.memory_space<semaphore_mem>>)
      %dma_start3A_1159 = arith.constant 3 : i32
      %dma_start3A_1160 = arith.constant 3 : i32
      %dma_start3A_1161 = arith.constant 128 : i32
      %dma_start3A_1162 = arith.constant 0 : i32
      %dma_start3A_1163 = tpu.memref_slice %arg7[%dma_start3A_1160, %dma_start3A_1161, %dma_start3A_1162] : memref<4x200x64xf32, #tpu.memory_space<vmem>> -> memref<1x72x64xf32, #tpu.memory_space<vmem>>
      %dma_start3A_1164 = tpu.memref_squeeze %dma_start3A_1163 : memref<1x72x64xf32, #tpu.memory_space<vmem>> -> memref<72x64xf32, #tpu.memory_space<vmem>>
      %dma_start3A_1165 = arith.constant 128 : i32
      %dma_start3A_1166 = tpu.memref_slice %arg5[%dma_start3A_1159, %dma_start3A_1165] : memref<4x200xi32, #tpu.memory_space<vmem>> -> memref<1x72xi32, #tpu.memory_space<vmem>>
      %dma_start3A_1167 = tpu.memref_squeeze %dma_start3A_1166 : memref<1x72xi32, #tpu.memory_space<vmem>> -> memref<72xi32, #tpu.memory_space<vmem>>
      %dma_start3A_1168 = arith.constant 0 : i32
      %dma_start3A_1169 = arith.constant 0 : i32
      %dma_start3A_1170 = tpu.memref_slice %arg3[%dma_start3A_1168, %dma_start3A_1169] : memref<100000x64xf32, #tpu.memory_space<hbm>> -> memref<100000x64xf32, #tpu.memory_space<hbm>>
      tpu.enqueue_indirect_dma source(%dma_start3A_1170 : memref<100000x64xf32, #tpu.memory_space<hbm>>) target(%dma_start3A_1164 : memref<72x64xf32, #tpu.memory_space<vmem>>) offsets(%dma_start3A_1167 : memref<72xi32, #tpu.memory_space<vmem>>) semaphore(%arg9 : memref<!tpu.dma_semaphore, #tpu.memory_space<semaphore_mem>>)
      %dma_wait3A_1171 = arith.constant 0 : i32
      %dma_wait3A_1172 = arith.constant 0 : i32
      %dma_wait3A_1173 = arith.constant 0 : i32
      %dma_wait3A_1174 = arith.constant 0 : i32
      %dma_wait3A_1175 = tpu.memref_slice %arg8[%dma_wait3A_1172, %dma_wait3A_1173, %dma_wait3A_1174] : memref<4x200x64xf32, #tpu.memory_space<vmem>> -> memref<1x128x64xf32, #tpu.memory_space<vmem>>
      %dma_wait3A_1176 = tpu.memref_squeeze %dma_wait3A_1175 : memref<1x128x64xf32, #tpu.memory_space<vmem>> -> memref<128x64xf32, #tpu.memory_space<vmem>>
      %dma_wait3A_1177 = arith.constant 0 : i32
      %dma_wait3A_1178 = tpu.memref_slice %arg6[%dma_wait3A_1171, %dma_wait3A_1177] : memref<4x200xi32, #tpu.memory_space<vmem>> -> memref<1x128xi32, #tpu.memory_space<vmem>>
      %dma_wait3A_1179 = tpu.memref_squeeze %dma_wait3A_1178 : memref<1x128xi32, #tpu.memory_space<vmem>> -> memref<128xi32, #tpu.memory_space<vmem>>
      %dma_wait3A_1180 = arith.constant 0 : i32
      %dma_wait3A_1181 = arith.constant 0 : i32
      %dma_wait3A_1182 = tpu.memref_slice %arg3[%dma_wait3A_1180, %dma_wait3A_1181] : memref<100000x64xf32, #tpu.memory_space<hbm>> -> memref<100000x64xf32, #tpu.memory_space<hbm>>
      tpu.wait_indirect_dma semaphore(%arg10 : memref<!tpu.dma_semaphore, #tpu.memory_space<semaphore_mem>>) src(%dma_wait3A_1182 : memref<100000x64xf32, #tpu.memory_space<hbm>>) dst(%dma_wait3A_1176 : memref<128x64xf32, #tpu.memory_space<vmem>>)
      %dma_wait3A_1183 = arith.constant 0 : i32
      %dma_wait3A_1184 = arith.constant 0 : i32
      %dma_wait3A_1185 = arith.constant 128 : i32
      %dma_wait3A_1186 = arith.constant 0 : i32
      %dma_wait3A_1187 = tpu.memref_slice %arg8[%dma_wait3A_1184, %dma_wait3A_1185, %dma_wait3A_1186] : memref<4x200x64xf32, #tpu.memory_space<vmem>> -> memref<1x72x64xf32, #tpu.memory_space<vmem>>
      %dma_wait3A_1188 = tpu.memref_squeeze %dma_wait3A_1187 : memref<1x72x64xf32, #tpu.memory_space<vmem>> -> memref<72x64xf32, #tpu.memory_space<vmem>>
      %dma_wait3A_1189 = arith.constant 128 : i32
      %dma_wait3A_1190 = tpu.memref_slice %arg6[%dma_wait3A_1183, %dma_wait3A_1189] : memref<4x200xi32, #tpu.memory_space<vmem>> -> memref<1x72xi32, #tpu.memory_space<vmem>>
      %dma_wait3A_1191 = tpu.memref_squeeze %dma_wait3A_1190 : memref<1x72xi32, #tpu.memory_space<vmem>> -> memref<72xi32, #tpu.memory_space<vmem>>
      %dma_wait3A_1192 = arith.constant 0 : i32
      %dma_wait3A_1193 = arith.constant 0 : i32
      %dma_wait3A_1194 = tpu.memref_slice %arg3[%dma_wait3A_1192, %dma_wait3A_1193] : memref<100000x64xf32, #tpu.memory_space<hbm>> -> memref<100000x64xf32, #tpu.memory_space<hbm>>
      tpu.wait_indirect_dma semaphore(%arg10 : memref<!tpu.dma_semaphore, #tpu.memory_space<semaphore_mem>>) src(%dma_wait3A_1194 : memref<100000x64xf32, #tpu.memory_space<hbm>>) dst(%dma_wait3A_1188 : memref<72x64xf32, #tpu.memory_space<vmem>>)
      %dma_wait3A_1195 = arith.constant 1 : i32
      %dma_wait3A_1196 = arith.constant 1 : i32
      %dma_wait3A_1197 = arith.constant 0 : i32
      %dma_wait3A_1198 = arith.constant 0 : i32
      %dma_wait3A_1199 = tpu.memref_slice %arg8[%dma_wait3A_1196, %dma_wait3A_1197, %dma_wait3A_1198] : memref<4x200x64xf32, #tpu.memory_space<vmem>> -> memref<1x128x64xf32, #tpu.memory_space<vmem>>
      %dma_wait3A_1200 = tpu.memref_squeeze %dma_wait3A_1199 : memref<1x128x64xf32, #tpu.memory_space<vmem>> -> memref<128x64xf32, #tpu.memory_space<vmem>>
      %dma_wait3A_1201 = arith.constant 0 : i32
      %dma_wait3A_1202 = tpu.memref_slice %arg6[%dma_wait3A_1195, %dma_wait3A_1201] : memref<4x200xi32, #tpu.memory_space<vmem>> -> memref<1x128xi32, #tpu.memory_space<vmem>>
      %dma_wait3A_1203 = tpu.memref_squeeze %dma_wait3A_1202 : memref<1x128xi32, #tpu.memory_space<vmem>> -> memref<128xi32, #tpu.memory_space<vmem>>
      %dma_wait3A_1204 = arith.constant 0 : i32
      %dma_wait3A_1205 = arith.constant 0 : i32
      %dma_wait3A_1206 = tpu.memref_slice %arg3[%dma_wait3A_1204, %dma_wait3A_1205] : memref<100000x64xf32, #tpu.memory_space<hbm>> -> memref<100000x64xf32, #tpu.memory_space<hbm>>
      tpu.wait_indirect_dma semaphore(%arg10 : memref<!tpu.dma_semaphore, #tpu.memory_space<semaphore_mem>>) src(%dma_wait3A_1206 : memref<100000x64xf32, #tpu.memory_space<hbm>>) dst(%dma_wait3A_1200 : memref<128x64xf32, #tpu.memory_space<vmem>>)
      %dma_wait3A_1207 = arith.constant 1 : i32
      %dma_wait3A_1208 = arith.constant 1 : i32
      %dma_wait3A_1209 = arith.constant 128 : i32
      %dma_wait3A_1210 = arith.constant 0 : i32
      %dma_wait3A_1211 = tpu.memref_slice %arg8[%dma_wait3A_1208, %dma_wait3A_1209, %dma_wait3A_1210] : memref<4x200x64xf32, #tpu.memory_space<vmem>> -> memref<1x72x64xf32, #tpu.memory_space<vmem>>
      %dma_wait3A_1212 = tpu.memref_squeeze %dma_wait3A_1211 : memref<1x72x64xf32, #tpu.memory_space<vmem>> -> memref<72x64xf32, #tpu.memory_space<vmem>>
      %dma_wait3A_1213 = arith.constant 128 : i32
      %dma_wait3A_1214 = tpu.memref_slice %arg6[%dma_wait3A_1207, %dma_wait3A_1213] : memref<4x200xi32, #tpu.memory_space<vmem>> -> memref<1x72xi32, #tpu.memory_space<vmem>>
      %dma_wait3A_1215 = tpu.memref_squeeze %dma_wait3A_1214 : memref<1x72xi32, #tpu.memory_space<vmem>> -> memref<72xi32, #tpu.memory_space<vmem>>
      %dma_wait3A_1216 = arith.constant 0 : i32
      %dma_wait3A_1217 = arith.constant 0 : i32
      %dma_wait3A_1218 = tpu.memref_slice %arg3[%dma_wait3A_1216, %dma_wait3A_1217] : memref<100000x64xf32, #tpu.memory_space<hbm>> -> memref<100000x64xf32, #tpu.memory_space<hbm>>
      tpu.wait_indirect_dma semaphore(%arg10 : memref<!tpu.dma_semaphore, #tpu.memory_space<semaphore_mem>>) src(%dma_wait3A_1218 : memref<100000x64xf32, #tpu.memory_space<hbm>>) dst(%dma_wait3A_1212 : memref<72x64xf32, #tpu.memory_space<vmem>>)
      %dma_wait3A_1219 = arith.constant 2 : i32
      %dma_wait3A_1220 = arith.constant 2 : i32
      %dma_wait3A_1221 = arith.constant 0 : i32
      %dma_wait3A_1222 = arith.constant 0 : i32
      %dma_wait3A_1223 = tpu.memref_slice %arg8[%dma_wait3A_1220, %dma_wait3A_1221, %dma_wait3A_1222] : memref<4x200x64xf32, #tpu.memory_space<vmem>> -> memref<1x128x64xf32, #tpu.memory_space<vmem>>
      %dma_wait3A_1224 = tpu.memref_squeeze %dma_wait3A_1223 : memref<1x128x64xf32, #tpu.memory_space<vmem>> -> memref<128x64xf32, #tpu.memory_space<vmem>>
      %dma_wait3A_1225 = arith.constant 0 : i32
      %dma_wait3A_1226 = tpu.memref_slice %arg6[%dma_wait3A_1219, %dma_wait3A_1225] : memref<4x200xi32, #tpu.memory_space<vmem>> -> memref<1x128xi32, #tpu.memory_space<vmem>>
      %dma_wait3A_1227 = tpu.memref_squeeze %dma_wait3A_1226 : memref<1x128xi32, #tpu.memory_space<vmem>> -> memref<128xi32, #tpu.memory_space<vmem>>
      %dma_wait3A_1228 = arith.constant 0 : i32
      %dma_wait3A_1229 = arith.constant 0 : i32
      %dma_wait3A_1230 = tpu.memref_slice %arg3[%dma_wait3A_1228, %dma_wait3A_1229] : memref<100000x64xf32, #tpu.memory_space<hbm>> -> memref<100000x64xf32, #tpu.memory_space<hbm>>
      tpu.wait_indirect_dma semaphore(%arg10 : memref<!tpu.dma_semaphore, #tpu.memory_space<semaphore_mem>>) src(%dma_wait3A_1230 : memref<100000x64xf32, #tpu.memory_space<hbm>>) dst(%dma_wait3A_1224 : memref<128x64xf32, #tpu.memory_space<vmem>>)
      %dma_wait3A_1231 = arith.constant 2 : i32
      %dma_wait3A_1232 = arith.constant 2 : i32
      %dma_wait3A_1233 = arith.constant 128 : i32
      %dma_wait3A_1234 = arith.constant 0 : i32
      %dma_wait3A_1235 = tpu.memref_slice %arg8[%dma_wait3A_1232, %dma_wait3A_1233, %dma_wait3A_1234] : memref<4x200x64xf32, #tpu.memory_space<vmem>> -> memref<1x72x64xf32, #tpu.memory_space<vmem>>
      %dma_wait3A_1236 = tpu.memref_squeeze %dma_wait3A_1235 : memref<1x72x64xf32, #tpu.memory_space<vmem>> -> memref<72x64xf32, #tpu.memory_space<vmem>>
      %dma_wait3A_1237 = arith.constant 128 : i32
      %dma_wait3A_1238 = tpu.memref_slice %arg6[%dma_wait3A_1231, %dma_wait3A_1237] : memref<4x200xi32, #tpu.memory_space<vmem>> -> memref<1x72xi32, #tpu.memory_space<vmem>>
      %dma_wait3A_1239 = tpu.memref_squeeze %dma_wait3A_1238 : memref<1x72xi32, #tpu.memory_space<vmem>> -> memref<72xi32, #tpu.memory_space<vmem>>
      %dma_wait3A_1240 = arith.constant 0 : i32
      %dma_wait3A_1241 = arith.constant 0 : i32
      %dma_wait3A_1242 = tpu.memref_slice %arg3[%dma_wait3A_1240, %dma_wait3A_1241] : memref<100000x64xf32, #tpu.memory_space<hbm>> -> memref<100000x64xf32, #tpu.memory_space<hbm>>
      tpu.wait_indirect_dma semaphore(%arg10 : memref<!tpu.dma_semaphore, #tpu.memory_space<semaphore_mem>>) src(%dma_wait3A_1242 : memref<100000x64xf32, #tpu.memory_space<hbm>>) dst(%dma_wait3A_1236 : memref<72x64xf32, #tpu.memory_space<vmem>>)
      %dma_wait3A_1243 = arith.constant 3 : i32
      %dma_wait3A_1244 = arith.constant 3 : i32
      %dma_wait3A_1245 = arith.constant 0 : i32
      %dma_wait3A_1246 = arith.constant 0 : i32
      %dma_wait3A_1247 = tpu.memref_slice %arg8[%dma_wait3A_1244, %dma_wait3A_1245, %dma_wait3A_1246] : memref<4x200x64xf32, #tpu.memory_space<vmem>> -> memref<1x128x64xf32, #tpu.memory_space<vmem>>
      %dma_wait3A_1248 = tpu.memref_squeeze %dma_wait3A_1247 : memref<1x128x64xf32, #tpu.memory_space<vmem>> -> memref<128x64xf32, #tpu.memory_space<vmem>>
      %dma_wait3A_1249 = arith.constant 0 : i32
      %dma_wait3A_1250 = tpu.memref_slice %arg6[%dma_wait3A_1243, %dma_wait3A_1249] : memref<4x200xi32, #tpu.memory_space<vmem>> -> memref<1x128xi32, #tpu.memory_space<vmem>>
      %dma_wait3A_1251 = tpu.memref_squeeze %dma_wait3A_1250 : memref<1x128xi32, #tpu.memory_space<vmem>> -> memref<128xi32, #tpu.memory_space<vmem>>
      %dma_wait3A_1252 = arith.constant 0 : i32
      %dma_wait3A_1253 = arith.constant 0 : i32
      %dma_wait3A_1254 = tpu.memref_slice %arg3[%dma_wait3A_1252, %dma_wait3A_1253] : memref<100000x64xf32, #tpu.memory_space<hbm>> -> memref<100000x64xf32, #tpu.memory_space<hbm>>
      tpu.wait_indirect_dma semaphore(%arg10 : memref<!tpu.dma_semaphore, #tpu.memory_space<semaphore_mem>>) src(%dma_wait3A_1254 : memref<100000x64xf32, #tpu.memory_space<hbm>>) dst(%dma_wait3A_1248 : memref<128x64xf32, #tpu.memory_space<vmem>>)
      %dma_wait3A_1255 = arith.constant 3 : i32
      %dma_wait3A_1256 = arith.constant 3 : i32
      %dma_wait3A_1257 = arith.constant 128 : i32
      %dma_wait3A_1258 = arith.constant 0 : i32
      %dma_wait3A_1259 = tpu.memref_slice %arg8[%dma_wait3A_1256, %dma_wait3A_1257, %dma_wait3A_1258] : memref<4x200x64xf32, #tpu.memory_space<vmem>> -> memref<1x72x64xf32, #tpu.memory_space<vmem>>
      %dma_wait3A_1260 = tpu.memref_squeeze %dma_wait3A_1259 : memref<1x72x64xf32, #tpu.memory_space<vmem>> -> memref<72x64xf32, #tpu.memory_space<vmem>>
      %dma_wait3A_1261 = arith.constant 128 : i32
      %dma_wait3A_1262 = tpu.memref_slice %arg6[%dma_wait3A_1255, %dma_wait3A_1261] : memref<4x200xi32, #tpu.memory_space<vmem>> -> memref<1x72xi32, #tpu.memory_space<vmem>>
      %dma_wait3A_1263 = tpu.memref_squeeze %dma_wait3A_1262 : memref<1x72xi32, #tpu.memory_space<vmem>> -> memref<72xi32, #tpu.memory_space<vmem>>
      %dma_wait3A_1264 = arith.constant 0 : i32
      %dma_wait3A_1265 = arith.constant 0 : i32
      %dma_wait3A_1266 = tpu.memref_slice %arg3[%dma_wait3A_1264, %dma_wait3A_1265] : memref<100000x64xf32, #tpu.memory_space<hbm>> -> memref<100000x64xf32, #tpu.memory_space<hbm>>
      tpu.wait_indirect_dma semaphore(%arg10 : memref<!tpu.dma_semaphore, #tpu.memory_space<semaphore_mem>>) src(%dma_wait3A_1266 : memref<100000x64xf32, #tpu.memory_space<hbm>>) dst(%dma_wait3A_1260 : memref<72x64xf32, #tpu.memory_space<vmem>>)
      %mul3A_1267 = arith.constant 4 : i32
      %mul3A_1268 = arith.muli %add3A_1066, %mul3A_1267 : i32
      %add3A_1269 = arith.addi %mul3A_2, %mul3A_1268 : i32
      %dma_start3A_1270 = arith.constant 0 : i32
      %dma_start3A_1271 = arith.constant 0 : i32
      %dma_start3A_1272 = tpu.memref_slice %arg4[%add3A_1269, %dma_start3A_1270, %dma_start3A_1271] : memref<4096x200x64xf32, #tpu.memory_space<hbm>> -> memref<4x200x64xf32, #tpu.memory_space<hbm>>
      %dma_start3A_1273 = arith.constant 0 : i32
      %dma_start3A_1274 = arith.constant 0 : i32
      %dma_start3A_1275 = tpu.memref_slice %arg4[%add3A_1269, %dma_start3A_1273, %dma_start3A_1274] : memref<4096x200x64xf32, #tpu.memory_space<hbm>> -> memref<4x200x64xf32, #tpu.memory_space<hbm>>
      tpu.enqueue_dma source(%arg8 : memref<4x200x64xf32, #tpu.memory_space<vmem>>) target(%dma_start3A_1275 : memref<4x200x64xf32, #tpu.memory_space<hbm>>) target_semaphore(%arg12 : memref<!tpu.dma_semaphore, #tpu.memory_space<semaphore_mem>>)
      %add3A_1276 = arith.constant 2 : i32
      %add3A_1277 = arith.addi %add3A_1066, %add3A_1276 : i32
      %mul3A_1278 = arith.constant 4 : i32
      %mul3A_1279 = arith.muli %add3A_1277, %mul3A_1278 : i32
      %add3A_1280 = arith.addi %mul3A_2, %mul3A_1279 : i32
      "tpu.region"() ({
        %run_scoped3A = tpu.sem_alloc : memref<!tpu.dma_semaphore, #tpu.memory_space<semaphore_mem>>
        %dma_start3A_1281 = arith.constant 0 : i32
        %dma_start3A_1282 = tpu.memref_slice %arg2[%add3A_1280, %dma_start3A_1281] : memref<4096x200xi32, #tpu.memory_space<hbm>> -> memref<4x200xi32, #tpu.memory_space<hbm>>
        %dma_start3A_1283 = arith.constant 0 : i32
        %dma_start3A_1284 = tpu.memref_slice %arg2[%add3A_1280, %dma_start3A_1283] : memref<4096x200xi32, #tpu.memory_space<hbm>> -> memref<4x200xi32, #tpu.memory_space<hbm>>
        tpu.enqueue_dma source(%dma_start3A_1284 : memref<4x200xi32, #tpu.memory_space<hbm>>) target(%arg6 : memref<4x200xi32, #tpu.memory_space<vmem>>) target_semaphore(%run_scoped3A : memref<!tpu.dma_semaphore, #tpu.memory_space<semaphore_mem>>)
        %dma_wait3A_1285 = arith.constant 0 : i32
        %dma_wait3A_1286 = tpu.memref_slice %arg2[%add3A_1280, %dma_wait3A_1285] : memref<4096x200xi32, #tpu.memory_space<hbm>> -> memref<4x200xi32, #tpu.memory_space<hbm>>
        %dma_wait3A_1287 = arith.constant 0 : i32
        %dma_wait3A_1288 = tpu.memref_slice %arg2[%add3A_1280, %dma_wait3A_1287] : memref<4096x200xi32, #tpu.memory_space<hbm>> -> memref<4x200xi32, #tpu.memory_space<hbm>>
        tpu.wait_dma2 semaphore(%run_scoped3A : memref<!tpu.dma_semaphore, #tpu.memory_space<semaphore_mem>>) src(%dma_wait3A_1288 : memref<4x200xi32, #tpu.memory_space<hbm>>) dst(%arg6 : memref<4x200xi32, #tpu.memory_space<vmem>>)
        tpu.yield
      }) : () -> ()
    }
    %scan3A_517 = arith.constant 14 : i32
    %dma_wait3A_518 = arith.constant 0 : i32
    %dma_wait3A_519 = arith.constant 0 : i32
    %dma_wait3A_520 = arith.constant 0 : i32
    %dma_wait3A_521 = tpu.memref_slice %arg4[%dma_wait3A_518, %dma_wait3A_519, %dma_wait3A_520] : memref<4096x200x64xf32, #tpu.memory_space<hbm>> -> memref<4x200x64xf32, #tpu.memory_space<hbm>>
    %dma_wait3A_522 = arith.constant 0 : i32
    %dma_wait3A_523 = arith.constant 0 : i32
    %dma_wait3A_524 = arith.constant 0 : i32
    %dma_wait3A_525 = tpu.memref_slice %arg4[%dma_wait3A_522, %dma_wait3A_523, %dma_wait3A_524] : memref<4096x200x64xf32, #tpu.memory_space<hbm>> -> memref<4x200x64xf32, #tpu.memory_space<hbm>>
    tpu.wait_dma2 semaphore(%arg12 : memref<!tpu.dma_semaphore, #tpu.memory_space<semaphore_mem>>) src(%arg8 : memref<4x200x64xf32, #tpu.memory_space<vmem>>) dst(%dma_wait3A_525 : memref<4x200x64xf32, #tpu.memory_space<hbm>>)
    %dma_start3A_526 = arith.constant 0 : i32
    %dma_start3A_527 = arith.constant 0 : i32
    %dma_start3A_528 = arith.constant 0 : i32
    %dma_start3A_529 = arith.constant 0 : i32
    %dma_start3A_530 = tpu.memref_slice %arg8[%dma_start3A_527, %dma_start3A_528, %dma_start3A_529] : memref<4x200x64xf32, #tpu.memory_space<vmem>> -> memref<1x128x64xf32, #tpu.memory_space<vmem>>
    %dma_start3A_531 = tpu.memref_squeeze %dma_start3A_530 : memref<1x128x64xf32, #tpu.memory_space<vmem>> -> memref<128x64xf32, #tpu.memory_space<vmem>>
    %dma_start3A_532 = arith.constant 0 : i32
    %dma_start3A_533 = tpu.memref_slice %arg6[%dma_start3A_526, %dma_start3A_532] : memref<4x200xi32, #tpu.memory_space<vmem>> -> memref<1x128xi32, #tpu.memory_space<vmem>>
    %dma_start3A_534 = tpu.memref_squeeze %dma_start3A_533 : memref<1x128xi32, #tpu.memory_space<vmem>> -> memref<128xi32, #tpu.memory_space<vmem>>
    %dma_start3A_535 = arith.constant 0 : i32
    %dma_start3A_536 = arith.constant 0 : i32
    %dma_start3A_537 = tpu.memref_slice %arg3[%dma_start3A_535, %dma_start3A_536] : memref<100000x64xf32, #tpu.memory_space<hbm>> -> memref<100000x64xf32, #tpu.memory_space<hbm>>
    tpu.enqueue_indirect_dma source(%dma_start3A_537 : memref<100000x64xf32, #tpu.memory_space<hbm>>) target(%dma_start3A_531 : memref<128x64xf32, #tpu.memory_space<vmem>>) offsets(%dma_start3A_534 : memref<128xi32, #tpu.memory_space<vmem>>) semaphore(%arg10 : memref<!tpu.dma_semaphore, #tpu.memory_space<semaphore_mem>>)
    %dma_start3A_538 = arith.constant 0 : i32
    %dma_start3A_539 = arith.constant 0 : i32
    %dma_start3A_540 = arith.constant 128 : i32
    %dma_start3A_541 = arith.constant 0 : i32
    %dma_start3A_542 = tpu.memref_slice %arg8[%dma_start3A_539, %dma_start3A_540, %dma_start3A_541] : memref<4x200x64xf32, #tpu.memory_space<vmem>> -> memref<1x72x64xf32, #tpu.memory_space<vmem>>
    %dma_start3A_543 = tpu.memref_squeeze %dma_start3A_542 : memref<1x72x64xf32, #tpu.memory_space<vmem>> -> memref<72x64xf32, #tpu.memory_space<vmem>>
    %dma_start3A_544 = arith.constant 128 : i32
    %dma_start3A_545 = tpu.memref_slice %arg6[%dma_start3A_538, %dma_start3A_544] : memref<4x200xi32, #tpu.memory_space<vmem>> -> memref<1x72xi32, #tpu.memory_space<vmem>>
    %dma_start3A_546 = tpu.memref_squeeze %dma_start3A_545 : memref<1x72xi32, #tpu.memory_space<vmem>> -> memref<72xi32, #tpu.memory_space<vmem>>
    %dma_start3A_547 = arith.constant 0 : i32
    %dma_start3A_548 = arith.constant 0 : i32
    %dma_start3A_549 = tpu.memref_slice %arg3[%dma_start3A_547, %dma_start3A_548] : memref<100000x64xf32, #tpu.memory_space<hbm>> -> memref<100000x64xf32, #tpu.memory_space<hbm>>
    tpu.enqueue_indirect_dma source(%dma_start3A_549 : memref<100000x64xf32, #tpu.memory_space<hbm>>) target(%dma_start3A_543 : memref<72x64xf32, #tpu.memory_space<vmem>>) offsets(%dma_start3A_546 : memref<72xi32, #tpu.memory_space<vmem>>) semaphore(%arg10 : memref<!tpu.dma_semaphore, #tpu.memory_space<semaphore_mem>>)
    %dma_start3A_550 = arith.constant 1 : i32
    %dma_start3A_551 = arith.constant 1 : i32
    %dma_start3A_552 = arith.constant 0 : i32
    %dma_start3A_553 = arith.constant 0 : i32
    %dma_start3A_554 = tpu.memref_slice %arg8[%dma_start3A_551, %dma_start3A_552, %dma_start3A_553] : memref<4x200x64xf32, #tpu.memory_space<vmem>> -> memref<1x128x64xf32, #tpu.memory_space<vmem>>
    %dma_start3A_555 = tpu.memref_squeeze %dma_start3A_554 : memref<1x128x64xf32, #tpu.memory_space<vmem>> -> memref<128x64xf32, #tpu.memory_space<vmem>>
    %dma_start3A_556 = arith.constant 0 : i32
    %dma_start3A_557 = tpu.memref_slice %arg6[%dma_start3A_550, %dma_start3A_556] : memref<4x200xi32, #tpu.memory_space<vmem>> -> memref<1x128xi32, #tpu.memory_space<vmem>>
    %dma_start3A_558 = tpu.memref_squeeze %dma_start3A_557 : memref<1x128xi32, #tpu.memory_space<vmem>> -> memref<128xi32, #tpu.memory_space<vmem>>
    %dma_start3A_559 = arith.constant 0 : i32
    %dma_start3A_560 = arith.constant 0 : i32
    %dma_start3A_561 = tpu.memref_slice %arg3[%dma_start3A_559, %dma_start3A_560] : memref<100000x64xf32, #tpu.memory_space<hbm>> -> memref<100000x64xf32, #tpu.memory_space<hbm>>
    tpu.enqueue_indirect_dma source(%dma_start3A_561 : memref<100000x64xf32, #tpu.memory_space<hbm>>) target(%dma_start3A_555 : memref<128x64xf32, #tpu.memory_space<vmem>>) offsets(%dma_start3A_558 : memref<128xi32, #tpu.memory_space<vmem>>) semaphore(%arg10 : memref<!tpu.dma_semaphore, #tpu.memory_space<semaphore_mem>>)
    %dma_start3A_562 = arith.constant 1 : i32
    %dma_start3A_563 = arith.constant 1 : i32
    %dma_start3A_564 = arith.constant 128 : i32
    %dma_start3A_565 = arith.constant 0 : i32
    %dma_start3A_566 = tpu.memref_slice %arg8[%dma_start3A_563, %dma_start3A_564, %dma_start3A_565] : memref<4x200x64xf32, #tpu.memory_space<vmem>> -> memref<1x72x64xf32, #tpu.memory_space<vmem>>
    %dma_start3A_567 = tpu.memref_squeeze %dma_start3A_566 : memref<1x72x64xf32, #tpu.memory_space<vmem>> -> memref<72x64xf32, #tpu.memory_space<vmem>>
    %dma_start3A_568 = arith.constant 128 : i32
    %dma_start3A_569 = tpu.memref_slice %arg6[%dma_start3A_562, %dma_start3A_568] : memref<4x200xi32, #tpu.memory_space<vmem>> -> memref<1x72xi32, #tpu.memory_space<vmem>>
    %dma_start3A_570 = tpu.memref_squeeze %dma_start3A_569 : memref<1x72xi32, #tpu.memory_space<vmem>> -> memref<72xi32, #tpu.memory_space<vmem>>
    %dma_start3A_571 = arith.constant 0 : i32
    %dma_start3A_572 = arith.constant 0 : i32
    %dma_start3A_573 = tpu.memref_slice %arg3[%dma_start3A_571, %dma_start3A_572] : memref<100000x64xf32, #tpu.memory_space<hbm>> -> memref<100000x64xf32, #tpu.memory_space<hbm>>
    tpu.enqueue_indirect_dma source(%dma_start3A_573 : memref<100000x64xf32, #tpu.memory_space<hbm>>) target(%dma_start3A_567 : memref<72x64xf32, #tpu.memory_space<vmem>>) offsets(%dma_start3A_570 : memref<72xi32, #tpu.memory_space<vmem>>) semaphore(%arg10 : memref<!tpu.dma_semaphore, #tpu.memory_space<semaphore_mem>>)
    %dma_start3A_574 = arith.constant 2 : i32
    %dma_start3A_575 = arith.constant 2 : i32
    %dma_start3A_576 = arith.constant 0 : i32
    %dma_start3A_577 = arith.constant 0 : i32
    %dma_start3A_578 = tpu.memref_slice %arg8[%dma_start3A_575, %dma_start3A_576, %dma_start3A_577] : memref<4x200x64xf32, #tpu.memory_space<vmem>> -> memref<1x128x64xf32, #tpu.memory_space<vmem>>
    %dma_start3A_579 = tpu.memref_squeeze %dma_start3A_578 : memref<1x128x64xf32, #tpu.memory_space<vmem>> -> memref<128x64xf32, #tpu.memory_space<vmem>>
    %dma_start3A_580 = arith.constant 0 : i32
    %dma_start3A_581 = tpu.memref_slice %arg6[%dma_start3A_574, %dma_start3A_580] : memref<4x200xi32, #tpu.memory_space<vmem>> -> memref<1x128xi32, #tpu.memory_space<vmem>>
    %dma_start3A_582 = tpu.memref_squeeze %dma_start3A_581 : memref<1x128xi32, #tpu.memory_space<vmem>> -> memref<128xi32, #tpu.memory_space<vmem>>
    %dma_start3A_583 = arith.constant 0 : i32
    %dma_start3A_584 = arith.constant 0 : i32
    %dma_start3A_585 = tpu.memref_slice %arg3[%dma_start3A_583, %dma_start3A_584] : memref<100000x64xf32, #tpu.memory_space<hbm>> -> memref<100000x64xf32, #tpu.memory_space<hbm>>
    tpu.enqueue_indirect_dma source(%dma_start3A_585 : memref<100000x64xf32, #tpu.memory_space<hbm>>) target(%dma_start3A_579 : memref<128x64xf32, #tpu.memory_space<vmem>>) offsets(%dma_start3A_582 : memref<128xi32, #tpu.memory_space<vmem>>) semaphore(%arg10 : memref<!tpu.dma_semaphore, #tpu.memory_space<semaphore_mem>>)
    %dma_start3A_586 = arith.constant 2 : i32
    %dma_start3A_587 = arith.constant 2 : i32
    %dma_start3A_588 = arith.constant 128 : i32
    %dma_start3A_589 = arith.constant 0 : i32
    %dma_start3A_590 = tpu.memref_slice %arg8[%dma_start3A_587, %dma_start3A_588, %dma_start3A_589] : memref<4x200x64xf32, #tpu.memory_space<vmem>> -> memref<1x72x64xf32, #tpu.memory_space<vmem>>
    %dma_start3A_591 = tpu.memref_squeeze %dma_start3A_590 : memref<1x72x64xf32, #tpu.memory_space<vmem>> -> memref<72x64xf32, #tpu.memory_space<vmem>>
    %dma_start3A_592 = arith.constant 128 : i32
    %dma_start3A_593 = tpu.memref_slice %arg6[%dma_start3A_586, %dma_start3A_592] : memref<4x200xi32, #tpu.memory_space<vmem>> -> memref<1x72xi32, #tpu.memory_space<vmem>>
    %dma_start3A_594 = tpu.memref_squeeze %dma_start3A_593 : memref<1x72xi32, #tpu.memory_space<vmem>> -> memref<72xi32, #tpu.memory_space<vmem>>
    %dma_start3A_595 = arith.constant 0 : i32
    %dma_start3A_596 = arith.constant 0 : i32
    %dma_start3A_597 = tpu.memref_slice %arg3[%dma_start3A_595, %dma_start3A_596] : memref<100000x64xf32, #tpu.memory_space<hbm>> -> memref<100000x64xf32, #tpu.memory_space<hbm>>
    tpu.enqueue_indirect_dma source(%dma_start3A_597 : memref<100000x64xf32, #tpu.memory_space<hbm>>) target(%dma_start3A_591 : memref<72x64xf32, #tpu.memory_space<vmem>>) offsets(%dma_start3A_594 : memref<72xi32, #tpu.memory_space<vmem>>) semaphore(%arg10 : memref<!tpu.dma_semaphore, #tpu.memory_space<semaphore_mem>>)
    %dma_start3A_598 = arith.constant 3 : i32
    %dma_start3A_599 = arith.constant 3 : i32
    %dma_start3A_600 = arith.constant 0 : i32
    %dma_start3A_601 = arith.constant 0 : i32
    %dma_start3A_602 = tpu.memref_slice %arg8[%dma_start3A_599, %dma_start3A_600, %dma_start3A_601] : memref<4x200x64xf32, #tpu.memory_space<vmem>> -> memref<1x128x64xf32, #tpu.memory_space<vmem>>
    %dma_start3A_603 = tpu.memref_squeeze %dma_start3A_602 : memref<1x128x64xf32, #tpu.memory_space<vmem>> -> memref<128x64xf32, #tpu.memory_space<vmem>>
    %dma_start3A_604 = arith.constant 0 : i32
    %dma_start3A_605 = tpu.memref_slice %arg6[%dma_start3A_598, %dma_start3A_604] : memref<4x200xi32, #tpu.memory_space<vmem>> -> memref<1x128xi32, #tpu.memory_space<vmem>>
    %dma_start3A_606 = tpu.memref_squeeze %dma_start3A_605 : memref<1x128xi32, #tpu.memory_space<vmem>> -> memref<128xi32, #tpu.memory_space<vmem>>
    %dma_start3A_607 = arith.constant 0 : i32
    %dma_start3A_608 = arith.constant 0 : i32
    %dma_start3A_609 = tpu.memref_slice %arg3[%dma_start3A_607, %dma_start3A_608] : memref<100000x64xf32, #tpu.memory_space<hbm>> -> memref<100000x64xf32, #tpu.memory_space<hbm>>
    tpu.enqueue_indirect_dma source(%dma_start3A_609 : memref<100000x64xf32, #tpu.memory_space<hbm>>) target(%dma_start3A_603 : memref<128x64xf32, #tpu.memory_space<vmem>>) offsets(%dma_start3A_606 : memref<128xi32, #tpu.memory_space<vmem>>) semaphore(%arg10 : memref<!tpu.dma_semaphore, #tpu.memory_space<semaphore_mem>>)
    %dma_start3A_610 = arith.constant 3 : i32
    %dma_start3A_611 = arith.constant 3 : i32
    %dma_start3A_612 = arith.constant 128 : i32
    %dma_start3A_613 = arith.constant 0 : i32
    %dma_start3A_614 = tpu.memref_slice %arg8[%dma_start3A_611, %dma_start3A_612, %dma_start3A_613] : memref<4x200x64xf32, #tpu.memory_space<vmem>> -> memref<1x72x64xf32, #tpu.memory_space<vmem>>
    %dma_start3A_615 = tpu.memref_squeeze %dma_start3A_614 : memref<1x72x64xf32, #tpu.memory_space<vmem>> -> memref<72x64xf32, #tpu.memory_space<vmem>>
    %dma_start3A_616 = arith.constant 128 : i32
    %dma_start3A_617 = tpu.memref_slice %arg6[%dma_start3A_610, %dma_start3A_616] : memref<4x200xi32, #tpu.memory_space<vmem>> -> memref<1x72xi32, #tpu.memory_space<vmem>>
    %dma_start3A_618 = tpu.memref_squeeze %dma_start3A_617 : memref<1x72xi32, #tpu.memory_space<vmem>> -> memref<72xi32, #tpu.memory_space<vmem>>
    %dma_start3A_619 = arith.constant 0 : i32
    %dma_start3A_620 = arith.constant 0 : i32
    %dma_start3A_621 = tpu.memref_slice %arg3[%dma_start3A_619, %dma_start3A_620] : memref<100000x64xf32, #tpu.memory_space<hbm>> -> memref<100000x64xf32, #tpu.memory_space<hbm>>
    tpu.enqueue_indirect_dma source(%dma_start3A_621 : memref<100000x64xf32, #tpu.memory_space<hbm>>) target(%dma_start3A_615 : memref<72x64xf32, #tpu.memory_space<vmem>>) offsets(%dma_start3A_618 : memref<72xi32, #tpu.memory_space<vmem>>) semaphore(%arg10 : memref<!tpu.dma_semaphore, #tpu.memory_space<semaphore_mem>>)
    %dma_wait3A_622 = arith.constant 0 : i32
    %dma_wait3A_623 = arith.constant 0 : i32
    %dma_wait3A_624 = arith.constant 0 : i32
    %dma_wait3A_625 = arith.constant 0 : i32
    %dma_wait3A_626 = tpu.memref_slice %arg7[%dma_wait3A_623, %dma_wait3A_624, %dma_wait3A_625] : memref<4x200x64xf32, #tpu.memory_space<vmem>> -> memref<1x128x64xf32, #tpu.memory_space<vmem>>
    %dma_wait3A_627 = tpu.memref_squeeze %dma_wait3A_626 : memref<1x128x64xf32, #tpu.memory_space<vmem>> -> memref<128x64xf32, #tpu.memory_space<vmem>>
    %dma_wait3A_628 = arith.constant 0 : i32
    %dma_wait3A_629 = tpu.memref_slice %arg5[%dma_wait3A_622, %dma_wait3A_628] : memref<4x200xi32, #tpu.memory_space<vmem>> -> memref<1x128xi32, #tpu.memory_space<vmem>>
    %dma_wait3A_630 = tpu.memref_squeeze %dma_wait3A_629 : memref<1x128xi32, #tpu.memory_space<vmem>> -> memref<128xi32, #tpu.memory_space<vmem>>
    %dma_wait3A_631 = arith.constant 0 : i32
    %dma_wait3A_632 = arith.constant 0 : i32
    %dma_wait3A_633 = tpu.memref_slice %arg3[%dma_wait3A_631, %dma_wait3A_632] : memref<100000x64xf32, #tpu.memory_space<hbm>> -> memref<100000x64xf32, #tpu.memory_space<hbm>>
    tpu.wait_indirect_dma semaphore(%arg9 : memref<!tpu.dma_semaphore, #tpu.memory_space<semaphore_mem>>) src(%dma_wait3A_633 : memref<100000x64xf32, #tpu.memory_space<hbm>>) dst(%dma_wait3A_627 : memref<128x64xf32, #tpu.memory_space<vmem>>)
    %dma_wait3A_634 = arith.constant 0 : i32
    %dma_wait3A_635 = arith.constant 0 : i32
    %dma_wait3A_636 = arith.constant 128 : i32
    %dma_wait3A_637 = arith.constant 0 : i32
    %dma_wait3A_638 = tpu.memref_slice %arg7[%dma_wait3A_635, %dma_wait3A_636, %dma_wait3A_637] : memref<4x200x64xf32, #tpu.memory_space<vmem>> -> memref<1x72x64xf32, #tpu.memory_space<vmem>>
    %dma_wait3A_639 = tpu.memref_squeeze %dma_wait3A_638 : memref<1x72x64xf32, #tpu.memory_space<vmem>> -> memref<72x64xf32, #tpu.memory_space<vmem>>
    %dma_wait3A_640 = arith.constant 128 : i32
    %dma_wait3A_641 = tpu.memref_slice %arg5[%dma_wait3A_634, %dma_wait3A_640] : memref<4x200xi32, #tpu.memory_space<vmem>> -> memref<1x72xi32, #tpu.memory_space<vmem>>
    %dma_wait3A_642 = tpu.memref_squeeze %dma_wait3A_641 : memref<1x72xi32, #tpu.memory_space<vmem>> -> memref<72xi32, #tpu.memory_space<vmem>>
    %dma_wait3A_643 = arith.constant 0 : i32
    %dma_wait3A_644 = arith.constant 0 : i32
    %dma_wait3A_645 = tpu.memref_slice %arg3[%dma_wait3A_643, %dma_wait3A_644] : memref<100000x64xf32, #tpu.memory_space<hbm>> -> memref<100000x64xf32, #tpu.memory_space<hbm>>
    tpu.wait_indirect_dma semaphore(%arg9 : memref<!tpu.dma_semaphore, #tpu.memory_space<semaphore_mem>>) src(%dma_wait3A_645 : memref<100000x64xf32, #tpu.memory_space<hbm>>) dst(%dma_wait3A_639 : memref<72x64xf32, #tpu.memory_space<vmem>>)
    %dma_wait3A_646 = arith.constant 1 : i32
    %dma_wait3A_647 = arith.constant 1 : i32
    %dma_wait3A_648 = arith.constant 0 : i32
    %dma_wait3A_649 = arith.constant 0 : i32
    %dma_wait3A_650 = tpu.memref_slice %arg7[%dma_wait3A_647, %dma_wait3A_648, %dma_wait3A_649] : memref<4x200x64xf32, #tpu.memory_space<vmem>> -> memref<1x128x64xf32, #tpu.memory_space<vmem>>
    %dma_wait3A_651 = tpu.memref_squeeze %dma_wait3A_650 : memref<1x128x64xf32, #tpu.memory_space<vmem>> -> memref<128x64xf32, #tpu.memory_space<vmem>>
    %dma_wait3A_652 = arith.constant 0 : i32
    %dma_wait3A_653 = tpu.memref_slice %arg5[%dma_wait3A_646, %dma_wait3A_652] : memref<4x200xi32, #tpu.memory_space<vmem>> -> memref<1x128xi32, #tpu.memory_space<vmem>>
    %dma_wait3A_654 = tpu.memref_squeeze %dma_wait3A_653 : memref<1x128xi32, #tpu.memory_space<vmem>> -> memref<128xi32, #tpu.memory_space<vmem>>
    %dma_wait3A_655 = arith.constant 0 : i32
    %dma_wait3A_656 = arith.constant 0 : i32
    %dma_wait3A_657 = tpu.memref_slice %arg3[%dma_wait3A_655, %dma_wait3A_656] : memref<100000x64xf32, #tpu.memory_space<hbm>> -> memref<100000x64xf32, #tpu.memory_space<hbm>>
    tpu.wait_indirect_dma semaphore(%arg9 : memref<!tpu.dma_semaphore, #tpu.memory_space<semaphore_mem>>) src(%dma_wait3A_657 : memref<100000x64xf32, #tpu.memory_space<hbm>>) dst(%dma_wait3A_651 : memref<128x64xf32, #tpu.memory_space<vmem>>)
    %dma_wait3A_658 = arith.constant 1 : i32
    %dma_wait3A_659 = arith.constant 1 : i32
    %dma_wait3A_660 = arith.constant 128 : i32
    %dma_wait3A_661 = arith.constant 0 : i32
    %dma_wait3A_662 = tpu.memref_slice %arg7[%dma_wait3A_659, %dma_wait3A_660, %dma_wait3A_661] : memref<4x200x64xf32, #tpu.memory_space<vmem>> -> memref<1x72x64xf32, #tpu.memory_space<vmem>>
    %dma_wait3A_663 = tpu.memref_squeeze %dma_wait3A_662 : memref<1x72x64xf32, #tpu.memory_space<vmem>> -> memref<72x64xf32, #tpu.memory_space<vmem>>
    %dma_wait3A_664 = arith.constant 128 : i32
    %dma_wait3A_665 = tpu.memref_slice %arg5[%dma_wait3A_658, %dma_wait3A_664] : memref<4x200xi32, #tpu.memory_space<vmem>> -> memref<1x72xi32, #tpu.memory_space<vmem>>
    %dma_wait3A_666 = tpu.memref_squeeze %dma_wait3A_665 : memref<1x72xi32, #tpu.memory_space<vmem>> -> memref<72xi32, #tpu.memory_space<vmem>>
    %dma_wait3A_667 = arith.constant 0 : i32
    %dma_wait3A_668 = arith.constant 0 : i32
    %dma_wait3A_669 = tpu.memref_slice %arg3[%dma_wait3A_667, %dma_wait3A_668] : memref<100000x64xf32, #tpu.memory_space<hbm>> -> memref<100000x64xf32, #tpu.memory_space<hbm>>
    tpu.wait_indirect_dma semaphore(%arg9 : memref<!tpu.dma_semaphore, #tpu.memory_space<semaphore_mem>>) src(%dma_wait3A_669 : memref<100000x64xf32, #tpu.memory_space<hbm>>) dst(%dma_wait3A_663 : memref<72x64xf32, #tpu.memory_space<vmem>>)
    %dma_wait3A_670 = arith.constant 2 : i32
    %dma_wait3A_671 = arith.constant 2 : i32
    %dma_wait3A_672 = arith.constant 0 : i32
    %dma_wait3A_673 = arith.constant 0 : i32
    %dma_wait3A_674 = tpu.memref_slice %arg7[%dma_wait3A_671, %dma_wait3A_672, %dma_wait3A_673] : memref<4x200x64xf32, #tpu.memory_space<vmem>> -> memref<1x128x64xf32, #tpu.memory_space<vmem>>
    %dma_wait3A_675 = tpu.memref_squeeze %dma_wait3A_674 : memref<1x128x64xf32, #tpu.memory_space<vmem>> -> memref<128x64xf32, #tpu.memory_space<vmem>>
    %dma_wait3A_676 = arith.constant 0 : i32
    %dma_wait3A_677 = tpu.memref_slice %arg5[%dma_wait3A_670, %dma_wait3A_676] : memref<4x200xi32, #tpu.memory_space<vmem>> -> memref<1x128xi32, #tpu.memory_space<vmem>>
    %dma_wait3A_678 = tpu.memref_squeeze %dma_wait3A_677 : memref<1x128xi32, #tpu.memory_space<vmem>> -> memref<128xi32, #tpu.memory_space<vmem>>
    %dma_wait3A_679 = arith.constant 0 : i32
    %dma_wait3A_680 = arith.constant 0 : i32
    %dma_wait3A_681 = tpu.memref_slice %arg3[%dma_wait3A_679, %dma_wait3A_680] : memref<100000x64xf32, #tpu.memory_space<hbm>> -> memref<100000x64xf32, #tpu.memory_space<hbm>>
    tpu.wait_indirect_dma semaphore(%arg9 : memref<!tpu.dma_semaphore, #tpu.memory_space<semaphore_mem>>) src(%dma_wait3A_681 : memref<100000x64xf32, #tpu.memory_space<hbm>>) dst(%dma_wait3A_675 : memref<128x64xf32, #tpu.memory_space<vmem>>)
    %dma_wait3A_682 = arith.constant 2 : i32
    %dma_wait3A_683 = arith.constant 2 : i32
    %dma_wait3A_684 = arith.constant 128 : i32
    %dma_wait3A_685 = arith.constant 0 : i32
    %dma_wait3A_686 = tpu.memref_slice %arg7[%dma_wait3A_683, %dma_wait3A_684, %dma_wait3A_685] : memref<4x200x64xf32, #tpu.memory_space<vmem>> -> memref<1x72x64xf32, #tpu.memory_space<vmem>>
    %dma_wait3A_687 = tpu.memref_squeeze %dma_wait3A_686 : memref<1x72x64xf32, #tpu.memory_space<vmem>> -> memref<72x64xf32, #tpu.memory_space<vmem>>
    %dma_wait3A_688 = arith.constant 128 : i32
    %dma_wait3A_689 = tpu.memref_slice %arg5[%dma_wait3A_682, %dma_wait3A_688] : memref<4x200xi32, #tpu.memory_space<vmem>> -> memref<1x72xi32, #tpu.memory_space<vmem>>
    %dma_wait3A_690 = tpu.memref_squeeze %dma_wait3A_689 : memref<1x72xi32, #tpu.memory_space<vmem>> -> memref<72xi32, #tpu.memory_space<vmem>>
    %dma_wait3A_691 = arith.constant 0 : i32
    %dma_wait3A_692 = arith.constant 0 : i32
    %dma_wait3A_693 = tpu.memref_slice %arg3[%dma_wait3A_691, %dma_wait3A_692] : memref<100000x64xf32, #tpu.memory_space<hbm>> -> memref<100000x64xf32, #tpu.memory_space<hbm>>
    tpu.wait_indirect_dma semaphore(%arg9 : memref<!tpu.dma_semaphore, #tpu.memory_space<semaphore_mem>>) src(%dma_wait3A_693 : memref<100000x64xf32, #tpu.memory_space<hbm>>) dst(%dma_wait3A_687 : memref<72x64xf32, #tpu.memory_space<vmem>>)
    %dma_wait3A_694 = arith.constant 3 : i32
    %dma_wait3A_695 = arith.constant 3 : i32
    %dma_wait3A_696 = arith.constant 0 : i32
    %dma_wait3A_697 = arith.constant 0 : i32
    %dma_wait3A_698 = tpu.memref_slice %arg7[%dma_wait3A_695, %dma_wait3A_696, %dma_wait3A_697] : memref<4x200x64xf32, #tpu.memory_space<vmem>> -> memref<1x128x64xf32, #tpu.memory_space<vmem>>
    %dma_wait3A_699 = tpu.memref_squeeze %dma_wait3A_698 : memref<1x128x64xf32, #tpu.memory_space<vmem>> -> memref<128x64xf32, #tpu.memory_space<vmem>>
    %dma_wait3A_700 = arith.constant 0 : i32
    %dma_wait3A_701 = tpu.memref_slice %arg5[%dma_wait3A_694, %dma_wait3A_700] : memref<4x200xi32, #tpu.memory_space<vmem>> -> memref<1x128xi32, #tpu.memory_space<vmem>>
    %dma_wait3A_702 = tpu.memref_squeeze %dma_wait3A_701 : memref<1x128xi32, #tpu.memory_space<vmem>> -> memref<128xi32, #tpu.memory_space<vmem>>
    %dma_wait3A_703 = arith.constant 0 : i32
    %dma_wait3A_704 = arith.constant 0 : i32
    %dma_wait3A_705 = tpu.memref_slice %arg3[%dma_wait3A_703, %dma_wait3A_704] : memref<100000x64xf32, #tpu.memory_space<hbm>> -> memref<100000x64xf32, #tpu.memory_space<hbm>>
    tpu.wait_indirect_dma semaphore(%arg9 : memref<!tpu.dma_semaphore, #tpu.memory_space<semaphore_mem>>) src(%dma_wait3A_705 : memref<100000x64xf32, #tpu.memory_space<hbm>>) dst(%dma_wait3A_699 : memref<128x64xf32, #tpu.memory_space<vmem>>)
    %dma_wait3A_706 = arith.constant 3 : i32
    %dma_wait3A_707 = arith.constant 3 : i32
    %dma_wait3A_708 = arith.constant 128 : i32
    %dma_wait3A_709 = arith.constant 0 : i32
    %dma_wait3A_710 = tpu.memref_slice %arg7[%dma_wait3A_707, %dma_wait3A_708, %dma_wait3A_709] : memref<4x200x64xf32, #tpu.memory_space<vmem>> -> memref<1x72x64xf32, #tpu.memory_space<vmem>>
    %dma_wait3A_711 = tpu.memref_squeeze %dma_wait3A_710 : memref<1x72x64xf32, #tpu.memory_space<vmem>> -> memref<72x64xf32, #tpu.memory_space<vmem>>
    %dma_wait3A_712 = arith.constant 128 : i32
    %dma_wait3A_713 = tpu.memref_slice %arg5[%dma_wait3A_706, %dma_wait3A_712] : memref<4x200xi32, #tpu.memory_space<vmem>> -> memref<1x72xi32, #tpu.memory_space<vmem>>
    %dma_wait3A_714 = tpu.memref_squeeze %dma_wait3A_713 : memref<1x72xi32, #tpu.memory_space<vmem>> -> memref<72xi32, #tpu.memory_space<vmem>>
    %dma_wait3A_715 = arith.constant 0 : i32
    %dma_wait3A_716 = arith.constant 0 : i32
    %dma_wait3A_717 = tpu.memref_slice %arg3[%dma_wait3A_715, %dma_wait3A_716] : memref<100000x64xf32, #tpu.memory_space<hbm>> -> memref<100000x64xf32, #tpu.memory_space<hbm>>
    tpu.wait_indirect_dma semaphore(%arg9 : memref<!tpu.dma_semaphore, #tpu.memory_space<semaphore_mem>>) src(%dma_wait3A_717 : memref<100000x64xf32, #tpu.memory_space<hbm>>) dst(%dma_wait3A_711 : memref<72x64xf32, #tpu.memory_space<vmem>>)
    %add3A_718 = arith.constant 120 : i32
    %add3A_719 = arith.addi %mul3A_2, %add3A_718 : i32
    %dma_start3A_720 = arith.constant 0 : i32
    %dma_start3A_721 = arith.constant 0 : i32
    %dma_start3A_722 = tpu.memref_slice %arg4[%add3A_719, %dma_start3A_720, %dma_start3A_721] : memref<4096x200x64xf32, #tpu.memory_space<hbm>> -> memref<4x200x64xf32, #tpu.memory_space<hbm>>
    %dma_start3A_723 = arith.constant 0 : i32
    %dma_start3A_724 = arith.constant 0 : i32
    %dma_start3A_725 = tpu.memref_slice %arg4[%add3A_719, %dma_start3A_723, %dma_start3A_724] : memref<4096x200x64xf32, #tpu.memory_space<hbm>> -> memref<4x200x64xf32, #tpu.memory_space<hbm>>
    tpu.enqueue_dma source(%arg7 : memref<4x200x64xf32, #tpu.memory_space<vmem>>) target(%dma_start3A_725 : memref<4x200x64xf32, #tpu.memory_space<hbm>>) target_semaphore(%arg11 : memref<!tpu.dma_semaphore, #tpu.memory_space<semaphore_mem>>)
    %dma_wait3A_726 = arith.constant 0 : i32
    %dma_wait3A_727 = arith.constant 0 : i32
    %dma_wait3A_728 = arith.constant 0 : i32
    %dma_wait3A_729 = arith.constant 0 : i32
    %dma_wait3A_730 = tpu.memref_slice %arg8[%dma_wait3A_727, %dma_wait3A_728, %dma_wait3A_729] : memref<4x200x64xf32, #tpu.memory_space<vmem>> -> memref<1x128x64xf32, #tpu.memory_space<vmem>>
    %dma_wait3A_731 = tpu.memref_squeeze %dma_wait3A_730 : memref<1x128x64xf32, #tpu.memory_space<vmem>> -> memref<128x64xf32, #tpu.memory_space<vmem>>
    %dma_wait3A_732 = arith.constant 0 : i32
    %dma_wait3A_733 = tpu.memref_slice %arg6[%dma_wait3A_726, %dma_wait3A_732] : memref<4x200xi32, #tpu.memory_space<vmem>> -> memref<1x128xi32, #tpu.memory_space<vmem>>
    %dma_wait3A_734 = tpu.memref_squeeze %dma_wait3A_733 : memref<1x128xi32, #tpu.memory_space<vmem>> -> memref<128xi32, #tpu.memory_space<vmem>>
    %dma_wait3A_735 = arith.constant 0 : i32
    %dma_wait3A_736 = arith.constant 0 : i32
    %dma_wait3A_737 = tpu.memref_slice %arg3[%dma_wait3A_735, %dma_wait3A_736] : memref<100000x64xf32, #tpu.memory_space<hbm>> -> memref<100000x64xf32, #tpu.memory_space<hbm>>
    tpu.wait_indirect_dma semaphore(%arg10 : memref<!tpu.dma_semaphore, #tpu.memory_space<semaphore_mem>>) src(%dma_wait3A_737 : memref<100000x64xf32, #tpu.memory_space<hbm>>) dst(%dma_wait3A_731 : memref<128x64xf32, #tpu.memory_space<vmem>>)
    %dma_wait3A_738 = arith.constant 0 : i32
    %dma_wait3A_739 = arith.constant 0 : i32
    %dma_wait3A_740 = arith.constant 128 : i32
    %dma_wait3A_741 = arith.constant 0 : i32
    %dma_wait3A_742 = tpu.memref_slice %arg8[%dma_wait3A_739, %dma_wait3A_740, %dma_wait3A_741] : memref<4x200x64xf32, #tpu.memory_space<vmem>> -> memref<1x72x64xf32, #tpu.memory_space<vmem>>
    %dma_wait3A_743 = tpu.memref_squeeze %dma_wait3A_742 : memref<1x72x64xf32, #tpu.memory_space<vmem>> -> memref<72x64xf32, #tpu.memory_space<vmem>>
    %dma_wait3A_744 = arith.constant 128 : i32
    %dma_wait3A_745 = tpu.memref_slice %arg6[%dma_wait3A_738, %dma_wait3A_744] : memref<4x200xi32, #tpu.memory_space<vmem>> -> memref<1x72xi32, #tpu.memory_space<vmem>>
    %dma_wait3A_746 = tpu.memref_squeeze %dma_wait3A_745 : memref<1x72xi32, #tpu.memory_space<vmem>> -> memref<72xi32, #tpu.memory_space<vmem>>
    %dma_wait3A_747 = arith.constant 0 : i32
    %dma_wait3A_748 = arith.constant 0 : i32
    %dma_wait3A_749 = tpu.memref_slice %arg3[%dma_wait3A_747, %dma_wait3A_748] : memref<100000x64xf32, #tpu.memory_space<hbm>> -> memref<100000x64xf32, #tpu.memory_space<hbm>>
    tpu.wait_indirect_dma semaphore(%arg10 : memref<!tpu.dma_semaphore, #tpu.memory_space<semaphore_mem>>) src(%dma_wait3A_749 : memref<100000x64xf32, #tpu.memory_space<hbm>>) dst(%dma_wait3A_743 : memref<72x64xf32, #tpu.memory_space<vmem>>)
    %dma_wait3A_750 = arith.constant 1 : i32
    %dma_wait3A_751 = arith.constant 1 : i32
    %dma_wait3A_752 = arith.constant 0 : i32
    %dma_wait3A_753 = arith.constant 0 : i32
    %dma_wait3A_754 = tpu.memref_slice %arg8[%dma_wait3A_751, %dma_wait3A_752, %dma_wait3A_753] : memref<4x200x64xf32, #tpu.memory_space<vmem>> -> memref<1x128x64xf32, #tpu.memory_space<vmem>>
    %dma_wait3A_755 = tpu.memref_squeeze %dma_wait3A_754 : memref<1x128x64xf32, #tpu.memory_space<vmem>> -> memref<128x64xf32, #tpu.memory_space<vmem>>
    %dma_wait3A_756 = arith.constant 0 : i32
    %dma_wait3A_757 = tpu.memref_slice %arg6[%dma_wait3A_750, %dma_wait3A_756] : memref<4x200xi32, #tpu.memory_space<vmem>> -> memref<1x128xi32, #tpu.memory_space<vmem>>
    %dma_wait3A_758 = tpu.memref_squeeze %dma_wait3A_757 : memref<1x128xi32, #tpu.memory_space<vmem>> -> memref<128xi32, #tpu.memory_space<vmem>>
    %dma_wait3A_759 = arith.constant 0 : i32
    %dma_wait3A_760 = arith.constant 0 : i32
    %dma_wait3A_761 = tpu.memref_slice %arg3[%dma_wait3A_759, %dma_wait3A_760] : memref<100000x64xf32, #tpu.memory_space<hbm>> -> memref<100000x64xf32, #tpu.memory_space<hbm>>
    tpu.wait_indirect_dma semaphore(%arg10 : memref<!tpu.dma_semaphore, #tpu.memory_space<semaphore_mem>>) src(%dma_wait3A_761 : memref<100000x64xf32, #tpu.memory_space<hbm>>) dst(%dma_wait3A_755 : memref<128x64xf32, #tpu.memory_space<vmem>>)
    %dma_wait3A_762 = arith.constant 1 : i32
    %dma_wait3A_763 = arith.constant 1 : i32
    %dma_wait3A_764 = arith.constant 128 : i32
    %dma_wait3A_765 = arith.constant 0 : i32
    %dma_wait3A_766 = tpu.memref_slice %arg8[%dma_wait3A_763, %dma_wait3A_764, %dma_wait3A_765] : memref<4x200x64xf32, #tpu.memory_space<vmem>> -> memref<1x72x64xf32, #tpu.memory_space<vmem>>
    %dma_wait3A_767 = tpu.memref_squeeze %dma_wait3A_766 : memref<1x72x64xf32, #tpu.memory_space<vmem>> -> memref<72x64xf32, #tpu.memory_space<vmem>>
    %dma_wait3A_768 = arith.constant 128 : i32
    %dma_wait3A_769 = tpu.memref_slice %arg6[%dma_wait3A_762, %dma_wait3A_768] : memref<4x200xi32, #tpu.memory_space<vmem>> -> memref<1x72xi32, #tpu.memory_space<vmem>>
    %dma_wait3A_770 = tpu.memref_squeeze %dma_wait3A_769 : memref<1x72xi32, #tpu.memory_space<vmem>> -> memref<72xi32, #tpu.memory_space<vmem>>
    %dma_wait3A_771 = arith.constant 0 : i32
    %dma_wait3A_772 = arith.constant 0 : i32
    %dma_wait3A_773 = tpu.memref_slice %arg3[%dma_wait3A_771, %dma_wait3A_772] : memref<100000x64xf32, #tpu.memory_space<hbm>> -> memref<100000x64xf32, #tpu.memory_space<hbm>>
    tpu.wait_indirect_dma semaphore(%arg10 : memref<!tpu.dma_semaphore, #tpu.memory_space<semaphore_mem>>) src(%dma_wait3A_773 : memref<100000x64xf32, #tpu.memory_space<hbm>>) dst(%dma_wait3A_767 : memref<72x64xf32, #tpu.memory_space<vmem>>)
    %dma_wait3A_774 = arith.constant 2 : i32
    %dma_wait3A_775 = arith.constant 2 : i32
    %dma_wait3A_776 = arith.constant 0 : i32
    %dma_wait3A_777 = arith.constant 0 : i32
    %dma_wait3A_778 = tpu.memref_slice %arg8[%dma_wait3A_775, %dma_wait3A_776, %dma_wait3A_777] : memref<4x200x64xf32, #tpu.memory_space<vmem>> -> memref<1x128x64xf32, #tpu.memory_space<vmem>>
    %dma_wait3A_779 = tpu.memref_squeeze %dma_wait3A_778 : memref<1x128x64xf32, #tpu.memory_space<vmem>> -> memref<128x64xf32, #tpu.memory_space<vmem>>
    %dma_wait3A_780 = arith.constant 0 : i32
    %dma_wait3A_781 = tpu.memref_slice %arg6[%dma_wait3A_774, %dma_wait3A_780] : memref<4x200xi32, #tpu.memory_space<vmem>> -> memref<1x128xi32, #tpu.memory_space<vmem>>
    %dma_wait3A_782 = tpu.memref_squeeze %dma_wait3A_781 : memref<1x128xi32, #tpu.memory_space<vmem>> -> memref<128xi32, #tpu.memory_space<vmem>>
    %dma_wait3A_783 = arith.constant 0 : i32
    %dma_wait3A_784 = arith.constant 0 : i32
    %dma_wait3A_785 = tpu.memref_slice %arg3[%dma_wait3A_783, %dma_wait3A_784] : memref<100000x64xf32, #tpu.memory_space<hbm>> -> memref<100000x64xf32, #tpu.memory_space<hbm>>
    tpu.wait_indirect_dma semaphore(%arg10 : memref<!tpu.dma_semaphore, #tpu.memory_space<semaphore_mem>>) src(%dma_wait3A_785 : memref<100000x64xf32, #tpu.memory_space<hbm>>) dst(%dma_wait3A_779 : memref<128x64xf32, #tpu.memory_space<vmem>>)
    %dma_wait3A_786 = arith.constant 2 : i32
    %dma_wait3A_787 = arith.constant 2 : i32
    %dma_wait3A_788 = arith.constant 128 : i32
    %dma_wait3A_789 = arith.constant 0 : i32
    %dma_wait3A_790 = tpu.memref_slice %arg8[%dma_wait3A_787, %dma_wait3A_788, %dma_wait3A_789] : memref<4x200x64xf32, #tpu.memory_space<vmem>> -> memref<1x72x64xf32, #tpu.memory_space<vmem>>
    %dma_wait3A_791 = tpu.memref_squeeze %dma_wait3A_790 : memref<1x72x64xf32, #tpu.memory_space<vmem>> -> memref<72x64xf32, #tpu.memory_space<vmem>>
    %dma_wait3A_792 = arith.constant 128 : i32
    %dma_wait3A_793 = tpu.memref_slice %arg6[%dma_wait3A_786, %dma_wait3A_792] : memref<4x200xi32, #tpu.memory_space<vmem>> -> memref<1x72xi32, #tpu.memory_space<vmem>>
    %dma_wait3A_794 = tpu.memref_squeeze %dma_wait3A_793 : memref<1x72xi32, #tpu.memory_space<vmem>> -> memref<72xi32, #tpu.memory_space<vmem>>
    %dma_wait3A_795 = arith.constant 0 : i32
    %dma_wait3A_796 = arith.constant 0 : i32
    %dma_wait3A_797 = tpu.memref_slice %arg3[%dma_wait3A_795, %dma_wait3A_796] : memref<100000x64xf32, #tpu.memory_space<hbm>> -> memref<100000x64xf32, #tpu.memory_space<hbm>>
    tpu.wait_indirect_dma semaphore(%arg10 : memref<!tpu.dma_semaphore, #tpu.memory_space<semaphore_mem>>) src(%dma_wait3A_797 : memref<100000x64xf32, #tpu.memory_space<hbm>>) dst(%dma_wait3A_791 : memref<72x64xf32, #tpu.memory_space<vmem>>)
    %dma_wait3A_798 = arith.constant 3 : i32
    %dma_wait3A_799 = arith.constant 3 : i32
    %dma_wait3A_800 = arith.constant 0 : i32
    %dma_wait3A_801 = arith.constant 0 : i32
    %dma_wait3A_802 = tpu.memref_slice %arg8[%dma_wait3A_799, %dma_wait3A_800, %dma_wait3A_801] : memref<4x200x64xf32, #tpu.memory_space<vmem>> -> memref<1x128x64xf32, #tpu.memory_space<vmem>>
    %dma_wait3A_803 = tpu.memref_squeeze %dma_wait3A_802 : memref<1x128x64xf32, #tpu.memory_space<vmem>> -> memref<128x64xf32, #tpu.memory_space<vmem>>
    %dma_wait3A_804 = arith.constant 0 : i32
    %dma_wait3A_805 = tpu.memref_slice %arg6[%dma_wait3A_798, %dma_wait3A_804] : memref<4x200xi32, #tpu.memory_space<vmem>> -> memref<1x128xi32, #tpu.memory_space<vmem>>
    %dma_wait3A_806 = tpu.memref_squeeze %dma_wait3A_805 : memref<1x128xi32, #tpu.memory_space<vmem>> -> memref<128xi32, #tpu.memory_space<vmem>>
    %dma_wait3A_807 = arith.constant 0 : i32
    %dma_wait3A_808 = arith.constant 0 : i32
    %dma_wait3A_809 = tpu.memref_slice %arg3[%dma_wait3A_807, %dma_wait3A_808] : memref<100000x64xf32, #tpu.memory_space<hbm>> -> memref<100000x64xf32, #tpu.memory_space<hbm>>
    tpu.wait_indirect_dma semaphore(%arg10 : memref<!tpu.dma_semaphore, #tpu.memory_space<semaphore_mem>>) src(%dma_wait3A_809 : memref<100000x64xf32, #tpu.memory_space<hbm>>) dst(%dma_wait3A_803 : memref<128x64xf32, #tpu.memory_space<vmem>>)
    %dma_wait3A_810 = arith.constant 3 : i32
    %dma_wait3A_811 = arith.constant 3 : i32
    %dma_wait3A_812 = arith.constant 128 : i32
    %dma_wait3A_813 = arith.constant 0 : i32
    %dma_wait3A_814 = tpu.memref_slice %arg8[%dma_wait3A_811, %dma_wait3A_812, %dma_wait3A_813] : memref<4x200x64xf32, #tpu.memory_space<vmem>> -> memref<1x72x64xf32, #tpu.memory_space<vmem>>
    %dma_wait3A_815 = tpu.memref_squeeze %dma_wait3A_814 : memref<1x72x64xf32, #tpu.memory_space<vmem>> -> memref<72x64xf32, #tpu.memory_space<vmem>>
    %dma_wait3A_816 = arith.constant 128 : i32
    %dma_wait3A_817 = tpu.memref_slice %arg6[%dma_wait3A_810, %dma_wait3A_816] : memref<4x200xi32, #tpu.memory_space<vmem>> -> memref<1x72xi32, #tpu.memory_space<vmem>>
    %dma_wait3A_818 = tpu.memref_squeeze %dma_wait3A_817 : memref<1x72xi32, #tpu.memory_space<vmem>> -> memref<72xi32, #tpu.memory_space<vmem>>
    %dma_wait3A_819 = arith.constant 0 : i32
    %dma_wait3A_820 = arith.constant 0 : i32
    %dma_wait3A_821 = tpu.memref_slice %arg3[%dma_wait3A_819, %dma_wait3A_820] : memref<100000x64xf32, #tpu.memory_space<hbm>> -> memref<100000x64xf32, #tpu.memory_space<hbm>>
    tpu.wait_indirect_dma semaphore(%arg10 : memref<!tpu.dma_semaphore, #tpu.memory_space<semaphore_mem>>) src(%dma_wait3A_821 : memref<100000x64xf32, #tpu.memory_space<hbm>>) dst(%dma_wait3A_815 : memref<72x64xf32, #tpu.memory_space<vmem>>)
    %add3A_822 = arith.constant 124 : i32
    %add3A_823 = arith.addi %mul3A_2, %add3A_822 : i32
    %dma_start3A_824 = arith.constant 0 : i32
    %dma_start3A_825 = arith.constant 0 : i32
    %dma_start3A_826 = tpu.memref_slice %arg4[%add3A_823, %dma_start3A_824, %dma_start3A_825] : memref<4096x200x64xf32, #tpu.memory_space<hbm>> -> memref<4x200x64xf32, #tpu.memory_space<hbm>>
    %dma_start3A_827 = arith.constant 0 : i32
    %dma_start3A_828 = arith.constant 0 : i32
    %dma_start3A_829 = tpu.memref_slice %arg4[%add3A_823, %dma_start3A_827, %dma_start3A_828] : memref<4096x200x64xf32, #tpu.memory_space<hbm>> -> memref<4x200x64xf32, #tpu.memory_space<hbm>>
    tpu.enqueue_dma source(%arg8 : memref<4x200x64xf32, #tpu.memory_space<vmem>>) target(%dma_start3A_829 : memref<4x200x64xf32, #tpu.memory_space<hbm>>) target_semaphore(%arg12 : memref<!tpu.dma_semaphore, #tpu.memory_space<semaphore_mem>>)
    %dma_wait3A_830 = arith.constant 0 : i32
    %dma_wait3A_831 = arith.constant 0 : i32
    %dma_wait3A_832 = arith.constant 0 : i32
    %dma_wait3A_833 = tpu.memref_slice %arg4[%dma_wait3A_830, %dma_wait3A_831, %dma_wait3A_832] : memref<4096x200x64xf32, #tpu.memory_space<hbm>> -> memref<4x200x64xf32, #tpu.memory_space<hbm>>
    %dma_wait3A_834 = arith.constant 0 : i32
    %dma_wait3A_835 = arith.constant 0 : i32
    %dma_wait3A_836 = arith.constant 0 : i32
    %dma_wait3A_837 = tpu.memref_slice %arg4[%dma_wait3A_834, %dma_wait3A_835, %dma_wait3A_836] : memref<4096x200x64xf32, #tpu.memory_space<hbm>> -> memref<4x200x64xf32, #tpu.memory_space<hbm>>
    tpu.wait_dma2 semaphore(%arg11 : memref<!tpu.dma_semaphore, #tpu.memory_space<semaphore_mem>>) src(%arg7 : memref<4x200x64xf32, #tpu.memory_space<vmem>>) dst(%dma_wait3A_837 : memref<4x200x64xf32, #tpu.memory_space<hbm>>)
    %dma_wait3A_838 = arith.constant 0 : i32
    %dma_wait3A_839 = arith.constant 0 : i32
    %dma_wait3A_840 = arith.constant 0 : i32
    %dma_wait3A_841 = tpu.memref_slice %arg4[%dma_wait3A_838, %dma_wait3A_839, %dma_wait3A_840] : memref<4096x200x64xf32, #tpu.memory_space<hbm>> -> memref<4x200x64xf32, #tpu.memory_space<hbm>>
    %dma_wait3A_842 = arith.constant 0 : i32
    %dma_wait3A_843 = arith.constant 0 : i32
    %dma_wait3A_844 = arith.constant 0 : i32
    %dma_wait3A_845 = tpu.memref_slice %arg4[%dma_wait3A_842, %dma_wait3A_843, %dma_wait3A_844] : memref<4096x200x64xf32, #tpu.memory_space<hbm>> -> memref<4x200x64xf32, #tpu.memory_space<hbm>>
    tpu.wait_dma2 semaphore(%arg12 : memref<!tpu.dma_semaphore, #tpu.memory_space<semaphore_mem>>) src(%arg8 : memref<4x200x64xf32, #tpu.memory_space<vmem>>) dst(%dma_wait3A_845 : memref<4x200x64xf32, #tpu.memory_space<hbm>>)
    return
  }
}

</mosaic_0001>

<sc_bundles>
// kernel: kernel.3.cloned.1.call-start
scs
__scs_entry_jumppad:
0x0: {  	(pc) =	sbr.rel $0x88, $3  }
0x1: {  	(tag) =	ssettag $0x0;
	lr =	simm.s32 $0x1  }
0x2: {  	[smem:$0x3F9F] =	sst lr;
	_ =	strace $0xD0000000  }
0x3: {  	_ = 	snop  }
0x4: {  	_ = 	snop  }
0x5: {  	_ = 	snop  }
0x6: {  	_ = 	snop  }
0x7: {  	_ = 	snop  }
__scs_overlays_trampoline_lowered:
0x8: {  	[smem:$0x3FAE] =	sst s0  }
0x9: {  	[smem:$0x3FAF] =	sst s1  }
0xa: {  	[smem:$0x3FB0] =	sst s2  }
0xb: {  	[smem:$0x3FB1] =	sst s3  }
0xc: {  	[smem:$0x3FB2] =	sst s4  }
0xd: {  	[smem:$0x3FB3] =	sst s5  }
0xe: {  	[smem:$0x3FB4] =	sst s6  }
0xf: {  	[smem:$0x3FB5] =	sst s7  }
0x10: {  	[smem:$0x3FB6] =	sst s8  }
0x11: {  	[smem:$0x3FB7] =	sst s9;
	s0 =	simm.s32 @!p0 $0x0  }
0x12: {  	s1 =	sld [smem:$0x3F9D];
	s0 =	simm.s32 @p0 $0x1  }
0x13: {  	[smem:$0x3FB8] =	sst s0;
	s0 =	simm.s32 @!p1 $0x0  }
0x14: {  	s2 =	sld [smem:$0x3F9C];
	s0 =	simm.s32 @p1 $0x1  }
0x15: {  	[smem:$0x3FB9] =	sst s0;
	s0 =	simm.s32 @!p2 $0x0  }
0x16: {  	s3 =	sld [smem:$0x3FDB];
	s0 =	simm.s32 @p2 $0x1  }
0x17: {  	s4 =	simm.s32 $0x1BF5;
	[smem:$0x3FBB] =	sst s0  }
0x18: {  	s0 =	sld [smem:$0x3F9E];
	_ =	swait.ge [sflag:s4], $0x0  }
0x19: {  	s7 =	sld [smem:$0x3F9F]  }
0x1a: {  	s8 =	sadd.s32 $0xFFFFE003, lr  }
0x1b: {  	s9 =	sadd.s32 $0xFFFFFEF7, lr;
	s5 =	simm.s32 $0xFFFFFFFF;
	p2 =	slt.u32 s8, $0xFFFFF086  }
0x1c: {  	p1 =	slt.u32 s9, $0xF7A;
	s5 =	simm.s32 @!p2 $0x0  }
0x1d: {  	s5 =	simm.s32 @p1 $0x1;
	p0 =	seq.s32 s7, s2  }
0x1e: {  	s7 =	smul.u32 @!p0 $0xF7A, s2;
	p2 =	seq.s32 @!p0 s5, $0x0  }
0x1f: {  	s9 =	smul.u32 $0xF7A, s1;
	s8 =	simm.s32 @!p0 $0x1BF5;
	p2 =	por !p2, p0  }
0x20: {  	[sflag:s8] =	ssyncset.s32 @!p0 $0xFFFFF086;
	s6 =	sadd.s32 @!p0 s3, s7;
	s7 =	simm.s32 @!p0 $0x108  }
0x21: {  	s3 =	sadd.s32 s3, s9;
	s6 =	sadd.s32 @!p0 $0x88, s6;
	s7 =	simm.s32 @p2 $0x1082  }
0x22: {  	[simem:s7], [sflag:s8] =	dma.local @!p0 [hbm:s6], $0xF7A  }
0x23: {  	s9 =	sor.u32 $0xD0000000, s2;
	s6 =	simm.s32 $0x108;
	_ =	swait.ge @!p0 [sflag:s8], $0x0  }
0x24: {  	s3 =	sadd.s32 $0x88, s3;
	s6 =	simm.s32 @!p1 $0x1082;
	[sflag:s4] =	ssyncset.s32 $0xFFFFF086  }
0x25: {  	[simem:s6], [sflag:s4] =	dma.local [hbm:s3], $0xF7A  }
0x26: {  	[smem:$0x3F9F] =	sst s1;
	(tag) =	ssettag s2;
	_ =	strace s9  }
0x27: {  	s1 =	sld [smem:$0x3FAF]  }
0x28: {  	s2 =	sld [smem:$0x3FB0]  }
0x29: {  	s4 =	sld [smem:$0x3FB2]  }
0x2a: {  	p0 =	seq.s32 s5, $0x0;
	s5 =	sld [smem:$0x3FB3]  }
0x2b: {  	s6 =	sld [smem:$0x3FB4]  }
0x2c: {  	s7 =	sld [smem:$0x3FB5]  }
0x2d: {  	s3 =	simm.s32 $0x108;
	s8 =	sld [smem:$0x3FB6]  }
0x2e: {  	s3 =	simm.s32 @!p0 $0x1082;
	s9 =	sld [smem:$0x3FB7]  }
0x2f: {  	lr =	sadd.s32 s0, s3;
	s0 =	sld [smem:$0x3FAE]  }
0x30: {  	s3 =	sld [smem:$0x3FB1]  }
0x31: {  	[smem:$0x3FBA] =	sst s10  }
0x32: {  	s10 =	sld [smem:$0x3FB8];
	_ =	sdelay $0x3  }
0x33: {  	p0 =	seq.s32 s10, $0x1;
	s10 =	sld [smem:$0x3FBA];
	_ =	sdelay $0x3  }
0x34: {  	[smem:$0x3FBA] =	sst s10  }
0x35: {  	s10 =	sld [smem:$0x3FB9];
	_ =	sdelay $0x3  }
0x36: {  	p1 =	seq.s32 s10, $0x1;
	s10 =	sld [smem:$0x3FBA];
	_ =	sdelay $0x3  }
0x37: {  	[smem:$0x3FBA] =	sst s10  }
0x38: {  	s10 =	sld [smem:$0x3FBB]  }
0x39: {  	_ = 	snop;
	(pc) =	sbr.ind lr, $3  }
0x3a: {  	_ = 	snop  }
0x3b: {  	_ = 	snop  }
0x3c: {  	p2 =	seq.s32 s10, $0x1;
	s10 =	sld [smem:$0x3FBA]  }
0x3d: {  	_ =	shalt  }
0x3e: {  	_ =	shalt  }
0x3f: {  	_ =	shalt  }
0x40: {  	_ =	shalt  }
0x41: {  	_ =	shalt  }
0x42: {  	_ =	shalt  }
0x43: {  	_ =	shalt  }
0x44: {  	_ =	shalt  }
0x45: {  	_ =	shalt  }
0x46: {  	_ =	shalt  }
0x47: {  	_ =	shalt  }
0x48: {  	_ =	shalt  }
0x49: {  	_ =	shalt  }
0x4a: {  	_ =	shalt  }
0x4b: {  	_ =	shalt  }
0x4c: {  	_ =	shalt  }
0x4d: {  	_ =	shalt  }
0x4e: {  	_ =	shalt  }
0x4f: {  	_ =	shalt  }
0x50: {  	_ =	shalt  }
0x51: {  	_ =	shalt  }
0x52: {  	_ =	shalt  }
0x53: {  	_ =	shalt  }
0x54: {  	_ =	shalt  }
0x55: {  	_ =	shalt  }
0x56: {  	_ =	shalt  }
0x57: {  	_ =	shalt  }
0x58: {  	_ =	shalt  }
0x59: {  	_ =	shalt  }
0x5a: {  	_ =	shalt  }
0x5b: {  	_ =	shalt  }
0x5c: {  	_ =	shalt  }
0x5d: {  	_ =	shalt  }
0x5e: {  	_ =	shalt  }
0x5f: {  	_ =	shalt  }
0x60: {  	_ =	shalt  }
0x61: {  	_ =	shalt  }
0x62: {  	_ =	shalt  }
0x63: {  	_ =	shalt  }
0x64: {  	_ =	shalt  }
0x65: {  	_ =	shalt  }
0x66: {  	_ =	shalt  }
0x67: {  	_ =	shalt  }
0x68: {  	_ =	shalt  }
0x69: {  	_ =	shalt  }
0x6a: {  	_ =	shalt  }
0x6b: {  	_ =	shalt  }
0x6c: {  	_ =	shalt  }
0x6d: {  	_ =	shalt  }
0x6e: {  	_ =	shalt  }
0x6f: {  	_ =	shalt  }
0x70: {  	_ =	shalt  }
0x71: {  	_ =	shalt  }
0x72: {  	_ =	shalt  }
0x73: {  	_ =	shalt  }
0x74: {  	_ =	shalt  }
0x75: {  	_ =	shalt  }
0x76: {  	_ =	shalt  }
0x77: {  	_ =	shalt  }
0x78: {  	_ =	shalt  }
0x79: {  	_ =	shalt  }
0x7a: {  	_ =	shalt  }
0x7b: {  	_ =	shalt  }
0x7c: {  	_ =	shalt  }
0x7d: {  	_ =	shalt  }
0x7e: {  	_ =	shalt  }
0x7f: {  	_ =	shalt  }
0x80: {  	_ =	shalt  }
0x81: {  	_ =	shalt  }
0x82: {  	_ =	shalt  }
0x83: {  	_ =	shalt  }
0x84: {  	_ =	shalt  }
0x85: {  	_ =	shalt  }
0x86: {  	_ =	shalt  }
0x87: {  	_ =	shalt  }
.Lfunc_end0:
.L_simem_size_0:
called_computation.1_lowered:
.L_overlay_start_0:
0x88: {  	s2 =	sld [smem:$0x3FD9]  }
0x89: {  	s3 =	sld [smem:$0x3FFE];
	_ =	sdelay $0x1  }
0x8a: {  	s1 =	srdreg.scid  }
0x8b: {  	s0 =	sand.u32 $0x1, s1  }
0x8c: {  	s17 =	sshll.u32 s0, $0xA;
	s2 =	sadd.s32 s3, s2  }
0x8d: {  	s2 =	sadd.s32 s2, s17  }
0x8e: {  	[smem:$0x3FC6] =	sst s2  }
0x8f: {  	_ = 	snop  }
0x90: {  	s2 =	sld [smem:$0x3FD0];
	(tm) =	ssettm $0x1  }
0x91: {  	s18 =	sld [smem:$0x3FFB];
	_ =	sdelay $0x3  }
0x92: {  	_ =	strace s18  }
0x93: {  	s3 =	sld [smem:$0x3FFC];
	_ =	sdelay $0x3  }
0x94: {  	_ =	strace s3  }
0x95: {  	s3 =	sld [smem:$0x3FFD];
	_ =	sdelay $0x3  }
0x96: {  	_ =	strace s3  }
0x97: {  	_ =	strace $0x8FFFFFFF  }
0x98: {  	s19 =	sld [smem:$0x3FDB];
	_ =	sdelay $0x1  }
0x99: {  	s4 =	simm.s32 $_scs_section_size  }
0x9a: {  	s5 =	simm.s32 $_size__tile_overlayer_lowered;
	s6 =	simm.s32 $_tile_overlayer_lowered  }
0x9b: {  	s22 =	simm.s32 $0x1BFF;
	s21 =	sshll.u32 s6, $0x1;
	s3 =	sadd.s32 s4, s19  }
0x9c: {  	s7 =	simm.s32 $0x0;
	s20 =	sshll.u32 s5, $0x1;
	s5 =	sadd.s32 s21, s3  }
0x9d: {  	[timem:s7], [sflag:s22] =	dma.local [hbm:s5], s20  }
0x9e: {  	_ =	swait.ge [sflag:s22], s20  }
0x9f: {  	s4 =	ssub.s32 $0x0, s20;
	[sflag:s22] =	ssyncset.done $0x0  }
0xa0: {  	[sflag:s22] =	ssyncadd.s32 s4;
	_ =	sdelay $0x1  }
0xa1: {  	s23 =	simm.s32 $0x1B8B  }
0xa2: {  	_ =	swait.ge [sflag:s23], $0x1  }
0xa3: {  	[sflag:s23] =	ssyncset.done $0x0  }
0xa4: {  	s25 =	simm.s32 $0x1B8E;
	s24 =	sld [smem:$0x3FFE];
	[sflag:s23] =	ssyncadd.s32 $0xFFFFFFFF  }
0xa5: {  	s26 =	simm.s32 $execute0_lowered;
	[smem:$0x3FD2] =	sst s25  }
0xa6: {  	s5 =	sshll.u32 s26, $0x1;
	_ =	strace $0x80000046;
	[dreg:$0x1] =	wrdreg $0xFFFFFFFF  }
0xa7: {  	s28 =	simm.s32 $_size_execute0_lowered;
	s3 =	sadd.s32 s3, s5;
	[dreg:$0x0] =	wrdreg $0x0  }
0xa8: {  	s5 =	sshll.u32 s28, $0x1;
	[dreg:$0x2] =	wrdreg s3  }
0xa9: {  	[dreg:$0x3] =	wrdreg s5  }
0xaa: {  	[dreg:$0x4] =	wrdreg $0xC0  }
0xab: {  	_ =	task [dreg:s7], $0x5FFFF  }
0xac: {  	[dreg:$0x1] =	wrdreg $0xFFFFFFFF  }
0xad: {  	[dreg:$0x0] =	wrdreg $0x60  }
0xae: {  	[dreg:$0x2] =	wrdreg s24  }
0xaf: {  	[dreg:$0x3] =	wrdreg s2  }
0xb0: {  	[dreg:$0x4] =	wrdreg $0x9  }
0xb1: {  	_ =	task.clear_ibuf [dreg:s7], $0x5FFFF;
	_ =	strace $0x90000046  }
0xb2: {  	s29 =	simm.s32 $0x9;
	_ =	strace $0x80000048  }
0xb3: {  	_ =	swait.ge [sflag:s29], $0x1  }
0xb4: {  	[sflag:s29] =	ssyncadd.s32 $0xFFFFFFFF  }
0xb5: {  	_ =	strace $0x90000048  }
0xb6: {  	_ =	sfence  }
0xb7: {  	s30 =	sld [smem:$0x0];
	_ =	sdelay $0x2  }
0xb8: {  	s31 =	sshll.u32 s1, $0xD;
	s1 =	sshrl.u32 s1, $0x2  }
0xb9: {  	s3 =	sand.u32 $0x4000, s31;
	s1 =	sadd.s32 s1, s30  }
0xba: {  	s0 =	sor.u32 s3, s0;
	s1 =	sshll.u32 s1, $0x11  }
0xbb: {  	s0 =	sor.u32 s1, s0  }
0xbc: {  	s0 =	sadd.s32 $0x8F2B, s0  }
0xbd: {  	[sflag:s0] =	ssyncadd.remote.s32 $0x1  }
0xbe: {  	_ =	sfence.sel $0xFFFF  }
0xbf: {  	[dreg:$0x0] =	wrdreg $0xFFFFFFFF;
	(pc) =	sbr.abs _section_cstart, $3  }
0xc0: {  	[dreg:$0x1] =	wrdreg $0xFFFFFFFF  }
0xc1: {  	_ =	task.clear_ibuf [dreg:s7], $0x2FFFF;
	_ =	strace $0x9FFFFFFF  }
0xc2: {  	(tm) =	ssettm $0x7FFFFFFF  }
0xc3: {  	_ =	shalt  }
tec
execute0_lowered:
.L_overlay_start_1:
0x0: {  	(tag) =	ssettag $0x1  }
0x1: {  	s0 =	srdreg.scid;
	s1 =	rddreg [dreg:$0x0]  }
0x2: {  	s13 =	stileid.u32;
	s4 =	rddreg [dreg:$0x1];
	s2 =	simm.s32 $0x0  }
0x3: {  	s14 =	simm.s32 $0x5;
	s15 =	simm.s32 $0x80;
	s16 =	simm.s32 $0x640  }
0x4: {  	s17 =	simm.s32 $0x48;
	s30 =	simm.s32 $0x2640;
	s25 =	smul.u32 $0x1900, s13  }
0x5: {  	s18 =	simm.s32 $0x2D8;
	s0 =	sand.u32 $0x1, s0;
	s28 =	smul.u32 $0x64000, s13  }
0x6: {  	s3 =	sshll.u32 s13, $0x8;
	s5 =	sshll.u32 s0, $0x7;
	s26 =	smul.u32 $0xC80, s0  }
0x7: {  	s8 =	ssub.s32 $0x2, s0;
	s0 =	smul.u32 $0x32000, s0;
	s5 =	sor.u32 s5, s3  }
0x8: {  	s19 =	simm.s32 $0xBC40;
	s20 =	simm.s32 $0x0;
	s6 =	smul.u32 $0x19, s5  }
0x9: {  	[smem:$0x7FF] =	sst s2;
	s10 =	sadd.s32 $0x800, s1;
	s12 =	smul.u32 $0xC8, s5  }
0xa: {  	s13 =	simm.s32 $0x9C40;
	_ =	strace $0x80000047;
	s22 =	smul.u32 $0x640, s5  }
0xb: {  	s11 =	sshrl.u32 s8, $0x1;
	s7 =	sor.u32 $0x4, s5;
	s5 =	smul.u32 $0x3200, s5  }
0xc: {  	s3 =	sadd.s32 $0x19800, s1;
	s21 =	ssub.s32 s8, s11;
	s9 =	smul.u32 $0x19, s7  }
0xd: {  	s11 =	simm.s32 $0x8A40;
	s7 =	smul.u32 $0x640, s7;
	s1 =	smax.u32 s21, $0x1  }
0xe: {  	s6 =	sadd.s32 s10, s6;
	s23 =	sshrl.u32 s12, $0x3;
	s8 =	sadd.s32 s4, s22  }
0xf: {  	s5 =	sshrl.u32 s5, $0x3;
	[dreg:$0xc] =	wrdreg s1;
	s12 =	simm.s32 $0x258  }
0x10: {  	s1 =	simm.s32 $0x320;
	s22 =	simm.s32 $0x1;
	[dreg:$0x4] =	wrdreg s6  }
0x11: {  	s9 =	sadd.s32 s10, s9;
	s6 =	sadd.s32 s10, s23;
	[dreg:$0x6] =	wrdreg s8  }
0x12: {  	s7 =	sadd.s32 s4, s7;
	s5 =	sadd.s32 s4, s5;
	s8 =	sadd.s32 s25, s10  }
0x13: {  	s4 =	sadd.s32 s28, s4;
	s10 =	simm.s32 $0x210;
	[dreg:$0x5] =	wrdreg s9  }
0x14: {  	s23 =	simm.s32 $0x3;
	s24 =	sadd.s32 $0xC8, s6;
	[dreg:$0x8] =	wrdreg s7  }
0x15: {  	s25 =	simm.s32 $0x4;
	s6 =	sadd.s32 $0x12C, s6;
	[dreg:$0x7] =	wrdreg s24  }
0x16: {  	s29 =	sadd.s32 $0x2EE00, s5;
	s5 =	sadd.s32 $0x30700, s5;
	[dreg:$0x9] =	wrdreg s6  }
0x17: {  	s31 =	sadd.s32 s26, s8;
	s0 =	sadd.s32 s0, s4;
	[dreg:$0xa] =	wrdreg s29  }
0x18: {  	s4 =	simm.s32 $0xC8;
	s7 =	simm.s32 $0x5840;
	[dreg:$0xb] =	wrdreg s5  }
0x19: {  	s8 =	simm.s32 $0x190;
	s9 =	simm.s32 $0x6A40;
	[dreg:$0x3] =	wrdreg s31  }
0x1a: {  	s0 =	sadd.s32 $0x3200, s0;
	s5 =	simm.s32 $0x3840;
	s6 =	simm.s32 $0x148  }
0x1b: {  	s24 =	simm.s32 $0x2;
	[dreg:$0xd] =	wrdreg s0;
	s0 =	simm.s32 $0xCE40  }
.LBB2_1:
0x1c: {  	[dreg:$0xe] =	wrdreg s20  }
0x1d: {  	s26 =	rddreg [dreg:$0x4]  }
0x1e: {  	[tilespmem:s2], [sflag:$0x5] =	stream.linear.gather [hbm4b:s26+s2], $0x320, $0x38;
	[tilespmem:$0x19640] =	vst v63  }
0x1f: {  	_ =	swait.ge [sflag:s14], $0x320  }
0x20: {  	[sflag:s14] =	ssyncset.done $0x0  }
0x21: {  	[sflag:s14] =	ssyncadd.s32 $0xFFFFFCE0  }
0x22: {  	[tilespmem:s16], [sflag:$0x1] =	stream.indirect.gather [hbm4b:s3+s15], $0x40, s2, s15, $0xb8;
	[tilespmem:$0x19640] =	vst v63  }
0x23: {  	_ = 	snop  }
0x24: {  	[tilespmem:s30], [sflag:$0x1] =	stream.indirect.gather [hbm4b:s3+s17], $0x40, s15, s17, $0xb8;
	[tilespmem:$0x19640] =	vst v63  }
0x25: {  	_ = 	snop  }
0x26: {  	[tilespmem:s5], [sflag:$0x1] =	stream.indirect.gather [hbm4b:s3+s15], $0x40, s4, s15, $0xb8;
	[tilespmem:$0x19640] =	vst v63  }
0x27: {  	_ = 	snop  }
0x28: {  	[tilespmem:s7], [sflag:$0x1] =	stream.indirect.gather [hbm4b:s3+s17], $0x40, s6, s17, $0xb8;
	[tilespmem:$0x19640] =	vst v63  }
0x29: {  	_ = 	snop  }
0x2a: {  	[tilespmem:s9], [sflag:$0x1] =	stream.indirect.gather [hbm4b:s3+s15], $0x40, s8, s15, $0xb8;
	[tilespmem:$0x19640] =	vst v63  }
0x2b: {  	_ = 	snop  }
0x2c: {  	[tilespmem:s11], [sflag:$0x1] =	stream.indirect.gather [hbm4b:s3+s17], $0x40, s10, s17, $0xb8;
	[tilespmem:$0x19640] =	vst v63  }
0x2d: {  	_ = 	snop  }
0x2e: {  	[tilespmem:s13], [sflag:$0x1] =	stream.indirect.gather [hbm4b:s3+s15], $0x40, s12, s15, $0xb8;
	[tilespmem:$0x19640] =	vst v63  }
0x2f: {  	_ = 	snop  }
0x30: {  	[tilespmem:s19], [sflag:$0x1] =	stream.indirect.gather [hbm4b:s3+s17], $0x40, s18, s17, $0xb8;
	[tilespmem:$0x19640] =	vst v63  }
0x31: {  	s21 =	rddreg [dreg:$0x5]  }
0x32: {  	[tilespmem:s1], [sflag:$0x5] =	stream.linear.gather [hbm4b:s21+s2], $0x320, $0x38;
	[tilespmem:$0x19640] =	vst v63  }
0x33: {  	_ =	swait.ge [sflag:s14], $0x320  }
0x34: {  	[sflag:s14] =	ssyncset.done $0x0  }
0x35: {  	[sflag:s14] =	ssyncadd.s32 $0xFFFFFCE0  }
0x36: {  	[tilespmem:s0], [sflag:$0x2] =	stream.indirect.gather [hbm4b:s3+s15], $0x40, s1, s15, $0xb8;
	[tilespmem:$0x19640] =	vst v63  }
0x37: {  	s29 =	simm.s32 $0xEE40;
	s26 =	simm.s32 $0x3A0  }
0x38: {  	[tilespmem:s29], [sflag:$0x2] =	stream.indirect.gather [hbm4b:s3+s17], $0x40, s26, s17, $0xb8;
	[tilespmem:$0x19640] =	vst v63  }
0x39: {  	s28 =	simm.s32 $0x10040;
	s21 =	simm.s32 $0x3E8  }
0x3a: {  	[tilespmem:s28], [sflag:$0x2] =	stream.indirect.gather [hbm4b:s3+s15], $0x40, s21, s15, $0xb8;
	[tilespmem:$0x19640] =	vst v63  }
0x3b: {  	s20 =	simm.s32 $0x12040;
	s21 =	simm.s32 $0x468  }
0x3c: {  	[tilespmem:s20], [sflag:$0x2] =	stream.indirect.gather [hbm4b:s3+s17], $0x40, s21, s17, $0xb8;
	[tilespmem:$0x19640] =	vst v63  }
0x3d: {  	s31 =	simm.s32 $0x13240;
	s26 =	simm.s32 $0x4B0  }
0x3e: {  	[tilespmem:s31], [sflag:$0x2] =	stream.indirect.gather [hbm4b:s3+s15], $0x40, s26, s15, $0xb8;
	[tilespmem:$0x19640] =	vst v63  }
0x3f: {  	s21 =	simm.s32 $0x530;
	s26 =	simm.s32 $0x15240  }
0x40: {  	[tilespmem:s26], [sflag:$0x2] =	stream.indirect.gather [hbm4b:s3+s17], $0x40, s21, s17, $0xb8;
	[tilespmem:$0x19640] =	vst v63  }
0x41: {  	s21 =	simm.s32 $0x578;
	s26 =	simm.s32 $0x16440  }
0x42: {  	[tilespmem:s26], [sflag:$0x2] =	stream.indirect.gather [hbm4b:s3+s15], $0x40, s21, s15, $0xb8;
	[tilespmem:$0x19640] =	vst v63  }
0x43: {  	s21 =	simm.s32 $0x5F8;
	s26 =	simm.s32 $0x18440  }
0x44: {  	[tilespmem:s26], [sflag:$0x2] =	stream.indirect.gather [hbm4b:s3+s17], $0x40, s21, s17, $0xb8;
	[tilespmem:$0x19640] =	vst v63  }
0x45: {  	_ =	swait.ge [sflag:s22], $0x2000  }
0x46: {  	[sflag:s22] =	ssyncset.done $0x0  }
0x47: {  	[sflag:s22] =	ssyncadd.s32 $0xFFFFE000  }
0x48: {  	_ =	swait.ge [sflag:s22], $0x1200  }
0x49: {  	[sflag:s22] =	ssyncset.done $0x0  }
0x4a: {  	[sflag:s22] =	ssyncadd.s32 $0xFFFFEE00  }
0x4b: {  	_ =	swait.ge [sflag:s22], $0x2000  }
0x4c: {  	[sflag:s22] =	ssyncset.done $0x0  }
0x4d: {  	[sflag:s22] =	ssyncadd.s32 $0xFFFFE000  }
0x4e: {  	_ =	swait.ge [sflag:s22], $0x1200  }
0x4f: {  	[sflag:s22] =	ssyncset.done $0x0  }
0x50: {  	[sflag:s22] =	ssyncadd.s32 $0xFFFFEE00  }
0x51: {  	_ =	swait.ge [sflag:s22], $0x2000  }
0x52: {  	[sflag:s22] =	ssyncset.done $0x0  }
0x53: {  	[sflag:s22] =	ssyncadd.s32 $0xFFFFE000  }
0x54: {  	_ =	swait.ge [sflag:s22], $0x1200  }
0x55: {  	[sflag:s22] =	ssyncset.done $0x0  }
0x56: {  	[sflag:s22] =	ssyncadd.s32 $0xFFFFEE00  }
0x57: {  	_ =	swait.ge [sflag:s22], $0x2000  }
0x58: {  	[sflag:s22] =	ssyncset.done $0x0  }
0x59: {  	[sflag:s22] =	ssyncadd.s32 $0xFFFFE000  }
0x5a: {  	_ =	swait.ge [sflag:s22], $0x1200  }
0x5b: {  	[sflag:s22] =	ssyncset.done $0x0  }
0x5c: {  	s21 =	rddreg [dreg:$0x6];
	[sflag:s22] =	ssyncadd.s32 $0xFFFFEE00  }
0x5d: {  	[hbm4b:s21+s2] =	stream.linear.scatter [tilespmem:s16], [sflag:$0x3], $0xC800, $0x38;
	[tilespmem:$0x19640] =	vst v63  }
0x5e: {  	s21 =	rddreg [dreg:$0x7]  }
0x5f: {  	[tilespmem:s2], [sflag:$0x5] =	stream.linear.gather [hbm4b:s21+s2], $0x320, $0x38;
	[tilespmem:$0x19640] =	vst v63  }
0x60: {  	_ =	swait.ge [sflag:s14], $0x320  }
0x61: {  	[sflag:s14] =	ssyncset.done $0x0  }
0x62: {  	[sflag:s14] =	ssyncadd.s32 $0xFFFFFCE0  }
0x63: {  	_ =	swait.ge [sflag:s23], $0xC800  }
0x64: {  	[sflag:s23] =	ssyncset.done $0x0  }
0x65: {  	[sflag:s23] =	ssyncadd.s32 $0xFFFF3800  }
0x66: {  	[tilespmem:s16], [sflag:$0x1] =	stream.indirect.gather [hbm4b:s3+s15], $0x40, s2, s15, $0xb8;
	[tilespmem:$0x19640] =	vst v63  }
0x67: {  	_ = 	snop  }
0x68: {  	[tilespmem:s30], [sflag:$0x1] =	stream.indirect.gather [hbm4b:s3+s17], $0x40, s15, s17, $0xb8;
	[tilespmem:$0x19640] =	vst v63  }
0x69: {  	_ = 	snop  }
0x6a: {  	[tilespmem:s5], [sflag:$0x1] =	stream.indirect.gather [hbm4b:s3+s15], $0x40, s4, s15, $0xb8;
	[tilespmem:$0x19640] =	vst v63  }
0x6b: {  	_ = 	snop  }
0x6c: {  	[tilespmem:s7], [sflag:$0x1] =	stream.indirect.gather [hbm4b:s3+s17], $0x40, s6, s17, $0xb8;
	[tilespmem:$0x19640] =	vst v63  }
0x6d: {  	_ = 	snop  }
0x6e: {  	[tilespmem:s9], [sflag:$0x1] =	stream.indirect.gather [hbm4b:s3+s15], $0x40, s8, s15, $0xb8;
	[tilespmem:$0x19640] =	vst v63  }
0x6f: {  	_ = 	snop  }
0x70: {  	[tilespmem:s11], [sflag:$0x1] =	stream.indirect.gather [hbm4b:s3+s17], $0x40, s10, s17, $0xb8;
	[tilespmem:$0x19640] =	vst v63  }
0x71: {  	_ = 	snop  }
0x72: {  	[tilespmem:s13], [sflag:$0x1] =	stream.indirect.gather [hbm4b:s3+s15], $0x40, s12, s15, $0xb8;
	[tilespmem:$0x19640] =	vst v63  }
0x73: {  	_ = 	snop  }
0x74: {  	[tilespmem:s19], [sflag:$0x1] =	stream.indirect.gather [hbm4b:s3+s17], $0x40, s18, s17, $0xb8;
	[tilespmem:$0x19640] =	vst v63  }
0x75: {  	_ =	swait.ge [sflag:s24], $0x2000  }
0x76: {  	[sflag:s24] =	ssyncset.done $0x0  }
0x77: {  	[sflag:s24] =	ssyncadd.s32 $0xFFFFE000  }
0x78: {  	_ =	swait.ge [sflag:s24], $0x1200  }
0x79: {  	[sflag:s24] =	ssyncset.done $0x0  }
0x7a: {  	[sflag:s24] =	ssyncadd.s32 $0xFFFFEE00  }
0x7b: {  	_ =	swait.ge [sflag:s24], $0x2000  }
0x7c: {  	[sflag:s24] =	ssyncset.done $0x0  }
0x7d: {  	[sflag:s24] =	ssyncadd.s32 $0xFFFFE000  }
0x7e: {  	_ =	swait.ge [sflag:s24], $0x1200  }
0x7f: {  	[sflag:s24] =	ssyncset.done $0x0  }
0x80: {  	[sflag:s24] =	ssyncadd.s32 $0xFFFFEE00  }
0x81: {  	_ =	swait.ge [sflag:s24], $0x2000  }
0x82: {  	[sflag:s24] =	ssyncset.done $0x0  }
0x83: {  	[sflag:s24] =	ssyncadd.s32 $0xFFFFE000  }
0x84: {  	_ =	swait.ge [sflag:s24], $0x1200  }
0x85: {  	[sflag:s24] =	ssyncset.done $0x0  }
0x86: {  	[sflag:s24] =	ssyncadd.s32 $0xFFFFEE00  }
0x87: {  	_ =	swait.ge [sflag:s24], $0x2000  }
0x88: {  	[sflag:s24] =	ssyncset.done $0x0  }
0x89: {  	[sflag:s24] =	ssyncadd.s32 $0xFFFFE000  }
0x8a: {  	_ =	swait.ge [sflag:s24], $0x1200  }
0x8b: {  	[sflag:s24] =	ssyncset.done $0x0  }
0x8c: {  	s21 =	rddreg [dreg:$0x8];
	[sflag:s24] =	ssyncadd.s32 $0xFFFFEE00  }
0x8d: {  	[hbm4b:s21+s2] =	stream.linear.scatter [tilespmem:s0], [sflag:$0x4], $0xC800, $0x38;
	[tilespmem:$0x19640] =	vst v63  }
0x8e: {  	s21 =	rddreg [dreg:$0x9]  }
0x8f: {  	[tilespmem:s1], [sflag:$0x5] =	stream.linear.gather [hbm4b:s21+s2], $0x320, $0x38;
	[tilespmem:$0x19640] =	vst v63  }
0x90: {  	_ =	swait.ge [sflag:s14], $0x320  }
0x91: {  	[sflag:s14] =	ssyncset.done $0x0  }
0x92: {  	[sflag:s14] =	ssyncadd.s32 $0xFFFFFCE0  }
0x93: {  	_ =	swait.ge [sflag:s25], $0xC800  }
0x94: {  	[sflag:s25] =	ssyncset.done $0x0  }
0x95: {  	[sflag:s25] =	ssyncadd.s32 $0xFFFF3800  }
0x96: {  	[tilespmem:s0], [sflag:$0x2] =	stream.indirect.gather [hbm4b:s3+s15], $0x40, s1, s15, $0xb8;
	[tilespmem:$0x19640] =	vst v63  }
0x97: {  	s26 =	simm.s32 $0x3A0  }
0x98: {  	[tilespmem:s29], [sflag:$0x2] =	stream.indirect.gather [hbm4b:s3+s17], $0x40, s26, s17, $0xb8;
	[tilespmem:$0x19640] =	vst v63  }
0x99: {  	s29 =	simm.s32 $0x3E8  }
0x9a: {  	[tilespmem:s28], [sflag:$0x2] =	stream.indirect.gather [hbm4b:s3+s15], $0x40, s29, s15, $0xb8;
	[tilespmem:$0x19640] =	vst v63  }
0x9b: {  	s29 =	simm.s32 $0x468  }
0x9c: {  	[tilespmem:s20], [sflag:$0x2] =	stream.indirect.gather [hbm4b:s3+s17], $0x40, s29, s17, $0xb8;
	[tilespmem:$0x19640] =	vst v63  }
0x9d: {  	s29 =	simm.s32 $0x4B0  }
0x9e: {  	[tilespmem:s31], [sflag:$0x2] =	stream.indirect.gather [hbm4b:s3+s15], $0x40, s29, s15, $0xb8;
	[tilespmem:$0x19640] =	vst v63  }
0x9f: {  	s26 =	simm.s32 $0x530;
	s29 =	simm.s32 $0x15240  }
0xa0: {  	[tilespmem:s29], [sflag:$0x2] =	stream.indirect.gather [hbm4b:s3+s17], $0x40, s26, s17, $0xb8;
	[tilespmem:$0x19640] =	vst v63  }
0xa1: {  	s26 =	simm.s32 $0x578;
	s29 =	simm.s32 $0x16440  }
0xa2: {  	[tilespmem:s29], [sflag:$0x2] =	stream.indirect.gather [hbm4b:s3+s15], $0x40, s26, s15, $0xb8;
	[tilespmem:$0x19640] =	vst v63  }
0xa3: {  	s26 =	simm.s32 $0x5F8;
	s29 =	simm.s32 $0x18440  }
0xa4: {  	[tilespmem:s29], [sflag:$0x2] =	stream.indirect.gather [hbm4b:s3+s17], $0x40, s26, s17, $0xb8;
	[tilespmem:$0x19640] =	vst v63  }
0xa5: {  	_ =	swait.ge [sflag:s22], $0x2000  }
0xa6: {  	[sflag:s22] =	ssyncset.done $0x0  }
0xa7: {  	[sflag:s22] =	ssyncadd.s32 $0xFFFFE000  }
0xa8: {  	_ =	swait.ge [sflag:s22], $0x1200  }
0xa9: {  	[sflag:s22] =	ssyncset.done $0x0  }
0xaa: {  	[sflag:s22] =	ssyncadd.s32 $0xFFFFEE00  }
0xab: {  	_ =	swait.ge [sflag:s22], $0x2000  }
0xac: {  	[sflag:s22] =	ssyncset.done $0x0  }
0xad: {  	[sflag:s22] =	ssyncadd.s32 $0xFFFFE000  }
0xae: {  	_ =	swait.ge [sflag:s22], $0x1200  }
0xaf: {  	[sflag:s22] =	ssyncset.done $0x0  }
0xb0: {  	[sflag:s22] =	ssyncadd.s32 $0xFFFFEE00  }
0xb1: {  	_ =	swait.ge [sflag:s22], $0x2000  }
0xb2: {  	[sflag:s22] =	ssyncset.done $0x0  }
0xb3: {  	[sflag:s22] =	ssyncadd.s32 $0xFFFFE000  }
0xb4: {  	_ =	swait.ge [sflag:s22], $0x1200  }
0xb5: {  	[sflag:s22] =	ssyncset.done $0x0  }
0xb6: {  	[sflag:s22] =	ssyncadd.s32 $0xFFFFEE00  }
0xb7: {  	_ =	swait.ge [sflag:s22], $0x2000  }
0xb8: {  	[sflag:s22] =	ssyncset.done $0x0  }
0xb9: {  	[sflag:s22] =	ssyncadd.s32 $0xFFFFE000  }
0xba: {  	_ =	swait.ge [sflag:s22], $0x1200  }
0xbb: {  	[sflag:s22] =	ssyncset.done $0x0;
	s26 =	rddreg [dreg:$0x3]  }
0xbc: {  	s20 =	rddreg [dreg:$0xd];
	[sflag:s22] =	ssyncadd.s32 $0xFFFFEE00;
	s26 =	sadd.s32 $0x0, s26  }
0xbd: {  	[hbm4b:s20+s2] =	stream.linear.scatter [tilespmem:s16], [sflag:$0x3], $0xC800, $0x38;
	[tilespmem:$0x19640] =	vst v63  }
0xbe: {  	s28 =	sadd.s32 $0x190, s26  }
0xbf: {  	[tilespmem:s2], [sflag:$0x5] =	stream.linear.gather [hbm4b:s28+s2], $0x320, $0x38;
	[tilespmem:$0x19640] =	vst v63  }
0xc0: {  	_ =	swait.ge [sflag:s14], $0x320  }
0xc1: {  	[sflag:s14] =	ssyncset.done $0x0  }
0xc2: {  	[sflag:s14] =	ssyncadd.s32 $0xFFFFFCE0  }
0xc3: {  	_ =	swait.ge [sflag:s23], $0xC800  }
0xc4: {  	[sflag:s23] =	ssyncset.done $0x0  }
0xc5: {  	[sflag:s23] =	ssyncadd.s32 $0xFFFF3800  }
0xc6: {  	[tilespmem:s16], [sflag:$0x1] =	stream.indirect.gather [hbm4b:s3+s15], $0x40, s2, s15, $0xb8;
	[tilespmem:$0x19640] =	vst v63  }
0xc7: {  	_ = 	snop  }
0xc8: {  	[tilespmem:s30], [sflag:$0x1] =	stream.indirect.gather [hbm4b:s3+s17], $0x40, s15, s17, $0xb8;
	[tilespmem:$0x19640] =	vst v63  }
0xc9: {  	_ = 	snop  }
0xca: {  	[tilespmem:s5], [sflag:$0x1] =	stream.indirect.gather [hbm4b:s3+s15], $0x40, s4, s15, $0xb8;
	[tilespmem:$0x19640] =	vst v63  }
0xcb: {  	_ = 	snop  }
0xcc: {  	[tilespmem:s7], [sflag:$0x1] =	stream.indirect.gather [hbm4b:s3+s17], $0x40, s6, s17, $0xb8;
	[tilespmem:$0x19640] =	vst v63  }
0xcd: {  	_ = 	snop  }
0xce: {  	[tilespmem:s9], [sflag:$0x1] =	stream.indirect.gather [hbm4b:s3+s15], $0x40, s8, s15, $0xb8;
	[tilespmem:$0x19640] =	vst v63  }
0xcf: {  	_ = 	snop  }
0xd0: {  	[tilespmem:s11], [sflag:$0x1] =	stream.indirect.gather [hbm4b:s3+s17], $0x40, s10, s17, $0xb8;
	[tilespmem:$0x19640] =	vst v63  }
0xd1: {  	_ = 	snop  }
0xd2: {  	[tilespmem:s13], [sflag:$0x1] =	stream.indirect.gather [hbm4b:s3+s15], $0x40, s12, s15, $0xb8;
	[tilespmem:$0x19640] =	vst v63  }
0xd3: {  	_ = 	snop  }
0xd4: {  	[tilespmem:s19], [sflag:$0x1] =	stream.indirect.gather [hbm4b:s3+s17], $0x40, s18, s17, $0xb8;
	[tilespmem:$0x19640] =	vst v63  }
0xd5: {  	_ =	swait.ge [sflag:s24], $0x2000  }
0xd6: {  	[sflag:s24] =	ssyncset.done $0x0  }
0xd7: {  	[sflag:s24] =	ssyncadd.s32 $0xFFFFE000  }
0xd8: {  	_ =	swait.ge [sflag:s24], $0x1200  }
0xd9: {  	[sflag:s24] =	ssyncset.done $0x0  }
0xda: {  	[sflag:s24] =	ssyncadd.s32 $0xFFFFEE00  }
0xdb: {  	_ =	swait.ge [sflag:s24], $0x2000  }
0xdc: {  	[sflag:s24] =	ssyncset.done $0x0  }
0xdd: {  	[sflag:s24] =	ssyncadd.s32 $0xFFFFE000  }
0xde: {  	_ =	swait.ge [sflag:s24], $0x1200  }
0xdf: {  	[sflag:s24] =	ssyncset.done $0x0  }
0xe0: {  	[sflag:s24] =	ssyncadd.s32 $0xFFFFEE00  }
0xe1: {  	_ =	swait.ge [sflag:s24], $0x2000  }
0xe2: {  	[sflag:s24] =	ssyncset.done $0x0  }
0xe3: {  	[sflag:s24] =	ssyncadd.s32 $0xFFFFE000  }
0xe4: {  	_ =	swait.ge [sflag:s24], $0x1200  }
0xe5: {  	[sflag:s24] =	ssyncset.done $0x0  }
0xe6: {  	s21 =	simm.s32 $0xEE40;
	[sflag:s24] =	ssyncadd.s32 $0xFFFFEE00  }
0xe7: {  	s31 =	simm.s32 $0x2640;
	s26 =	sadd.s32 $0x1F4, s26;
	_ =	swait.ge [sflag:s24], $0x2000  }
0xe8: {  	s28 =	sadd.s32 $0x1900, s20;
	s4 =	simm.s32 $0xC8;
	[sflag:s24] =	ssyncset.done $0x0  }
0xe9: {  	s5 =	simm.s32 $0x3840;
	s6 =	simm.s32 $0x148;
	[sflag:s24] =	ssyncadd.s32 $0xFFFFE000  }
0xea: {  	s7 =	simm.s32 $0x5840;
	s8 =	simm.s32 $0x190;
	_ =	swait.ge [sflag:s24], $0x1200  }
0xeb: {  	s9 =	simm.s32 $0x6A40;
	s10 =	simm.s32 $0x210;
	[sflag:s24] =	ssyncset.done $0x0  }
0xec: {  	s11 =	simm.s32 $0x8A40;
	s12 =	simm.s32 $0x258;
	[sflag:s24] =	ssyncadd.s32 $0xFFFFEE00  }
0xed: {  	[hbm4b:s28+s2] =	stream.linear.scatter [tilespmem:s0], [sflag:$0x4], $0xC800, $0x38;
	[tilespmem:$0x19640] =	vst v63  }
0xee: {  	s13 =	simm.s32 $0x9C40;
	s18 =	simm.s32 $0x2D8;
	s19 =	simm.s32 $0xBC40  }
0xef: {  	[tilespmem:s1], [sflag:$0x5] =	stream.linear.gather [hbm4b:s26+s2], $0x320, $0x38;
	[tilespmem:$0x19640] =	vst v63  }
0xf0: {  	s28 =	smov.u32 s20;
	s26 =	simm.s32 $0xC8;
	_ =	swait.ge [sflag:s14], $0x320  }
.LBB2_2:
0xf1: {  	[sflag:s14] =	ssyncset.done $0x0  }
0xf2: {  	[sflag:s14] =	ssyncadd.s32 $0xFFFFFCE0  }
0xf3: {  	_ =	swait.ge [sflag:s25], $0xC800  }
0xf4: {  	[sflag:s25] =	ssyncset.done $0x0  }
0xf5: {  	[sflag:s25] =	ssyncadd.s32 $0xFFFF3800  }
0xf6: {  	[tilespmem:s0], [sflag:$0x2] =	stream.indirect.gather [hbm4b:s3+s15], $0x40, s1, s15, $0xb8;
	[tilespmem:$0x19640] =	vst v63  }
0xf7: {  	s20 =	simm.s32 $0x3A0  }
0xf8: {  	[tilespmem:s21], [sflag:$0x2] =	stream.indirect.gather [hbm4b:s3+s17], $0x40, s20, s17, $0xb8;
	[tilespmem:$0x19640] =	vst v63  }
0xf9: {  	s30 =	simm.s32 $0x3E8;
	s20 =	simm.s32 $0x10040  }
0xfa: {  	[tilespmem:s20], [sflag:$0x2] =	stream.indirect.gather [hbm4b:s3+s15], $0x40, s30, s15, $0xb8;
	[tilespmem:$0x19640] =	vst v63  }
0xfb: {  	s20 =	simm.s32 $0x468;
	s30 =	simm.s32 $0x12040  }
0xfc: {  	[tilespmem:s30], [sflag:$0x2] =	stream.indirect.gather [hbm4b:s3+s17], $0x40, s20, s17, $0xb8;
	[tilespmem:$0x19640] =	vst v63  }
0xfd: {  	s20 =	simm.s32 $0x4B0;
	s30 =	simm.s32 $0x13240  }
0xfe: {  	[tilespmem:s30], [sflag:$0x2] =	stream.indirect.gather [hbm4b:s3+s15], $0x40, s20, s15, $0xb8;
	[tilespmem:$0x19640] =	vst v63  }
0xff: {  	s20 =	simm.s32 $0x530;
	s30 =	simm.s32 $0x15240  }
0x100: {  	[tilespmem:s30], [sflag:$0x2] =	stream.indirect.gather [hbm4b:s3+s17], $0x40, s20, s17, $0xb8;
	[tilespmem:$0x19640] =	vst v63  }
0x101: {  	s20 =	simm.s32 $0x578;
	s30 =	simm.s32 $0x16440  }
0x102: {  	[tilespmem:s30], [sflag:$0x2] =	stream.indirect.gather [hbm4b:s3+s15], $0x40, s20, s15, $0xb8;
	[tilespmem:$0x19640] =	vst v63  }
0x103: {  	s20 =	simm.s32 $0x5F8;
	s30 =	simm.s32 $0x18440  }
0x104: {  	[tilespmem:s30], [sflag:$0x2] =	stream.indirect.gather [hbm4b:s3+s17], $0x40, s20, s17, $0xb8;
	[tilespmem:$0x19640] =	vst v63  }
0x105: {  	_ =	swait.ge [sflag:s22], $0x2000  }
0x106: {  	[sflag:s22] =	ssyncset.done $0x0  }
0x107: {  	[sflag:s22] =	ssyncadd.s32 $0xFFFFE000  }
0x108: {  	_ =	swait.ge [sflag:s22], $0x1200  }
0x109: {  	[sflag:s22] =	ssyncset.done $0x0  }
0x10a: {  	[sflag:s22] =	ssyncadd.s32 $0xFFFFEE00  }
0x10b: {  	_ =	swait.ge [sflag:s22], $0x2000  }
0x10c: {  	[sflag:s22] =	ssyncset.done $0x0  }
0x10d: {  	[sflag:s22] =	ssyncadd.s32 $0xFFFFE000  }
0x10e: {  	_ =	swait.ge [sflag:s22], $0x1200  }
0x10f: {  	[sflag:s22] =	ssyncset.done $0x0  }
0x110: {  	[sflag:s22] =	ssyncadd.s32 $0xFFFFEE00  }
0x111: {  	_ =	swait.ge [sflag:s22], $0x2000  }
0x112: {  	[sflag:s22] =	ssyncset.done $0x0  }
0x113: {  	[sflag:s22] =	ssyncadd.s32 $0xFFFFE000  }
0x114: {  	_ =	swait.ge [sflag:s22], $0x1200  }
0x115: {  	[sflag:s22] =	ssyncset.done $0x0  }
0x116: {  	[sflag:s22] =	ssyncadd.s32 $0xFFFFEE00  }
0x117: {  	_ =	swait.ge [sflag:s22], $0x2000  }
0x118: {  	[sflag:s22] =	ssyncset.done $0x0  }
0x119: {  	[sflag:s22] =	ssyncadd.s32 $0xFFFFE000  }
0x11a: {  	_ =	swait.ge [sflag:s22], $0x1200  }
0x11b: {  	s29 =	smov.u32 s26;
	[sflag:s22] =	ssyncset.done $0x0;
	s20 =	rddreg [dreg:$0x3]  }
0x11c: {  	s28 =	sadd.s32 $0x3200, s28;
	[sflag:s22] =	ssyncadd.s32 $0xFFFFEE00;
	s29 =	sadd.s32 s29, s20  }
0x11d: {  	[hbm4b:s28+s2] =	stream.linear.scatter [tilespmem:s16], [sflag:$0x3], $0xC800, $0x38;
	[tilespmem:$0x19640] =	vst v63  }
0x11e: {  	s30 =	sadd.s32 $0x190, s29  }
0x11f: {  	[tilespmem:s2], [sflag:$0x5] =	stream.linear.gather [hbm4b:s30+s2], $0x320, $0x38;
	[tilespmem:$0x19640] =	vst v63  }
0x120: {  	_ =	swait.ge [sflag:s14], $0x320  }
0x121: {  	[sflag:s14] =	ssyncset.done $0x0  }
0x122: {  	[sflag:s14] =	ssyncadd.s32 $0xFFFFFCE0  }
0x123: {  	_ =	swait.ge [sflag:s23], $0xC800  }
0x124: {  	[sflag:s23] =	ssyncset.done $0x0  }
0x125: {  	[sflag:s23] =	ssyncadd.s32 $0xFFFF3800  }
0x126: {  	[tilespmem:s16], [sflag:$0x1] =	stream.indirect.gather [hbm4b:s3+s15], $0x40, s2, s15, $0xb8;
	[tilespmem:$0x19640] =	vst v63  }
0x127: {  	_ = 	snop  }
0x128: {  	[tilespmem:s31], [sflag:$0x1] =	stream.indirect.gather [hbm4b:s3+s17], $0x40, s15, s17, $0xb8;
	[tilespmem:$0x19640] =	vst v63  }
0x129: {  	_ = 	snop  }
0x12a: {  	[tilespmem:s5], [sflag:$0x1] =	stream.indirect.gather [hbm4b:s3+s15], $0x40, s4, s15, $0xb8;
	[tilespmem:$0x19640] =	vst v63  }
0x12b: {  	_ = 	snop  }
0x12c: {  	[tilespmem:s7], [sflag:$0x1] =	stream.indirect.gather [hbm4b:s3+s17], $0x40, s6, s17, $0xb8;
	[tilespmem:$0x19640] =	vst v63  }
0x12d: {  	_ = 	snop  }
0x12e: {  	[tilespmem:s9], [sflag:$0x1] =	stream.indirect.gather [hbm4b:s3+s15], $0x40, s8, s15, $0xb8;
	[tilespmem:$0x19640] =	vst v63  }
0x12f: {  	_ = 	snop  }
0x130: {  	[tilespmem:s11], [sflag:$0x1] =	stream.indirect.gather [hbm4b:s3+s17], $0x40, s10, s17, $0xb8;
	[tilespmem:$0x19640] =	vst v63  }
0x131: {  	_ = 	snop  }
0x132: {  	[tilespmem:s13], [sflag:$0x1] =	stream.indirect.gather [hbm4b:s3+s15], $0x40, s12, s15, $0xb8;
	[tilespmem:$0x19640] =	vst v63  }
0x133: {  	_ = 	snop  }
0x134: {  	[tilespmem:s19], [sflag:$0x1] =	stream.indirect.gather [hbm4b:s3+s17], $0x40, s18, s17, $0xb8;
	[tilespmem:$0x19640] =	vst v63  }
0x135: {  	_ =	swait.ge [sflag:s24], $0x2000  }
0x136: {  	[sflag:s24] =	ssyncset.done $0x0  }
0x137: {  	[sflag:s24] =	ssyncadd.s32 $0xFFFFE000  }
0x138: {  	_ =	swait.ge [sflag:s24], $0x1200  }
0x139: {  	[sflag:s24] =	ssyncset.done $0x0  }
0x13a: {  	[sflag:s24] =	ssyncadd.s32 $0xFFFFEE00  }
0x13b: {  	_ =	swait.ge [sflag:s24], $0x2000  }
0x13c: {  	[sflag:s24] =	ssyncset.done $0x0  }
0x13d: {  	[sflag:s24] =	ssyncadd.s32 $0xFFFFE000  }
0x13e: {  	_ =	swait.ge [sflag:s24], $0x1200  }
0x13f: {  	[sflag:s24] =	ssyncset.done $0x0  }
0x140: {  	[sflag:s24] =	ssyncadd.s32 $0xFFFFEE00  }
0x141: {  	_ =	swait.ge [sflag:s24], $0x2000  }
0x142: {  	[sflag:s24] =	ssyncset.done $0x0  }
0x143: {  	[sflag:s24] =	ssyncadd.s32 $0xFFFFE000  }
0x144: {  	_ =	swait.ge [sflag:s24], $0x1200  }
0x145: {  	[sflag:s24] =	ssyncset.done $0x0  }
0x146: {  	[sflag:s24] =	ssyncadd.s32 $0xFFFFEE00  }
0x147: {  	_ =	swait.ge [sflag:s24], $0x2000  }
0x148: {  	[sflag:s24] =	ssyncset.done $0x0  }
0x149: {  	[sflag:s24] =	ssyncadd.s32 $0xFFFFE000  }
0x14a: {  	_ =	swait.ge [sflag:s24], $0x1200  }
0x14b: {  	p0 =	sne.s32 s26, $0xA28;
	[sflag:s24] =	ssyncset.done $0x0  }
.Ltmp0:
0x14c: {  	s20 =	sadd.s32 $0x1900, s28;
	[sflag:s24] =	ssyncadd.s32 $0xFFFFEE00;
	(pc) =	sbr.rel @p0 .LBB2_2-.Ltmp0, $4  }
0x14d: {  	[hbm4b:s20+s2] =	stream.linear.scatter [tilespmem:s0], [sflag:$0x4], $0xC800, $0x38;
	[tilespmem:$0x19640] =	vst v63  }
0x14e: {  	s29 =	sadd.s32 $0x1F4, s29  }
0x14f: {  	[tilespmem:s1], [sflag:$0x5] =	stream.linear.gather [hbm4b:s29+s2], $0x320, $0x38;
	[tilespmem:$0x19640] =	vst v63  }
0x150: {  	s26 =	sadd.s32 $0xC8, s26;
	_ =	swait.ge [sflag:s14], $0x320  }
0x151: {  	[sflag:s14] =	ssyncset.done $0x0  }
0x152: {  	[sflag:s14] =	ssyncadd.s32 $0xFFFFFCE0  }
0x153: {  	_ =	swait.ge [sflag:s25], $0xC800  }
0x154: {  	[sflag:s25] =	ssyncset.done $0x0  }
0x155: {  	[sflag:s25] =	ssyncadd.s32 $0xFFFF3800  }
0x156: {  	[tilespmem:s0], [sflag:$0x2] =	stream.indirect.gather [hbm4b:s3+s15], $0x40, s1, s15, $0xb8;
	[tilespmem:$0x19640] =	vst v63  }
0x157: {  	s4 =	simm.s32 $0x3A0  }
0x158: {  	[tilespmem:s21], [sflag:$0x2] =	stream.indirect.gather [hbm4b:s3+s17], $0x40, s4, s17, $0xb8;
	[tilespmem:$0x19640] =	vst v63  }
0x159: {  	s9 =	simm.s32 $0x3E8;
	s5 =	simm.s32 $0x10040  }
0x15a: {  	[tilespmem:s5], [sflag:$0x2] =	stream.indirect.gather [hbm4b:s3+s15], $0x40, s9, s15, $0xb8;
	[tilespmem:$0x19640] =	vst v63  }
0x15b: {  	s10 =	simm.s32 $0x468;
	s11 =	simm.s32 $0x12040  }
0x15c: {  	[tilespmem:s11], [sflag:$0x2] =	stream.indirect.gather [hbm4b:s3+s17], $0x40, s10, s17, $0xb8;
	[tilespmem:$0x19640] =	vst v63  }
0x15d: {  	s12 =	simm.s32 $0x4B0;
	s13 =	simm.s32 $0x13240  }
0x15e: {  	[tilespmem:s13], [sflag:$0x2] =	stream.indirect.gather [hbm4b:s3+s15], $0x40, s12, s15, $0xb8;
	[tilespmem:$0x19640] =	vst v63  }
0x15f: {  	s18 =	simm.s32 $0x530;
	s19 =	simm.s32 $0x15240  }
0x160: {  	[tilespmem:s19], [sflag:$0x2] =	stream.indirect.gather [hbm4b:s3+s17], $0x40, s18, s17, $0xb8;
	[tilespmem:$0x19640] =	vst v63  }
0x161: {  	s20 =	simm.s32 $0x578;
	s21 =	simm.s32 $0x16440  }
0x162: {  	[tilespmem:s21], [sflag:$0x2] =	stream.indirect.gather [hbm4b:s3+s15], $0x40, s20, s15, $0xb8;
	[tilespmem:$0x19640] =	vst v63  }
0x163: {  	s26 =	simm.s32 $0x5F8;
	s28 =	simm.s32 $0x18440  }
0x164: {  	[tilespmem:s28], [sflag:$0x2] =	stream.indirect.gather [hbm4b:s3+s17], $0x40, s26, s17, $0xb8;
	[tilespmem:$0x19640] =	vst v63  }
0x165: {  	_ =	swait.ge [sflag:s22], $0x2000  }
0x166: {  	[sflag:s22] =	ssyncset.done $0x0  }
0x167: {  	[sflag:s22] =	ssyncadd.s32 $0xFFFFE000  }
0x168: {  	_ =	swait.ge [sflag:s22], $0x1200  }
0x169: {  	[sflag:s22] =	ssyncset.done $0x0  }
0x16a: {  	[sflag:s22] =	ssyncadd.s32 $0xFFFFEE00  }
0x16b: {  	_ =	swait.ge [sflag:s22], $0x2000  }
0x16c: {  	[sflag:s22] =	ssyncset.done $0x0  }
0x16d: {  	[sflag:s22] =	ssyncadd.s32 $0xFFFFE000  }
0x16e: {  	_ =	swait.ge [sflag:s22], $0x1200  }
0x16f: {  	[sflag:s22] =	ssyncset.done $0x0  }
0x170: {  	[sflag:s22] =	ssyncadd.s32 $0xFFFFEE00  }
0x171: {  	_ =	swait.ge [sflag:s22], $0x2000  }
0x172: {  	[sflag:s22] =	ssyncset.done $0x0  }
0x173: {  	[sflag:s22] =	ssyncadd.s32 $0xFFFFE000  }
0x174: {  	_ =	swait.ge [sflag:s22], $0x1200  }
0x175: {  	[sflag:s22] =	ssyncset.done $0x0  }
0x176: {  	[sflag:s22] =	ssyncadd.s32 $0xFFFFEE00  }
0x177: {  	_ =	swait.ge [sflag:s22], $0x2000  }
0x178: {  	[sflag:s22] =	ssyncset.done $0x0  }
0x179: {  	[sflag:s22] =	ssyncadd.s32 $0xFFFFE000  }
0x17a: {  	_ =	swait.ge [sflag:s22], $0x1200  }
0x17b: {  	[sflag:s22] =	ssyncset.done $0x0  }
0x17c: {  	s26 =	rddreg [dreg:$0xa];
	[sflag:s22] =	ssyncadd.s32 $0xFFFFEE00  }
0x17d: {  	[hbm4b:s26+s2] =	stream.linear.scatter [tilespmem:s16], [sflag:$0x3], $0xC800, $0x38;
	[tilespmem:$0x19640] =	vst v63  }
0x17e: {  	_ =	swait.ge [sflag:s24], $0x2000  }
0x17f: {  	[sflag:s24] =	ssyncset.done $0x0  }
0x180: {  	[sflag:s24] =	ssyncadd.s32 $0xFFFFE000  }
0x181: {  	_ =	swait.ge [sflag:s24], $0x1200  }
0x182: {  	[sflag:s24] =	ssyncset.done $0x0  }
0x183: {  	[sflag:s24] =	ssyncadd.s32 $0xFFFFEE00  }
0x184: {  	_ =	swait.ge [sflag:s24], $0x2000  }
0x185: {  	[sflag:s24] =	ssyncset.done $0x0  }
0x186: {  	[sflag:s24] =	ssyncadd.s32 $0xFFFFE000  }
0x187: {  	_ =	swait.ge [sflag:s24], $0x1200  }
0x188: {  	[sflag:s24] =	ssyncset.done $0x0  }
0x189: {  	[sflag:s24] =	ssyncadd.s32 $0xFFFFEE00  }
0x18a: {  	_ =	swait.ge [sflag:s24], $0x2000  }
0x18b: {  	[sflag:s24] =	ssyncset.done $0x0  }
0x18c: {  	[sflag:s24] =	ssyncadd.s32 $0xFFFFE000  }
0x18d: {  	_ =	swait.ge [sflag:s24], $0x1200  }
0x18e: {  	[sflag:s24] =	ssyncset.done $0x0  }
0x18f: {  	[sflag:s24] =	ssyncadd.s32 $0xFFFFEE00  }
0x190: {  	_ =	swait.ge [sflag:s24], $0x2000  }
0x191: {  	[sflag:s24] =	ssyncset.done $0x0  }
0x192: {  	[sflag:s24] =	ssyncadd.s32 $0xFFFFE000  }
0x193: {  	_ =	swait.ge [sflag:s24], $0x1200  }
0x194: {  	[sflag:s24] =	ssyncset.done $0x0  }
0x195: {  	s29 =	rddreg [dreg:$0xb];
	[sflag:s24] =	ssyncadd.s32 $0xFFFFEE00  }
0x196: {  	[hbm4b:s29+s2] =	stream.linear.scatter [tilespmem:s0], [sflag:$0x4], $0xC800, $0x38;
	[tilespmem:$0x19640] =	vst v63  }
0x197: {  	_ =	swait.ge [sflag:s23], $0xC800  }
0x198: {  	[sflag:s23] =	ssyncset.done $0x0  }
0x199: {  	[sflag:s23] =	ssyncadd.s32 $0xFFFF3800  }
0x19a: {  	_ =	swait.ge [sflag:s25], $0xC800  }
0x19b: {  	s20 =	rddreg [dreg:$0xe]  }
0x19c: {  	s31 =	rddreg [dreg:$0xc];
	s20 =	sadd.s32 $0x1, s20  }
0x19d: {  	s30 =	simm.s32 $0x2640;
	p0 =	sne.s32 s20, s31  }
.Ltmp1:
0x19e: {  	s6 =	simm.s32 $0x148;
	s7 =	simm.s32 $0x5840;
	(pc) =	sbr.rel @p0 .LBB2_1-.Ltmp1, $4  }
0x19f: {  	s8 =	simm.s32 $0x190;
	s4 =	simm.s32 $0xC8;
	s5 =	simm.s32 $0x3840  }
0x1a0: {  	s9 =	simm.s32 $0x6A40;
	s10 =	simm.s32 $0x210;
	s11 =	simm.s32 $0x8A40  }
0x1a1: {  	s12 =	simm.s32 $0x258;
	s13 =	simm.s32 $0x9C40;
	[sflag:s25] =	ssyncset.done $0x0  }
0x1a2: {  	s18 =	simm.s32 $0x2D8;
	s19 =	simm.s32 $0xBC40;
	[sflag:s25] =	ssyncadd.s32 $0xFFFF3800  }
0x1a3: {  	_ =	sfence.sel $0x180000  }
0x1a4: {  	[bflag:$0x0] =	sbarrier.arrive $0xFFFF  }
0x1a5: {  	_ =	strace $0x90000047  }
0x1a6: {  	s0 =	stileid.u32;
	[bflag:$0x2] =	sbarrier.arrive $0xFFFF  }
0x1a7: {  	p0 =	sne.s32 s0, $0x0;
	s0 =	rddreg [dreg:$0x2]  }
0x1a8: {  	s0 =	sadd.s32 @!p0 $0x100000, s0  }
0x1a9: {  	[sflag:s0] =	ssyncadd.tile.s32 @!p0 $0x1;
	_ =	shalt  }
.Lfunc_end2:
_tile_overlayer_lowered:
.L_overlay_start_2:
0x1aa: {  	(tag) =	ssettag $0x2  }
0x1ab: {  	s0 =	rddreg [dreg:$0x0];
	s2 =	stileid.u32  }
0x1ac: {  	s1 =	rddreg [dreg:$0x1];
	p0 =	sne.s32 s2, $0x0  }
0x1ad: {  	s3 =	rddreg [dreg:$0x2];
	[bflag:$0x3] =	sbarrier.arrive $0xFFFF;
	s2 =	simm.s32 @!p0 $0x1C05  }
0x1ae: {  	[timem:s3], [sflag:s2] =	dma.local @!p0 [hbm:s0], s1  }
0x1af: {  	s0 =	simm.s32 @!p0 $0x5  }
0x1b0: {  	_ =	swait.ge @!p0 [sflag:s0], s1  }
0x1b1: {  	s1 =	ssub.s32 @!p0 $0x0, s1;
	[sflag:s0] =	ssyncset.done @!p0 $0x0  }
0x1b2: {  	[sflag:s0] =	ssyncadd.s32 @!p0 s1  }
0x1b3: {  	[bflag:$0x3] =	sbarrier.arrive $0xFFFF  }
0x1b4: {  	_ =	shalt  }

// kernel: sparse-core-data-format-call.cloned.1.call-start
scs
called_computation_lowered:
.L_overlay_start_0:
0x0: {  	s2 =	sld [smem:$0x3FD9]  }
0x1: {  	s3 =	sld [smem:$0x3FFE];
	_ =	sdelay $0x1  }
0x2: {  	s1 =	srdreg.scid  }
0x3: {  	s0 =	sand.u32 $0x1, s1  }
0x4: {  	s18 =	sshll.u32 s0, $0xA;
	s2 =	sadd.s32 s3, s2  }
0x5: {  	s2 =	sadd.s32 s2, s18  }
0x6: {  	[smem:$0x3FC6] =	sst s2  }
0x7: {  	_ = 	snop  }
0x8: {  	s2 =	sld [smem:$0x3FD0];
	(tm) =	ssettm $0x1  }
0x9: {  	s19 =	sld [smem:$0x3FFB];
	_ =	sdelay $0x3  }
0xa: {  	_ =	strace s19  }
0xb: {  	s3 =	sld [smem:$0x3FFC];
	_ =	sdelay $0x3  }
0xc: {  	_ =	strace s3  }
0xd: {  	s3 =	sld [smem:$0x3FFD];
	_ =	sdelay $0x3  }
0xe: {  	_ =	strace s3  }
0xf: {  	_ =	strace $0x8FFFFFFF  }
0x10: {  	s20 =	sld [smem:$0x3FDB];
	_ =	sdelay $0x1  }
0x11: {  	s4 =	simm.s32 $_scs_section_size  }
0x12: {  	s5 =	simm.s32 $_size__tile_overlayer_lowered;
	s6 =	simm.s32 $_tile_overlayer_lowered  }
0x13: {  	s23 =	simm.s32 $0x1BFF;
	s22 =	sshll.u32 s6, $0x1;
	s3 =	sadd.s32 s4, s20  }
0x14: {  	s7 =	simm.s32 $0x0;
	s21 =	sshll.u32 s5, $0x1;
	s5 =	sadd.s32 s22, s3  }
0x15: {  	[timem:s7], [sflag:s23] =	dma.local [hbm:s5], s21  }
0x16: {  	_ =	swait.ge [sflag:s23], s21  }
0x17: {  	s4 =	ssub.s32 $0x0, s21;
	[sflag:s23] =	ssyncset.done $0x0  }
0x18: {  	[sflag:s23] =	ssyncadd.s32 s4;
	_ =	sdelay $0x1  }
0x19: {  	s24 =	simm.s32 $0x1B8B  }
0x1a: {  	_ =	swait.ge [sflag:s24], $0x1  }
0x1b: {  	[sflag:s24] =	ssyncset.done $0x0  }
0x1c: {  	s26 =	simm.s32 $0x1B8E;
	s25 =	sld [smem:$0x3FFE];
	[sflag:s24] =	ssyncadd.s32 $0xFFFFFFFF  }
0x1d: {  	s27 =	simm.s32 $execute0_lowered;
	[smem:$0x3FD2] =	sst s26  }
0x1e: {  	s5 =	sshll.u32 s27, $0x1;
	_ =	strace $0x80000049;
	[dreg:$0x1] =	wrdreg $0xFFFFFFFF  }
0x1f: {  	s28 =	simm.s32 $_size_execute0_lowered;
	s3 =	sadd.s32 s3, s5;
	[dreg:$0x0] =	wrdreg $0x0  }
0x20: {  	s5 =	sshll.u32 s28, $0x1;
	[dreg:$0x2] =	wrdreg s3  }
0x21: {  	[dreg:$0x3] =	wrdreg s5  }
0x22: {  	[dreg:$0x4] =	wrdreg $0xC0  }
0x23: {  	_ =	task [dreg:s7], $0x5FFFF  }
0x24: {  	[dreg:$0x1] =	wrdreg $0xFFFFFFFF  }
0x25: {  	[dreg:$0x0] =	wrdreg $0x60  }
0x26: {  	[dreg:$0x2] =	wrdreg s25  }
0x27: {  	[dreg:$0x3] =	wrdreg s2  }
0x28: {  	[dreg:$0x4] =	wrdreg $0x9  }
0x29: {  	_ =	task.clear_ibuf [dreg:s7], $0x5FFFF;
	_ =	strace $0x90000049  }
0x2a: {  	s29 =	simm.s32 $0x9;
	_ =	strace $0x8000004B  }
0x2b: {  	_ =	swait.ge [sflag:s29], $0x1  }
0x2c: {  	[sflag:s29] =	ssyncadd.s32 $0xFFFFFFFF  }
0x2d: {  	_ =	strace $0x9000004B  }
0x2e: {  	_ =	sfence  }
0x2f: {  	s30 =	sld [smem:$0x0];
	_ =	sdelay $0x2  }
0x30: {  	s31 =	sshll.u32 s1, $0xD;
	s1 =	sshrl.u32 s1, $0x2  }
0x31: {  	s3 =	sand.u32 $0x4000, s31;
	s1 =	sadd.s32 s1, s30  }
0x32: {  	s0 =	sor.u32 s3, s0;
	s1 =	sshll.u32 s1, $0x11  }
0x33: {  	s0 =	sor.u32 s1, s0  }
0x34: {  	s0 =	sadd.s32 $0x8F2B, s0  }
0x35: {  	[sflag:s0] =	ssyncadd.remote.s32 $0x1  }
0x36: {  	_ =	sfence.sel $0xFFFF  }
0x37: {  	[dreg:$0x0] =	wrdreg $0xFFFFFFFF;
	(pc) =	sbr.abs _section_cstart, $3  }
0x38: {  	[dreg:$0x1] =	wrdreg $0xFFFFFFFF  }
0x39: {  	_ =	task.clear_ibuf [dreg:s7], $0x2FFFF;
	_ =	strace $0x9FFFFFFF  }
0x3a: {  	(tm) =	ssettm $0x7FFFFFFF  }
0x3b: {  	_ =	shalt  }
tec
execute0_lowered:
.L_overlay_start_1:
0x0: {  	(tag) =	ssettag $0x1  }
0x1: {  	s0 =	srdreg.scid  }
0x2: {  	s1 =	sshll.u32 s0, $0x4  }
0x3: {  	s0 =	stileid.u32;
	s1 =	sand.u32 $0x10, s1  }
0x4: {  	s1 =	sor.u32 s0, s1  }
0x5: {  	s6 =	rddreg [dreg:$0x0];
	s4 =	simm.s32 $0x1;
	s2 =	sshll.u32 s1, $0x7  }
0x6: {  	s7 =	simm.s32 $0x2;
	s12 =	simm.s32 $0x0;
	s1 =	ssub.s32 $0x1000, s2  }
0x7: {  	s8 =	simm.s32 $0x8000;
	s13 =	simm.s32 $0x0;
	s3 =	sand.u32 $0xF80, s1  }
0x8: {  	s9 =	simm.s32 $0x0;
	s5 =	sshrl.u32 s1, $0xC;
	p0 =	sne.s32 s3, $0x0  }
.Ltmp0:
0x9: {  	s1 =	rddreg [dreg:$0x2];
	s4 =	simm.s32 @!p0 $0x0;
	(pc) =	sbr.rel .LBB1_1-.Ltmp0, $4  }
0xa: {  	s11 =	simm.s32 $0x0;
	s3 =	rddreg [dreg:$0x1];
	s5 =	sadd.s32 s4, s5  }
0xb: {  	_ =	strace $0x8000004A;
	s4 =	simm.s32 $0x1;
	s5 =	smul.u32 $0xC8, s5  }
0xc: {  	s6 =	sadd.s32 $0x800, s6;
	s10 =	smov.u32 s2;
	[sflag:s4] =	ssyncpa.u1 $0x0  }
0xd: {  	p0 =	por $0x0, $0x0;
	[sflag:s7] =	ssyncpa.u1 $0x0;
	s7 =	sor.u32 $0x1, s5  }
.LBB1_4:
0xe: {  	s16 =	sshll.u32 s13, $0x3;
	s17 =	sand.u32 $0x78, s13  }
0xf: {  	s30 =	sand.u32 $0x7E00, s13;
	s12 =	sshll.u32 s12, $0xF;
	s16 =	sand.u32 $0xC00, s16  }
0x10: {  	[tilespmem:s15+$0x810 ss:$0x81] =	vst.msk $0xffff, v2;
	s31 =	sand.u32 $0x7, s13;
	s16 =	sor.u32 s17, s16;
	s17 =	sadd.s32 s3, s30  }
0x11: {  	[tilespmem:s15+$0x1020 ss:$0x81] =	vst.msk $0xffff, v0;
	s13 =	sshll.u32 s31, $0x12;
	s12 =	sadd.s32 s12, s17;
	s16 =	sshrl.u32 s16, $0x3  }
0x12: {  	[tilespmem:s15+$0x0 ss:$0x81] =	vst.msk $0xffff, v1;
	s13 =	sor.u32 $0x400, s13;
	s12 =	sadd.s32 s16, s12  }
0x13: {  	[hbm4b:s12+s13] =	stream.strided.scatter [tilespmem:s14], [sflag:$0x2], $0x2000, s8, s13, $0x20;
	[tilespmem:$0x8080] =	vst v63  }
.LBB1_5:
0x14: {  	s14 =	sadd.s32 $0x1, s9  }
0x15: {  	s12 =	sadd.s32 $0x1000, s10;
	s16 =	smov.u32 s10;
	p2 =	sgt.s32 s14, $0xC7  }
0x16: {  	s16 =	smov.u32 @p2 s12  }
0x17: {  	s14 =	simm.s32 @p2 $0x0;
	p2 =	sgt.s32 s16, $0xFFF  }
0x18: {  	s16 =	smov.u32 @p2 s2;
	p2 =	sne.s32 s11, s7  }
.Ltmp1:
0x19: {  	p1 =	slt.u32 s11, $0x2;
	(pc) =	sbr.rel @!p2 .LBB1_6-.Ltmp1, $4  }
0x1a: {  	s15 =	simm.s32 @!p1 $0x2  }
0x1b: {  	s13 =	smov.u32 s10;
	p0 =	por !p0, !p0;
	_ =	swait.ge @!p1 [sflag:s15], $0x2000  }
0x1c: {  	s12 =	smov.u32 s9;
	[sflag:s15] =	ssyncset.done @!p1 $0x0;
	s9 =	smov.u32 s14  }
0x1d: {  	s11 =	sadd.s32 $0x1, s11;
	[sflag:s15] =	ssyncadd.s32 @!p1 $0xFFFFE000;
	s10 =	smov.u32 s16  }
.LBB1_1:
0x1e: {  	p1 =	sge.u32 s11, s5  }
0x1f: {  	s14 =	sand.u32 @!p1 $0x1FFFFFF, s9  }
0x20: {  	s15 =	smulhi.u32 @!p1 $0x147AE15, s14;
	_ =	sdelay $0x1  }
0x21: {  	s15 =	smul.u32 @!p1 $0xC8, s15  }
0x22: {  	s16 =	sxor.u32 @!p1 $0xFFFFFFFF, s11;
	s17 =	smul.u32 @!p1 $0xC80, s10  }
0x23: {  	s31 =	sadd.s32 $0xFFFFFFFF, s11;
	s16 =	sshll.u32 @!p1 s16, $0xD;
	s14 =	ssub.s32 @!p1 s14, s15  }
0x24: {  	s15 =	sand.u32 @!p1 $0x2000, s16;
	s16 =	sadd.s32 @!p1 s6, s17;
	s14 =	sshll.u32 @!p1 s14, $0x4  }
0x25: {  	s17 =	simm.s32 @!p1 $0x6400;
	s14 =	sadd.s32 @!p1 s14, s16;
	s16 =	simm.s32 @!p1 $0x40  }
0x26: {  	[tilespmem:s15], [sflag:$0x1] =	stream.strided.gather @!p1 [hbm4b:s14+s16], $0x2000, s17, s16, $0x38;
	[tilespmem:$0x8080] =	vst v63  }
0x27: {  	p1 =	sge.u32 s31, s5  }
.Ltmp2:
0x28: {  	_ = 	snop;
	(pc) =	sbr.rel @p1 .LBB1_5-.Ltmp2, $1  }
0x29: {  	_ =	sdelay $0x3  }
0x2a: {  	s14 =	simm.s32 $0x1  }
0x2b: {  	_ =	swait.ge [sflag:s4], $0x2000;
	s14 =	simm.s32 @!p0 $0x0  }
0x2c: {  	[sflag:s4] =	ssyncset.done $0x0;
	s15 =	sshll.u32 s14, $0xD  }
0x2d: {  	[sflag:s4] =	ssyncadd.s32 $0xFFFFE000;
	s18 =	sor.u32 $0x20, s15  }
0x2e: {  	s14 =	smul.u32 $0x8100, s14;
	v3 =	vld [tilespmem:s18+$0x10]  }
0x2f: {  	s30 =	sand.u32 $0x1, s11;
	v2 =	vld [tilespmem:s18+$0xFFFFFFF0]  }
0x30: {  	s15 =	smul.u32 $0x8100, s30;
	s14 =	sshrl.u32 s14, $0x2;
	v0 =	vld [tilespmem:s18+$0x0]  }
0x31: {  	v1 =	vld [tilespmem:s18+$0xFFFFFFE0];
	s16 =	sor.u32 $0x4000, s14  }
0x32: {  	s31 =	sshrl.u32 s15, $0x2;
	s15 =	sadd.s32 $0x0, s16  }
0x33: {  	s17 =	simm.s32 $0x4;
	s18 =	sadd.s32 $0x40, s18;
	s14 =	sor.u32 $0x4000, s31;
	[tilespmem:s15+$0x1830 ss:$0x81] =	vst.msk $0xffff, v3  }
.LBB1_3:
0x34: {  	v3 =	vld [tilespmem:s18+$0x10];
	p1 =	sne.s32 s17, $0x1FC;
	[tilespmem:s15+$0x810 ss:$0x81] =	vst.msk $0xffff, v2;
	s19 =	smov.u32 s17;
	s17 =	sadd.s32 $0x4, s17  }
.Ltmp3:
0x35: {  	v2 =	vld [tilespmem:s18+$0xFFFFFFF0];
	[tilespmem:s15+$0x1020 ss:$0x81] =	vst.msk $0xffff, v0;
	(pc) =	sbr.rel @p1 .LBB1_3-.Ltmp3, $4  }
0x36: {  	v0 =	vld [tilespmem:s18+$0x0];
	[tilespmem:s15+$0x0 ss:$0x81] =	vst.msk $0xffff, v1  }
0x37: {  	s15 =	sshra.s32 s19, $0x2;
	v1 =	vld [tilespmem:s18+$0xFFFFFFE0]  }
0x38: {  	s15 =	sadd.s32 s15, s16  }
0x39: {  	s18 =	sadd.s32 $0x40, s18;
	[tilespmem:s15+$0x1830 ss:$0x81] =	vst.msk $0xffff, v3  }
.Ltmp4:
0x3a: {  	_ = 	snop;
	(pc) =	sbr.rel .LBB1_4-.Ltmp4, $1  }
0x3b: {  	_ =	sdelay $0x3  }
.LBB1_6:
0x3c: {  	_ =	sfence.sel $0x180000  }
0x3d: {  	s2 =	simm.s32 $0x1;
	[bflag:$0x0] =	sbarrier.arrive $0xFFFF  }
0x3e: {  	s31 =	simm.s32 $0x2;
	[sflag:s2] =	ssyncpa.u1 $0x1  }
0x3f: {  	[sflag:s31] =	ssyncpa.u1 $0x1  }
0x40: {  	p0 =	sne.s32 s0, $0x0;
	_ =	strace $0x9000004A  }
0x41: {  	s0 =	sadd.s32 @!p0 $0x100000, s1;
	[bflag:$0x2] =	sbarrier.arrive $0xFFFF  }
0x42: {  	[sflag:s0] =	ssyncadd.tile.s32 @!p0 $0x1;
	_ =	shalt  }
.Lfunc_end1:
_tile_overlayer_lowered:
.L_overlay_start_2:
0x43: {  	(tag) =	ssettag $0x2  }
0x44: {  	s0 =	rddreg [dreg:$0x0];
	s2 =	stileid.u32  }
0x45: {  	s1 =	rddreg [dreg:$0x1];
	p0 =	sne.s32 s2, $0x0  }
0x46: {  	s3 =	rddreg [dreg:$0x2];
	[bflag:$0x3] =	sbarrier.arrive $0xFFFF;
	s2 =	simm.s32 @!p0 $0x1C01  }
0x47: {  	[timem:s3], [sflag:s2] =	dma.local @!p0 [hbm:s0], s1  }
0x48: {  	s0 =	simm.s32 @!p0 $0x1  }
0x49: {  	_ =	swait.ge @!p0 [sflag:s0], s1  }
0x4a: {  	s1 =	ssub.s32 @!p0 $0x0, s1;
	[sflag:s0] =	ssyncset.done @!p0 $0x0  }
0x4b: {  	[sflag:s0] =	ssyncadd.s32 @!p0 s1  }
0x4c: {  	[bflag:$0x3] =	sbarrier.arrive $0xFFFF  }
0x4d: {  	_ =	shalt  }

</sc_bundles>
